<compile_context>
chip_gen: v7x
topology: tpu7x:2x2x1
jax: 0.10.2.dev20260603
libtpu: 0.0.44.dev20260713+nightly
codegen_flags: <defaults>
</compile_context>

<pallas_src>
import functools

import jax
import jax.numpy as jnp
from jax import lax
from jax.experimental import pallas as pl
from jax.experimental.pallas import tpu as pltpu
from jax.experimental.pallas import tpu_sc as plsc

_B, _C, _H, _W = 8, 3, 512, 512
_HW = _H * _W
_ONE_BITS = 0x3F800000
_NB = 1024
_PART = _HW // 4
_NVEC = _PART // 16
_CAP = 32
_CBUF = 16 * _CAP
_LBUF = 4 * _CBUF
_LVEC = _LBUF // 16


def _lane(vec, j):
    return jnp.sum(jnp.where(lax.iota(jnp.int32, 16) == j, vec, 0))


def _sc_body(u_hbm, topk_hbm, out_hbm, data_v, hist2_v, hist4_v, merged_v,
             cbits_v, cidx_v, lbits_v, lidx_v, topk_v, outvec_v,
             sh_hist, sh_bstar, sh_bits, sh_idx, data_sem):
    c = lax.axis_index("c")
    s = lax.axis_index("s")
    il = s // 4
    p = s % 4
    img = c * 4 + il
    lanes = lax.iota(jnp.int32, 16)

    pltpu.sync_copy(topk_hbm, topk_v)
    k = _lane(topk_v[...], img)

    data_cp = pltpu.async_copy(
        u_hbm.at[img, pl.ds(p * (_H // 4), _H // 4)], data_v, data_sem)

    zeros16 = jnp.zeros((16,), jnp.int32)
    _U = 8

    @plsc.parallel_loop(0, 16 * _NB // 16, unroll=_U)
    def _zero(j):
        hist2_v[pl.ds(j * 16, 16)] = zeros16

    data_cp.wait()

    ones16 = jnp.ones((16,), jnp.int32)
    lane_base = lanes * _NB

    @plsc.parallel_loop(0, _NVEC, unroll=_U)
    def _hist(j):
        u = data_v[j // (_W // 16), pl.ds((j % (_W // 16)) * 16, 16)]
        bkt = jnp.minimum((u * float(_NB)).astype(jnp.int32), _NB - 1)
        plsc.addupdate_scatter(hist2_v, [lane_base + bkt], ones16)

    @plsc.parallel_loop(0, _NB // 16, unroll=2)
    def _merge(j):
        acc = hist2_v[pl.ds(j * 16, 16)]
        for l in range(1, 16):
            acc = acc + hist2_v[pl.ds(l * _NB + j * 16, 16)]
        merged_v[pl.ds(j * 16, 16)] = acc

    pltpu.sync_copy(merged_v, sh_hist.at[il, p])

    neg16 = jnp.full((16,), -1, jnp.int32)

    @plsc.parallel_loop(0, _CBUF // 16, unroll=2)
    def _prefill(j):
        cbits_v[pl.ds(j * 16, 16)] = neg16

    plsc.subcore_barrier()

    @pl.when(p == 0)
    def _leader_bucket():
        for q in range(4):
            pltpu.sync_copy(sh_hist.at[il, q], hist4_v.at[q])

        def _scan(i, st):
            found, bstar, cabove, carry = st
            jj = _NB // 16 - 1 - i
            vec = hist4_v[0, pl.ds(jj * 16, 16)]
            for q in range(1, 4):
                vec = vec + hist4_v[q, pl.ds(jj * 16, 16)]
            csum = plsc.cumsum(vec)
            total = jnp.sum(vec)
            above = (carry + total) - csum
            cond = (above < k) & (above + vec >= k) & (found == 0)
            hit = jnp.sum(cond.astype(jnp.int32)) > 0
            lane_hit = jnp.sum(jnp.where(cond, lanes, 0))
            return (jnp.where(hit, 1, found),
                    jnp.where(hit, jj * 16 + lane_hit, bstar),
                    jnp.where(hit, jnp.sum(jnp.where(cond, above, 0)), cabove),
                    carry + total)

        _, bstar, cabove, _ = lax.fori_loop(
            0, _NB // 16, _scan,
            (jnp.int32(0), jnp.int32(0), jnp.int32(0), jnp.int32(0)))
        outvec_v[...] = jnp.where(lanes == 0, bstar,
                                  jnp.where(lanes == 1, cabove, 0))
        pltpu.sync_copy(outvec_v, sh_bstar.at[il])

    plsc.subcore_barrier()

    pltpu.sync_copy(sh_bstar.at[il], outvec_v)
    bvec = outvec_v[...]
    bstar = _lane(bvec, 0)
    cabove = _lane(bvec, 1)

    idx_base = p * _PART + lanes

    @plsc.parallel_loop(0, _NVEC, unroll=_U, carry=jnp.zeros((16,), jnp.int32))
    def _cand(j, cl):
        u = data_v[j // (_W // 16), pl.ds((j % (_W // 16)) * 16, 16)]
        ub = plsc.bitcast(u, jnp.int32)
        bkt = jnp.minimum((u * float(_NB)).astype(jnp.int32), _NB - 1)
        mask = (bkt == bstar) & (cl < _CAP)
        slot = lanes * _CAP + cl
        plsc.store_scatter(cbits_v, [slot], ub, mask=mask)
        plsc.store_scatter(cidx_v, [slot], idx_base + j * 16, mask=mask)
        return cl + jnp.where(mask, 1, 0)

    pltpu.sync_copy(cbits_v, sh_bits.at[il, p])
    pltpu.sync_copy(cidx_v, sh_idx.at[il, p])
    plsc.subcore_barrier()

    @pl.when(p == 0)
    def _leader_refine():
        for q in range(4):
            pltpu.sync_copy(sh_bits.at[il, q],
                            lbits_v.at[pl.ds(q * _CBUF, _CBUF)])
            pltpu.sync_copy(sh_idx.at[il, q],
                            lidx_v.at[pl.ds(q * _CBUF, _CBUF)])
        kprime = k - cabove

        def _count_gt(mid):
            @plsc.parallel_loop(0, _LVEC, unroll=_U, carry=zeros16)
            def _cc(j, acc):
                v = lbits_v[pl.ds(j * 16, 16)]
                return acc + jnp.where(v > mid, 1, 0)

            return jnp.sum(_cc)

        lo0 = lax.bitcast_convert_type(
            jnp.maximum(bstar - 1, 0).astype(jnp.float32) * (1.0 / _NB),
            jnp.int32) - 1
        hi0 = lax.bitcast_convert_type(
            (bstar + 1).astype(jnp.float32) * (1.0 / _NB), jnp.int32)

        def _vstep(st):
            lo, hi, cnt_hi = st
            mid = lo + (hi - lo) // 2
            cnt = _count_gt(mid)
            pred = cnt < kprime
            return (jnp.where(pred, lo, mid),
                    jnp.where(pred, mid, hi),
                    jnp.where(pred, cnt, cnt_hi))

        _, t, cgt = lax.while_loop(lambda st: st[1] - st[0] > 1, _vstep,
                                   (lo0, hi0, jnp.int32(0)))
        extra = kprime - cgt
        tie_total = _count_gt(t - 1) - cgt
        lo_i = jnp.where(tie_total == extra,
                         jnp.int32(_HW - 2), jnp.int32(-1))

        def _istep(st):
            lo, hi = st
            mid = lo + (hi - lo) // 2

            @plsc.parallel_loop(0, _LVEC, unroll=_U, carry=zeros16)
            def _cc(j, acc):
                v = lbits_v[pl.ds(j * 16, 16)]
                ix = lidx_v[pl.ds(j * 16, 16)]
                return acc + jnp.where((v == t) & (ix <= mid), 1, 0)

            cnt = jnp.sum(_cc)
            pred = cnt >= extra
            return jnp.where(pred, lo, mid), jnp.where(pred, mid, hi)

        _, m = lax.while_loop(lambda st: st[1] - st[0] > 1, _istep,
                              (lo_i, jnp.int32(_HW - 1)))

        outvec_v[...] = jnp.where(lanes == 0, t, jnp.where(lanes == 1, m, 0))
        pltpu.sync_copy(outvec_v, out_hbm.at[img])


_sc_topk = functools.partial(
    pl.kernel,
    mesh=plsc.VectorSubcoreMesh(core_axis_name="c", subcore_axis_name="s"),
    out_type=jax.ShapeDtypeStruct((_B, 16), jnp.int32),
    compiler_params=pltpu.CompilerParams(needs_layout_passes=False),
    scratch_types=[
        pltpu.VMEM((_H // 4, _W), jnp.float32),
        pltpu.VMEM((16 * _NB,), jnp.int32),
        pltpu.VMEM((4, _NB), jnp.int32),
        pltpu.VMEM((_NB,), jnp.int32),
        pltpu.VMEM((_CBUF,), jnp.int32),
        pltpu.VMEM((_CBUF,), jnp.int32),
        pltpu.VMEM((_LBUF,), jnp.int32),
        pltpu.VMEM((_LBUF,), jnp.int32),
        pltpu.VMEM((16,), jnp.int32),
        pltpu.VMEM((16,), jnp.int32),
        pltpu.VMEM_SHARED((4, 4, _NB), jnp.int32),
        pltpu.VMEM_SHARED((4, 16), jnp.int32),
        pltpu.VMEM_SHARED((4, 4, _CBUF), jnp.int32),
        pltpu.VMEM_SHARED((4, 4, _CBUF), jnp.int32),
        pltpu.SemaphoreType.DMA,
    ],
)(_sc_body)


def _tc_nll_body(x_ref, tgt_ref, nll_ref, acc_ref):
    b = pl.program_id(0)

    @pl.when(b == 0)
    def _init():
        acc_ref[0, 0] = 0.0

    x0 = x_ref[0, 0]
    x1 = x_ref[0, 1]
    x2 = x_ref[0, 2]
    tgt = tgt_ref[0]
    mx = jnp.maximum(x0, jnp.maximum(x1, x2))
    se = jnp.exp(x0 - mx) + jnp.exp(x1 - mx) + jnp.exp(x2 - mx)
    lse = jnp.log(se) + mx
    xt = jnp.where(tgt == 0, x0, x1)
    nll = jnp.where(tgt < 2, lse - xt, 0.0)
    nll_ref[0] = nll.astype(jnp.bfloat16)
    acc_ref[0, 0] += jnp.sum(nll)


def _tc_fg_body(topk_ref, num_unary_ref, tm_ref, bg_ref, nll_ref, u_ref,
                out_ref):
    b = pl.program_id(0)

    @pl.when(b == 0)
    def _init():
        out_ref[0, 0] = 0.0
        out_ref[0, 1] = 0.0

    bits = lax.bitcast_convert_type(u_ref[0], jnp.int32)
    t = tm_ref[b, 0]
    m = tm_ref[b, 1]
    idxmat = (lax.broadcasted_iota(jnp.int32, (_H, _W), 0) * _W
              + lax.broadcasted_iota(jnp.int32, (_H, _W), 1))
    fg_mask = (bits > t) | ((bits == t) & (idxmat <= m))
    nll = nll_ref[0].astype(jnp.float32)
    out_ref[0, 0] += jnp.sum(jnp.where(fg_mask, nll, 0.0))

    @pl.when(b == _B - 1)
    def _fin():
        s_nu = lax.fori_loop(
            0, _B, lambda i, a: a + num_unary_ref[i], jnp.int32(0))
        s_tk = lax.fori_loop(
            0, _B, lambda i, a: a + topk_ref[i], jnp.int32(0))
        denom_bg = (jnp.int32(_B * _HW) - s_nu + 1).astype(jnp.float32)
        out_ref[0, 1] = 0.5 * (bg_ref[0, 0] / denom_bg
                               + out_ref[0, 0] / s_tk.astype(jnp.float32))


def kernel(inputs, targets, unarys, topk, num_unary):
    nll, bg = pl.pallas_call(
        _tc_nll_body,
        grid=(_B,),
        in_specs=[
            pl.BlockSpec((1, _C, _H, _W), lambda b: (b, 0, 0, 0)),
            pl.BlockSpec((1, _H, _W), lambda b: (b, 0, 0)),
        ],
        out_specs=[
            pl.BlockSpec((1, _H, _W), lambda b: (b, 0, 0)),
            pl.BlockSpec(memory_space=pltpu.SMEM),
        ],
        out_shape=[
            jax.ShapeDtypeStruct((_B, _H, _W), jnp.bfloat16),
            jax.ShapeDtypeStruct((1, 1), jnp.float32),
        ],
    )(inputs, targets)
    tm = _sc_topk(unarys,
                  jnp.concatenate([topk, jnp.zeros((8,), jnp.int32)]))
    out = pl.pallas_call(
        _tc_fg_body,
        grid=(_B,),
        in_specs=[
            pl.BlockSpec(memory_space=pltpu.SMEM),
            pl.BlockSpec(memory_space=pltpu.SMEM),
            pl.BlockSpec(memory_space=pltpu.SMEM),
            pl.BlockSpec(memory_space=pltpu.SMEM),
            pl.BlockSpec((1, _H, _W), lambda b: (b, 0, 0)),
            pl.BlockSpec((1, _H, _W), lambda b: (b, 0, 0)),
        ],
        out_specs=pl.BlockSpec(memory_space=pltpu.SMEM),
        out_shape=jax.ShapeDtypeStruct((1, 2), jnp.float32),
    )(topk, num_unary, tm, bg, nll, unarys)
    return out[0, 1]

# --- scband reference (transcript-rebuilt; emitter-appended) ---
"""Pipeline reference for scband-top-kseg-loss-32031866094283 (READ-ONLY COPY).

The authoritative reference and input builder live on the scoring server;
editing this copy changes nothing except your own understanding.
"""

import jax, jax.numpy as jnp
import numpy as np

B, C, H, W = 8, 3, 512, 512

def setup_inputs(seed: int = 0) -> dict:
    key = jax.random.key(seed)
    k1, k2, k3, k4, k5 = jax.random.split(key, 5)
    inputs = jax.random.normal(k1, (B, C, H, W), dtype=jnp.float32)
    targets = jax.random.randint(k2, (B, H, W), 0, 3, dtype=jnp.int32)
    unarys = jax.random.uniform(k3, (B, H, W), dtype=jnp.float32)
    topk = jax.random.randint(k4, (B,), 1, 20000, dtype=jnp.int32)
    num_unary = jax.random.randint(k5, (B,), 0, 50000, dtype=jnp.int32)
    return {"inputs": inputs, "targets": targets, "unarys": unarys, "topk": topk, "num_unary": num_unary}

def _ce_sum(logits2d, tgt1d, mask=None):
    # CrossEntropyLoss(ignore_index=-1, reduction='sum'); logits2d: [N, C], tgt1d: [N]
    logp = jax.nn.log_softmax(logits2d, axis=-1)
    valid = tgt1d >= 0
    if mask is not None:
        valid = valid & mask
    safe = jnp.where(valid, tgt1d, 0)
    nll = -jnp.take_along_axis(logp, safe[:, None], axis=-1)[:, 0]
    return jnp.sum(jnp.where(valid, nll, 0.0))

def reference(inputs, targets, unarys, topk, num_unary):
    b, c, h, w = inputs.shape
    # targets_bg = targets (aliasing): in-place ignore of class 2; num_classes == 3 so no class-3 branch
    targets = jnp.where(targets == 2, -1, targets)
    logits_flat = jnp.transpose(inputs.reshape(b, c, h * w), (0, 2, 1)).reshape(-1, c)
    loss_bg = _ce_sum(logits_flat, targets.reshape(-1)) / (b * h * w - jnp.sum(num_unary) + 1)
    loss_fg = jnp.float32(0.0)
    for i in range(b):
        _, indices = jax.lax.top_k(unarys[i].reshape(-1), h * w)
        anchor = inputs[i].reshape(c, -1)[:, indices]  # [c, h*w]
        targets_fg = targets[i].reshape(-1)[indices]
        pos_mask = jnp.arange(h * w) < topk[i]
        loss_fg = loss_fg + _ce_sum(anchor.T, targets_fg, pos_mask)
    loss_fg = loss_fg / jnp.sum(topk)
    return (loss_bg + loss_fg) / 2

if __name__ == "__main__":
    import jax
    _d = setup_inputs()
    print(jax.jit(kernel)(*tuple(_d.values())))

</pallas_src>

<mosaic_0001>
#map = affine_map<(d0, d1) -> (0, 0, 0)>
#map1 = affine_map<(d0, d1) -> (0)>
#map2 = affine_map<(d0, d1) -> (0, 0)>
module attributes {stable_mosaic.version = 14 : i64} {
  func.func @_sc_body(%arg0: i32, %arg1: i32, %arg2: memref<8x512x512xf32, #tpu.memory_space<hbm>>, %arg3: memref<16xi32, #tpu.memory_space<hbm>>, %arg4: memref<8x16xi32, #tpu.memory_space<hbm>>, %arg5: memref<128x512xf32, #tpu.memory_space<vmem>>, %arg6: memref<16384xi32, #tpu.memory_space<vmem>>, %arg7: memref<4x1024xi32, #tpu.memory_space<vmem>>, %arg8: memref<1024xi32, #tpu.memory_space<vmem>>, %arg9: memref<512xi32, #tpu.memory_space<vmem>>, %arg10: memref<512xi32, #tpu.memory_space<vmem>>, %arg11: memref<2048xi32, #tpu.memory_space<vmem>>, %arg12: memref<2048xi32, #tpu.memory_space<vmem>>, %arg13: memref<16xi32, #tpu.memory_space<vmem>>, %arg14: memref<16xi32, #tpu.memory_space<vmem>>, %arg15: memref<4x4x1024xi32, #tpu.memory_space<vmem_shared>>, %arg16: memref<4x16xi32, #tpu.memory_space<vmem_shared>>, %arg17: memref<4x4x512xi32, #tpu.memory_space<vmem_shared>>, %arg18: memref<4x4x512xi32, #tpu.memory_space<vmem_shared>>, %arg19: memref<!tpu.dma_semaphore, #tpu.memory_space<semaphore_mem>>) attributes {dimension_semantics = [#tpu.dimension_semantics<core_parallel>, #tpu.dimension_semantics<subcore_parallel>], iteration_bounds = array<i64: 2, 16>, scalar_prefetch = 0 : i64, scratch_operands = 15 : i64, tpu.core_type = #tpu.core_type<sc_vector_subcore>, window_params = [{transform_indices = #map}, {transform_indices = #map1}, {transform_indices = #map2}]} {
    %jit3A = arith.constant 4 : i32
    %div3A = arith.divsi %arg1, %jit3A : i32
    %sign3A = arith.constant 0 : i32
    %sign3A_0 = arith.cmpi sgt, %arg1, %sign3A : i32
    %sign3A_1 = arith.extui %sign3A_0 : i1 to i32
    %sign3A_2 = arith.constant 0 : i32
    %sign3A_3 = arith.cmpi slt, %arg1, %sign3A_2 : i32
    %sign3A_4 = arith.extui %sign3A_3 : i1 to i32
    %sign3A_5 = arith.subi %sign3A_1, %sign3A_4 : i32
    %sign3A_6 = arith.constant 0 : i32
    %sign3A_7 = arith.cmpi sgt, %jit3A, %sign3A_6 : i32
    %sign3A_8 = arith.extui %sign3A_7 : i1 to i32
    %sign3A_9 = arith.constant 0 : i32
    %sign3A_10 = arith.cmpi slt, %jit3A, %sign3A_9 : i32
    %sign3A_11 = arith.extui %sign3A_10 : i1 to i32
    %sign3A_12 = arith.subi %sign3A_8, %sign3A_11 : i32
    %ne3A = arith.cmpi ne, %sign3A_5, %sign3A_12 : i32
    %rem3A = arith.remsi %arg1, %jit3A : i32
    %ne3A_13 = arith.constant 0 : i32
    %ne3A_14 = arith.cmpi ne, %rem3A, %ne3A_13 : i32
    %and3A = arith.andi %ne3A, %ne3A_14 : i1
    %sub3A = arith.constant 1 : i32
    %sub3A_15 = arith.subi %div3A, %sub3A : i32
    %select_n3A = arith.select %and3A, %sub3A_15, %div3A : i32
    %jit3A_16 = arith.constant 4 : i32
    %eq3A = arith.constant 0 : i32
    %eq3A_17 = arith.cmpi eq, %jit3A_16, %eq3A : i32
    %jit3A_18 = arith.constant 1 : i32
    %select_n3A_19 = arith.select %eq3A_17, %jit3A_18, %jit3A_16 : i32
    %rem3A_20 = arith.remsi %arg1, %select_n3A_19 : i32
    %ne3A_21 = arith.constant 0 : i32
    %ne3A_22 = arith.cmpi ne, %rem3A_20, %ne3A_21 : i32
    %lt3A = arith.constant 0 : i32
    %lt3A_23 = arith.cmpi slt, %rem3A_20, %lt3A : i32
    %lt3A_24 = arith.constant 0 : i32
    %lt3A_25 = arith.cmpi slt, %select_n3A_19, %lt3A_24 : i32
    %ne3A_26 = arith.xori %lt3A_23, %lt3A_25 : i1
    %and3A_27 = arith.andi %ne3A_26, %ne3A_22 : i1
    %add3A = arith.addi %rem3A_20, %select_n3A_19 : i32
    %select_n3A_28 = arith.select %and3A_27, %add3A, %rem3A_20 : i32
    %mul3A = arith.constant 4 : i32
    %mul3A_29 = arith.muli %arg0, %mul3A : i32
    %add3A_30 = arith.addi %mul3A_29, %select_n3A : i32
    %iota3A = tpu.iota {dimensions = array<i32: 0>} : vector<16xi32>
    "tpu.region"() ({
      %run_scoped3A = tpu.sem_alloc : memref<!tpu.dma_semaphore, #tpu.memory_space<semaphore_mem>>
      tpu.enqueue_dma source(%arg3 : memref<16xi32, #tpu.memory_space<hbm>>) target(%arg13 : memref<16xi32, #tpu.memory_space<vmem>>) target_semaphore(%run_scoped3A : memref<!tpu.dma_semaphore, #tpu.memory_space<semaphore_mem>>)
      tpu.wait_dma2 semaphore(%run_scoped3A : memref<!tpu.dma_semaphore, #tpu.memory_space<semaphore_mem>>) src(%arg3 : memref<16xi32, #tpu.memory_space<hbm>>) dst(%arg13 : memref<16xi32, #tpu.memory_space<vmem>>)
      tpu.yield
    }) : () -> ()
    %get3A = arith.constant 0 : index
    %get3A_31 = tpu.vector_load %arg13[%get3A] {strides = array<i32>} : memref<16xi32, #tpu.memory_space<vmem>>, vector<16xi32>,
    %iota3A_32 = tpu.iota {dimensions = array<i32: 0>} : vector<16xi32>
    %eq3A_33 = vector.broadcast %add3A_30 : i32 to vector<16xi32>
    %eq3A_34 = arith.cmpi eq, %iota3A_32, %eq3A_33 : vector<16xi32>
    %jit3A_35 = arith.constant 0 : i32
    %broadcast_in_dim3A = vector.broadcast %jit3A_35 : i32 to vector<16xi32>
    %select_n3A_36 = arith.select %eq3A_34, %get3A_31, %broadcast_in_dim3A : vector<16xi1>, vector<16xi32>
    %reduce_sum3A = arith.constant true
    %reduce_sum3A_37 = vector.broadcast %reduce_sum3A : i1 to vector<16xi1>
    %reduce_sum3A_38 = tpu.scan <sum>, %select_n3A_36 masked %reduce_sum3A_37 : vector<16xi32>, vector<16xi1> -> vector<16xi32>
    %reduce_sum3A_39 = vector.extract %reduce_sum3A_38[15] : i32 from vector<16xi32>
    %mul3A_40 = arith.constant 128 : i32
    %mul3A_41 = arith.muli %select_n3A_28, %mul3A_40 : i32
    %dma_start3A = arith.constant 0 : i32
    %dma_start3A_42 = tpu.memref_slice %arg2[%add3A_30, %mul3A_41, %dma_start3A] : memref<8x512x512xf32, #tpu.memory_space<hbm>> -> memref<1x128x512xf32, #tpu.memory_space<hbm>>
    %dma_start3A_43 = tpu.memref_squeeze %dma_start3A_42 : memref<1x128x512xf32, #tpu.memory_space<hbm>> -> memref<128x512xf32, #tpu.memory_space<hbm>>
    %dma_start3A_44 = arith.constant 0 : i32
    %dma_start3A_45 = tpu.memref_slice %arg2[%add3A_30, %mul3A_41, %dma_start3A_44] : memref<8x512x512xf32, #tpu.memory_space<hbm>> -> memref<1x128x512xf32, #tpu.memory_space<hbm>>
    %dma_start3A_46 = tpu.memref_squeeze %dma_start3A_45 : memref<1x128x512xf32, #tpu.memory_space<hbm>> -> memref<128x512xf32, #tpu.memory_space<hbm>>
    tpu.enqueue_dma source(%dma_start3A_46 : memref<128x512xf32, #tpu.memory_space<hbm>>) target(%arg5 : memref<128x512xf32, #tpu.memory_space<vmem>>) target_semaphore(%arg19 : memref<!tpu.dma_semaphore, #tpu.memory_space<semaphore_mem>>)
    %broadcast_in_dim3A_47 = arith.constant 0 : i32
    %broadcast_in_dim3A_48 = vector.broadcast %broadcast_in_dim3A_47 : i32 to vector<16xi32>
    %parallel_loop3A = arith.constant 0 : i32
    %parallel_loop3A_49 = arith.constant 1024 : i32
    %parallel_loop3A_50 = arith.constant 1 : i32
    scf.for %parallel_loop3A_116 = %parallel_loop3A to %parallel_loop3A_49 step %parallel_loop3A_50  : i32 {
      %parallel_loop3A_117 = arith.constant 16 : i32
      %parallel_loop3A_118 = arith.muli %parallel_loop3A_116, %parallel_loop3A_117 : i32
      %parallel_loop3A_119 = arith.index_cast %parallel_loop3A_118 : i32 to index
      %parallel_loop3A_120 = tpu.vector_load %arg6[%parallel_loop3A_119] {strides = array<i32>} : memref<16384xi32, #tpu.memory_space<vmem>>, vector<16xi32>,
      tpu.vector_store %arg6[%parallel_loop3A_119], %broadcast_in_dim3A_48 {strides = array<i32>} : memref<16384xi32, #tpu.memory_space<vmem>>, vector<16xi32>,
    } {sc.loop_unroll_factor = 8 : i64, sc.parallel_access}
    %dma_wait3A = arith.constant 0 : i32
    %dma_wait3A_51 = tpu.memref_slice %arg2[%add3A_30, %mul3A_41, %dma_wait3A] : memref<8x512x512xf32, #tpu.memory_space<hbm>> -> memref<1x128x512xf32, #tpu.memory_space<hbm>>
    %dma_wait3A_52 = tpu.memref_squeeze %dma_wait3A_51 : memref<1x128x512xf32, #tpu.memory_space<hbm>> -> memref<128x512xf32, #tpu.memory_space<hbm>>
    %dma_wait3A_53 = arith.constant 0 : i32
    %dma_wait3A_54 = tpu.memref_slice %arg2[%add3A_30, %mul3A_41, %dma_wait3A_53] : memref<8x512x512xf32, #tpu.memory_space<hbm>> -> memref<1x128x512xf32, #tpu.memory_space<hbm>>
    %dma_wait3A_55 = tpu.memref_squeeze %dma_wait3A_54 : memref<1x128x512xf32, #tpu.memory_space<hbm>> -> memref<128x512xf32, #tpu.memory_space<hbm>>
    tpu.wait_dma2 semaphore(%arg19 : memref<!tpu.dma_semaphore, #tpu.memory_space<semaphore_mem>>) src(%dma_wait3A_55 : memref<128x512xf32, #tpu.memory_space<hbm>>) dst(%arg5 : memref<128x512xf32, #tpu.memory_space<vmem>>)
    %broadcast_in_dim3A_56 = arith.constant 1 : i32
    %broadcast_in_dim3A_57 = vector.broadcast %broadcast_in_dim3A_56 : i32 to vector<16xi32>
    %mul3A_58 = arith.constant 1024 : i32
    %mul3A_59 = vector.broadcast %mul3A_58 : i32 to vector<16xi32>
    %mul3A_60 = arith.muli %iota3A, %mul3A_59 : vector<16xi32>
    %parallel_loop3A_61 = arith.constant 0 : i32
    %parallel_loop3A_62 = arith.constant 4096 : i32
    %parallel_loop3A_63 = arith.constant 1 : i32
    scf.for %parallel_loop3A_116 = %parallel_loop3A_61 to %parallel_loop3A_62 step %parallel_loop3A_63  : i32 {
      %parallel_loop3A_117 = arith.constant 32 : i32
      %parallel_loop3A_118 = arith.divsi %parallel_loop3A_116, %parallel_loop3A_117 : i32
      %parallel_loop3A_119 = arith.constant 0 : i32
      %parallel_loop3A_120 = arith.cmpi sgt, %parallel_loop3A_116, %parallel_loop3A_119 : i32
      %parallel_loop3A_121 = arith.extui %parallel_loop3A_120 : i1 to i32
      %parallel_loop3A_122 = arith.constant 0 : i32
      %parallel_loop3A_123 = arith.cmpi slt, %parallel_loop3A_116, %parallel_loop3A_122 : i32
      %parallel_loop3A_124 = arith.extui %parallel_loop3A_123 : i1 to i32
      %parallel_loop3A_125 = arith.subi %parallel_loop3A_121, %parallel_loop3A_124 : i32
      %parallel_loop3A_126 = arith.constant 0 : i32
      %parallel_loop3A_127 = arith.cmpi sgt, %parallel_loop3A_117, %parallel_loop3A_126 : i32
      %parallel_loop3A_128 = arith.extui %parallel_loop3A_127 : i1 to i32
      %parallel_loop3A_129 = arith.constant 0 : i32
      %parallel_loop3A_130 = arith.cmpi slt, %parallel_loop3A_117, %parallel_loop3A_129 : i32
      %parallel_loop3A_131 = arith.extui %parallel_loop3A_130 : i1 to i32
      %parallel_loop3A_132 = arith.subi %parallel_loop3A_128, %parallel_loop3A_131 : i32
      %parallel_loop3A_133 = arith.cmpi ne, %parallel_loop3A_125, %parallel_loop3A_132 : i32
      %parallel_loop3A_134 = arith.remsi %parallel_loop3A_116, %parallel_loop3A_117 : i32
      %parallel_loop3A_135 = arith.constant 0 : i32
      %parallel_loop3A_136 = arith.cmpi ne, %parallel_loop3A_134, %parallel_loop3A_135 : i32
      %parallel_loop3A_137 = arith.andi %parallel_loop3A_133, %parallel_loop3A_136 : i1
      %parallel_loop3A_138 = arith.constant 1 : i32
      %parallel_loop3A_139 = arith.subi %parallel_loop3A_118, %parallel_loop3A_138 : i32
      %parallel_loop3A_140 = arith.select %parallel_loop3A_137, %parallel_loop3A_139, %parallel_loop3A_118 : i32
      %parallel_loop3A_141 = arith.constant 32 : i32
      %parallel_loop3A_142 = arith.constant 0 : i32
      %parallel_loop3A_143 = arith.cmpi eq, %parallel_loop3A_141, %parallel_loop3A_142 : i32
      %parallel_loop3A_144 = arith.constant 1 : i32
      %parallel_loop3A_145 = arith.select %parallel_loop3A_143, %parallel_loop3A_144, %parallel_loop3A_141 : i32
      %parallel_loop3A_146 = arith.remsi %parallel_loop3A_116, %parallel_loop3A_145 : i32
      %parallel_loop3A_147 = arith.constant 0 : i32
      %parallel_loop3A_148 = arith.cmpi ne, %parallel_loop3A_146, %parallel_loop3A_147 : i32
      %parallel_loop3A_149 = arith.constant 0 : i32
      %parallel_loop3A_150 = arith.cmpi slt, %parallel_loop3A_146, %parallel_loop3A_149 : i32
      %parallel_loop3A_151 = arith.constant 0 : i32
      %parallel_loop3A_152 = arith.cmpi slt, %parallel_loop3A_145, %parallel_loop3A_151 : i32
      %parallel_loop3A_153 = arith.xori %parallel_loop3A_150, %parallel_loop3A_152 : i1
      %parallel_loop3A_154 = arith.andi %parallel_loop3A_153, %parallel_loop3A_148 : i1
      %parallel_loop3A_155 = arith.addi %parallel_loop3A_146, %parallel_loop3A_145 : i32
      %parallel_loop3A_156 = arith.select %parallel_loop3A_154, %parallel_loop3A_155, %parallel_loop3A_146 : i32
      %parallel_loop3A_157 = arith.constant 16 : i32
      %parallel_loop3A_158 = arith.muli %parallel_loop3A_156, %parallel_loop3A_157 : i32
      %parallel_loop3A_159 = arith.index_cast %parallel_loop3A_140 : i32 to index
      %parallel_loop3A_160 = arith.index_cast %parallel_loop3A_158 : i32 to index
      %parallel_loop3A_161 = tpu.vector_load %arg5[%parallel_loop3A_159, %parallel_loop3A_160] {strides = array<i32>} : memref<128x512xf32, #tpu.memory_space<vmem>>, vector<16xf32>,
      %parallel_loop3A_162 = arith.constant 1.024000e+03 : f32
      %parallel_loop3A_163 = vector.broadcast %parallel_loop3A_162 : f32 to vector<16xf32>
      %parallel_loop3A_164 = arith.mulf %parallel_loop3A_161, %parallel_loop3A_163 : vector<16xf32>
      %parallel_loop3A_165 = arith.fptosi %parallel_loop3A_164 : vector<16xf32> to vector<16xi32>
      %parallel_loop3A_166 = arith.constant 1023 : i32
      %parallel_loop3A_167 = vector.broadcast %parallel_loop3A_166 : i32 to vector<16xi32>
      %parallel_loop3A_168 = arith.minsi %parallel_loop3A_165, %parallel_loop3A_167 : vector<16xi32>
      %parallel_loop3A_169 = arith.addi %mul3A_60, %parallel_loop3A_168 : vector<16xi32>
      tpu.vector_store_idx %arg6[%parallel_loop3A_169], %broadcast_in_dim3A_57 {add = true} : memref<16384xi32, #tpu.memory_space<vmem>>[vector<16xi32>], vector<16xi32>,
    } {sc.loop_unroll_factor = 8 : i64, sc.parallel_access}
    %parallel_loop3A_64 = arith.constant 0 : i32
    %parallel_loop3A_65 = arith.constant 64 : i32
    %parallel_loop3A_66 = arith.constant 1 : i32
    scf.for %parallel_loop3A_116 = %parallel_loop3A_64 to %parallel_loop3A_65 step %parallel_loop3A_66  : i32 {
      %parallel_loop3A_117 = arith.constant 16 : i32
      %parallel_loop3A_118 = arith.muli %parallel_loop3A_116, %parallel_loop3A_117 : i32
      %parallel_loop3A_119 = arith.index_cast %parallel_loop3A_118 : i32 to index
      %parallel_loop3A_120 = tpu.vector_load %arg6[%parallel_loop3A_119] {strides = array<i32>} : memref<16384xi32, #tpu.memory_space<vmem>>, vector<16xi32>,
      %parallel_loop3A_121 = arith.constant 16 : i32
      %parallel_loop3A_122 = arith.muli %parallel_loop3A_116, %parallel_loop3A_121 : i32
      %parallel_loop3A_123 = arith.constant 1024 : i32
      %parallel_loop3A_124 = arith.addi %parallel_loop3A_123, %parallel_loop3A_122 : i32
      %parallel_loop3A_125 = arith.index_cast %parallel_loop3A_124 : i32 to index
      %parallel_loop3A_126 = tpu.vector_load %arg6[%parallel_loop3A_125] {strides = array<i32>} : memref<16384xi32, #tpu.memory_space<vmem>>, vector<16xi32>,
      %parallel_loop3A_127 = arith.addi %parallel_loop3A_120, %parallel_loop3A_126 : vector<16xi32>
      %parallel_loop3A_128 = arith.constant 16 : i32
      %parallel_loop3A_129 = arith.muli %parallel_loop3A_116, %parallel_loop3A_128 : i32
      %parallel_loop3A_130 = arith.constant 2048 : i32
      %parallel_loop3A_131 = arith.addi %parallel_loop3A_130, %parallel_loop3A_129 : i32
      %parallel_loop3A_132 = arith.index_cast %parallel_loop3A_131 : i32 to index
      %parallel_loop3A_133 = tpu.vector_load %arg6[%parallel_loop3A_132] {strides = array<i32>} : memref<16384xi32, #tpu.memory_space<vmem>>, vector<16xi32>,
      %parallel_loop3A_134 = arith.addi %parallel_loop3A_127, %parallel_loop3A_133 : vector<16xi32>
      %parallel_loop3A_135 = arith.constant 16 : i32
      %parallel_loop3A_136 = arith.muli %parallel_loop3A_116, %parallel_loop3A_135 : i32
      %parallel_loop3A_137 = arith.constant 3072 : i32
      %parallel_loop3A_138 = arith.addi %parallel_loop3A_137, %parallel_loop3A_136 : i32
      %parallel_loop3A_139 = arith.index_cast %parallel_loop3A_138 : i32 to index
      %parallel_loop3A_140 = tpu.vector_load %arg6[%parallel_loop3A_139] {strides = array<i32>} : memref<16384xi32, #tpu.memory_space<vmem>>, vector<16xi32>,
      %parallel_loop3A_141 = arith.addi %parallel_loop3A_134, %parallel_loop3A_140 : vector<16xi32>
      %parallel_loop3A_142 = arith.constant 16 : i32
      %parallel_loop3A_143 = arith.muli %parallel_loop3A_116, %parallel_loop3A_142 : i32
      %parallel_loop3A_144 = arith.constant 4096 : i32
      %parallel_loop3A_145 = arith.addi %parallel_loop3A_144, %parallel_loop3A_143 : i32
      %parallel_loop3A_146 = arith.index_cast %parallel_loop3A_145 : i32 to index
      %parallel_loop3A_147 = tpu.vector_load %arg6[%parallel_loop3A_146] {strides = array<i32>} : memref<16384xi32, #tpu.memory_space<vmem>>, vector<16xi32>,
      %parallel_loop3A_148 = arith.addi %parallel_loop3A_141, %parallel_loop3A_147 : vector<16xi32>
      %parallel_loop3A_149 = arith.constant 16 : i32
      %parallel_loop3A_150 = arith.muli %parallel_loop3A_116, %parallel_loop3A_149 : i32
      %parallel_loop3A_151 = arith.constant 5120 : i32
      %parallel_loop3A_152 = arith.addi %parallel_loop3A_151, %parallel_loop3A_150 : i32
      %parallel_loop3A_153 = arith.index_cast %parallel_loop3A_152 : i32 to index
      %parallel_loop3A_154 = tpu.vector_load %arg6[%parallel_loop3A_153] {strides = array<i32>} : memref<16384xi32, #tpu.memory_space<vmem>>, vector<16xi32>,
      %parallel_loop3A_155 = arith.addi %parallel_loop3A_148, %parallel_loop3A_154 : vector<16xi32>
      %parallel_loop3A_156 = arith.constant 16 : i32
      %parallel_loop3A_157 = arith.muli %parallel_loop3A_116, %parallel_loop3A_156 : i32
      %parallel_loop3A_158 = arith.constant 6144 : i32
      %parallel_loop3A_159 = arith.addi %parallel_loop3A_158, %parallel_loop3A_157 : i32
      %parallel_loop3A_160 = arith.index_cast %parallel_loop3A_159 : i32 to index
      %parallel_loop3A_161 = tpu.vector_load %arg6[%parallel_loop3A_160] {strides = array<i32>} : memref<16384xi32, #tpu.memory_space<vmem>>, vector<16xi32>,
      %parallel_loop3A_162 = arith.addi %parallel_loop3A_155, %parallel_loop3A_161 : vector<16xi32>
      %parallel_loop3A_163 = arith.constant 16 : i32
      %parallel_loop3A_164 = arith.muli %parallel_loop3A_116, %parallel_loop3A_163 : i32
      %parallel_loop3A_165 = arith.constant 7168 : i32
      %parallel_loop3A_166 = arith.addi %parallel_loop3A_165, %parallel_loop3A_164 : i32
      %parallel_loop3A_167 = arith.index_cast %parallel_loop3A_166 : i32 to index
      %parallel_loop3A_168 = tpu.vector_load %arg6[%parallel_loop3A_167] {strides = array<i32>} : memref<16384xi32, #tpu.memory_space<vmem>>, vector<16xi32>,
      %parallel_loop3A_169 = arith.addi %parallel_loop3A_162, %parallel_loop3A_168 : vector<16xi32>
      %parallel_loop3A_170 = arith.constant 16 : i32
      %parallel_loop3A_171 = arith.muli %parallel_loop3A_116, %parallel_loop3A_170 : i32
      %parallel_loop3A_172 = arith.constant 8192 : i32
      %parallel_loop3A_173 = arith.addi %parallel_loop3A_172, %parallel_loop3A_171 : i32
      %parallel_loop3A_174 = arith.index_cast %parallel_loop3A_173 : i32 to index
      %parallel_loop3A_175 = tpu.vector_load %arg6[%parallel_loop3A_174] {strides = array<i32>} : memref<16384xi32, #tpu.memory_space<vmem>>, vector<16xi32>,
      %parallel_loop3A_176 = arith.addi %parallel_loop3A_169, %parallel_loop3A_175 : vector<16xi32>
      %parallel_loop3A_177 = arith.constant 16 : i32
      %parallel_loop3A_178 = arith.muli %parallel_loop3A_116, %parallel_loop3A_177 : i32
      %parallel_loop3A_179 = arith.constant 9216 : i32
      %parallel_loop3A_180 = arith.addi %parallel_loop3A_179, %parallel_loop3A_178 : i32
      %parallel_loop3A_181 = arith.index_cast %parallel_loop3A_180 : i32 to index
      %parallel_loop3A_182 = tpu.vector_load %arg6[%parallel_loop3A_181] {strides = array<i32>} : memref<16384xi32, #tpu.memory_space<vmem>>, vector<16xi32>,
      %parallel_loop3A_183 = arith.addi %parallel_loop3A_176, %parallel_loop3A_182 : vector<16xi32>
      %parallel_loop3A_184 = arith.constant 16 : i32
      %parallel_loop3A_185 = arith.muli %parallel_loop3A_116, %parallel_loop3A_184 : i32
      %parallel_loop3A_186 = arith.constant 10240 : i32
      %parallel_loop3A_187 = arith.addi %parallel_loop3A_186, %parallel_loop3A_185 : i32
      %parallel_loop3A_188 = arith.index_cast %parallel_loop3A_187 : i32 to index
      %parallel_loop3A_189 = tpu.vector_load %arg6[%parallel_loop3A_188] {strides = array<i32>} : memref<16384xi32, #tpu.memory_space<vmem>>, vector<16xi32>,
      %parallel_loop3A_190 = arith.addi %parallel_loop3A_183, %parallel_loop3A_189 : vector<16xi32>
      %parallel_loop3A_191 = arith.constant 16 : i32
      %parallel_loop3A_192 = arith.muli %parallel_loop3A_116, %parallel_loop3A_191 : i32
      %parallel_loop3A_193 = arith.constant 11264 : i32
      %parallel_loop3A_194 = arith.addi %parallel_loop3A_193, %parallel_loop3A_192 : i32
      %parallel_loop3A_195 = arith.index_cast %parallel_loop3A_194 : i32 to index
      %parallel_loop3A_196 = tpu.vector_load %arg6[%parallel_loop3A_195] {strides = array<i32>} : memref<16384xi32, #tpu.memory_space<vmem>>, vector<16xi32>,
      %parallel_loop3A_197 = arith.addi %parallel_loop3A_190, %parallel_loop3A_196 : vector<16xi32>
      %parallel_loop3A_198 = arith.constant 16 : i32
      %parallel_loop3A_199 = arith.muli %parallel_loop3A_116, %parallel_loop3A_198 : i32
      %parallel_loop3A_200 = arith.constant 12288 : i32
      %parallel_loop3A_201 = arith.addi %parallel_loop3A_200, %parallel_loop3A_199 : i32
      %parallel_loop3A_202 = arith.index_cast %parallel_loop3A_201 : i32 to index
      %parallel_loop3A_203 = tpu.vector_load %arg6[%parallel_loop3A_202] {strides = array<i32>} : memref<16384xi32, #tpu.memory_space<vmem>>, vector<16xi32>,
      %parallel_loop3A_204 = arith.addi %parallel_loop3A_197, %parallel_loop3A_203 : vector<16xi32>
      %parallel_loop3A_205 = arith.constant 16 : i32
      %parallel_loop3A_206 = arith.muli %parallel_loop3A_116, %parallel_loop3A_205 : i32
      %parallel_loop3A_207 = arith.constant 13312 : i32
      %parallel_loop3A_208 = arith.addi %parallel_loop3A_207, %parallel_loop3A_206 : i32
      %parallel_loop3A_209 = arith.index_cast %parallel_loop3A_208 : i32 to index
      %parallel_loop3A_210 = tpu.vector_load %arg6[%parallel_loop3A_209] {strides = array<i32>} : memref<16384xi32, #tpu.memory_space<vmem>>, vector<16xi32>,
      %parallel_loop3A_211 = arith.addi %parallel_loop3A_204, %parallel_loop3A_210 : vector<16xi32>
      %parallel_loop3A_212 = arith.constant 16 : i32
      %parallel_loop3A_213 = arith.muli %parallel_loop3A_116, %parallel_loop3A_212 : i32
      %parallel_loop3A_214 = arith.constant 14336 : i32
      %parallel_loop3A_215 = arith.addi %parallel_loop3A_214, %parallel_loop3A_213 : i32
      %parallel_loop3A_216 = arith.index_cast %parallel_loop3A_215 : i32 to index
      %parallel_loop3A_217 = tpu.vector_load %arg6[%parallel_loop3A_216] {strides = array<i32>} : memref<16384xi32, #tpu.memory_space<vmem>>, vector<16xi32>,
      %parallel_loop3A_218 = arith.addi %parallel_loop3A_211, %parallel_loop3A_217 : vector<16xi32>
      %parallel_loop3A_219 = arith.constant 16 : i32
      %parallel_loop3A_220 = arith.muli %parallel_loop3A_116, %parallel_loop3A_219 : i32
      %parallel_loop3A_221 = arith.constant 15360 : i32
      %parallel_loop3A_222 = arith.addi %parallel_loop3A_221, %parallel_loop3A_220 : i32
      %parallel_loop3A_223 = arith.index_cast %parallel_loop3A_222 : i32 to index
      %parallel_loop3A_224 = tpu.vector_load %arg6[%parallel_loop3A_223] {strides = array<i32>} : memref<16384xi32, #tpu.memory_space<vmem>>, vector<16xi32>,
      %parallel_loop3A_225 = arith.addi %parallel_loop3A_218, %parallel_loop3A_224 : vector<16xi32>
      %parallel_loop3A_226 = arith.constant 16 : i32
      %parallel_loop3A_227 = arith.muli %parallel_loop3A_116, %parallel_loop3A_226 : i32
      %parallel_loop3A_228 = arith.index_cast %parallel_loop3A_227 : i32 to index
      %parallel_loop3A_229 = tpu.vector_load %arg8[%parallel_loop3A_228] {strides = array<i32>} : memref<1024xi32, #tpu.memory_space<vmem>>, vector<16xi32>,
      tpu.vector_store %arg8[%parallel_loop3A_228], %parallel_loop3A_225 {strides = array<i32>} : memref<1024xi32, #tpu.memory_space<vmem>>, vector<16xi32>,
    } {sc.loop_unroll_factor = 2 : i64, sc.parallel_access}
    "tpu.region"() ({
      %run_scoped3A = tpu.sem_alloc : memref<!tpu.dma_semaphore, #tpu.memory_space<semaphore_mem>>
      %dma_start3A_116 = arith.constant 0 : i32
      %dma_start3A_117 = tpu.memref_slice %arg15[%select_n3A, %select_n3A_28, %dma_start3A_116] : memref<4x4x1024xi32, #tpu.memory_space<vmem_shared>> -> memref<1x1x1024xi32, #tpu.memory_space<vmem_shared>>
      %dma_start3A_118 = tpu.memref_squeeze %dma_start3A_117 : memref<1x1x1024xi32, #tpu.memory_space<vmem_shared>> -> memref<1024xi32, #tpu.memory_space<vmem_shared>>
      %dma_start3A_119 = arith.constant 0 : i32
      %dma_start3A_120 = tpu.memref_slice %arg15[%select_n3A, %select_n3A_28, %dma_start3A_119] : memref<4x4x1024xi32, #tpu.memory_space<vmem_shared>> -> memref<1x1x1024xi32, #tpu.memory_space<vmem_shared>>
      %dma_start3A_121 = tpu.memref_squeeze %dma_start3A_120 : memref<1x1x1024xi32, #tpu.memory_space<vmem_shared>> -> memref<1024xi32, #tpu.memory_space<vmem_shared>>
      tpu.enqueue_dma source(%arg8 : memref<1024xi32, #tpu.memory_space<vmem>>) target(%dma_start3A_121 : memref<1024xi32, #tpu.memory_space<vmem_shared>>) target_semaphore(%run_scoped3A : memref<!tpu.dma_semaphore, #tpu.memory_space<semaphore_mem>>)
      %dma_wait3A_122 = arith.constant 0 : i32
      %dma_wait3A_123 = tpu.memref_slice %arg15[%select_n3A, %select_n3A_28, %dma_wait3A_122] : memref<4x4x1024xi32, #tpu.memory_space<vmem_shared>> -> memref<1x1x1024xi32, #tpu.memory_space<vmem_shared>>
      %dma_wait3A_124 = tpu.memref_squeeze %dma_wait3A_123 : memref<1x1x1024xi32, #tpu.memory_space<vmem_shared>> -> memref<1024xi32, #tpu.memory_space<vmem_shared>>
      %dma_wait3A_125 = arith.constant 0 : i32
      %dma_wait3A_126 = tpu.memref_slice %arg15[%select_n3A, %select_n3A_28, %dma_wait3A_125] : memref<4x4x1024xi32, #tpu.memory_space<vmem_shared>> -> memref<1x1x1024xi32, #tpu.memory_space<vmem_shared>>
      %dma_wait3A_127 = tpu.memref_squeeze %dma_wait3A_126 : memref<1x1x1024xi32, #tpu.memory_space<vmem_shared>> -> memref<1024xi32, #tpu.memory_space<vmem_shared>>
      tpu.wait_dma2 semaphore(%run_scoped3A : memref<!tpu.dma_semaphore, #tpu.memory_space<semaphore_mem>>) src(%arg8 : memref<1024xi32, #tpu.memory_space<vmem>>) dst(%dma_wait3A_127 : memref<1024xi32, #tpu.memory_space<vmem_shared>>)
      tpu.yield
    }) : () -> ()
    %broadcast_in_dim3A_67 = arith.constant -1 : i32
    %broadcast_in_dim3A_68 = vector.broadcast %broadcast_in_dim3A_67 : i32 to vector<16xi32>
    %parallel_loop3A_69 = arith.constant 0 : i32
    %parallel_loop3A_70 = arith.constant 32 : i32
    %parallel_loop3A_71 = arith.constant 1 : i32
    scf.for %parallel_loop3A_116 = %parallel_loop3A_69 to %parallel_loop3A_70 step %parallel_loop3A_71  : i32 {
      %parallel_loop3A_117 = arith.constant 16 : i32
      %parallel_loop3A_118 = arith.muli %parallel_loop3A_116, %parallel_loop3A_117 : i32
      %parallel_loop3A_119 = arith.index_cast %parallel_loop3A_118 : i32 to index
      %parallel_loop3A_120 = tpu.vector_load %arg9[%parallel_loop3A_119] {strides = array<i32>} : memref<512xi32, #tpu.memory_space<vmem>>, vector<16xi32>,
      tpu.vector_store %arg9[%parallel_loop3A_119], %broadcast_in_dim3A_68 {strides = array<i32>} : memref<512xi32, #tpu.memory_space<vmem>>, vector<16xi32>,
    } {sc.loop_unroll_factor = 2 : i64, sc.parallel_access}
    %barrier3A = arith.constant 0 : index
    tpu.barrier barrier_id(%barrier3A)
    %eq3A_72 = arith.constant 0 : i32
    %eq3A_73 = arith.cmpi eq, %select_n3A_28, %eq3A_72 : i32
    %convert_element_type3A = arith.extui %eq3A_73 : i1 to i32
    %cond3A = arith.constant 0 : i32
    %cond3A_74 = arith.cmpi ne, %convert_element_type3A, %cond3A : i32
    scf.if %cond3A_74 {
      %run_scoped3A = arith.constant 0 : i32
      %run_scoped3A_116 = arith.constant 0 : i32
      "tpu.region"() ({
        %run_scoped3A_145 = tpu.sem_alloc : memref<!tpu.dma_semaphore, #tpu.memory_space<semaphore_mem>>
        %dma_start3A_146 = arith.constant 0 : i32
        %dma_start3A_147 = tpu.memref_slice %arg7[%run_scoped3A_116, %dma_start3A_146] : memref<4x1024xi32, #tpu.memory_space<vmem>> -> memref<1x1024xi32, #tpu.memory_space<vmem>>
        %dma_start3A_148 = tpu.memref_squeeze %dma_start3A_147 : memref<1x1024xi32, #tpu.memory_space<vmem>> -> memref<1024xi32, #tpu.memory_space<vmem>>
        %dma_start3A_149 = arith.constant 0 : i32
        %dma_start3A_150 = tpu.memref_slice %arg15[%select_n3A, %run_scoped3A, %dma_start3A_149] : memref<4x4x1024xi32, #tpu.memory_space<vmem_shared>> -> memref<1x1x1024xi32, #tpu.memory_space<vmem_shared>>
        %dma_start3A_151 = tpu.memref_squeeze %dma_start3A_150 : memref<1x1x1024xi32, #tpu.memory_space<vmem_shared>> -> memref<1024xi32, #tpu.memory_space<vmem_shared>>
        %dma_start3A_152 = arith.constant 0 : i32
        %dma_start3A_153 = tpu.memref_slice %arg7[%run_scoped3A_116, %dma_start3A_152] : memref<4x1024xi32, #tpu.memory_space<vmem>> -> memref<1x1024xi32, #tpu.memory_space<vmem>>
        %dma_start3A_154 = tpu.memref_squeeze %dma_start3A_153 : memref<1x1024xi32, #tpu.memory_space<vmem>> -> memref<1024xi32, #tpu.memory_space<vmem>>
        %dma_start3A_155 = arith.constant 0 : i32
        %dma_start3A_156 = tpu.memref_slice %arg15[%select_n3A, %run_scoped3A, %dma_start3A_155] : memref<4x4x1024xi32, #tpu.memory_space<vmem_shared>> -> memref<1x1x1024xi32, #tpu.memory_space<vmem_shared>>
        %dma_start3A_157 = tpu.memref_squeeze %dma_start3A_156 : memref<1x1x1024xi32, #tpu.memory_space<vmem_shared>> -> memref<1024xi32, #tpu.memory_space<vmem_shared>>
        tpu.enqueue_dma source(%dma_start3A_157 : memref<1024xi32, #tpu.memory_space<vmem_shared>>) target(%dma_start3A_154 : memref<1024xi32, #tpu.memory_space<vmem>>) target_semaphore(%run_scoped3A_145 : memref<!tpu.dma_semaphore, #tpu.memory_space<semaphore_mem>>)
        %dma_wait3A_158 = arith.constant 0 : i32
        %dma_wait3A_159 = tpu.memref_slice %arg7[%run_scoped3A_116, %dma_wait3A_158] : memref<4x1024xi32, #tpu.memory_space<vmem>> -> memref<1x1024xi32, #tpu.memory_space<vmem>>
        %dma_wait3A_160 = tpu.memref_squeeze %dma_wait3A_159 : memref<1x1024xi32, #tpu.memory_space<vmem>> -> memref<1024xi32, #tpu.memory_space<vmem>>
        %dma_wait3A_161 = arith.constant 0 : i32
        %dma_wait3A_162 = tpu.memref_slice %arg15[%select_n3A, %run_scoped3A, %dma_wait3A_161] : memref<4x4x1024xi32, #tpu.memory_space<vmem_shared>> -> memref<1x1x1024xi32, #tpu.memory_space<vmem_shared>>
        %dma_wait3A_163 = tpu.memref_squeeze %dma_wait3A_162 : memref<1x1x1024xi32, #tpu.memory_space<vmem_shared>> -> memref<1024xi32, #tpu.memory_space<vmem_shared>>
        %dma_wait3A_164 = arith.constant 0 : i32
        %dma_wait3A_165 = tpu.memref_slice %arg7[%run_scoped3A_116, %dma_wait3A_164] : memref<4x1024xi32, #tpu.memory_space<vmem>> -> memref<1x1024xi32, #tpu.memory_space<vmem>>
        %dma_wait3A_166 = tpu.memref_squeeze %dma_wait3A_165 : memref<1x1024xi32, #tpu.memory_space<vmem>> -> memref<1024xi32, #tpu.memory_space<vmem>>
        %dma_wait3A_167 = arith.constant 0 : i32
        %dma_wait3A_168 = tpu.memref_slice %arg15[%select_n3A, %run_scoped3A, %dma_wait3A_167] : memref<4x4x1024xi32, #tpu.memory_space<vmem_shared>> -> memref<1x1x1024xi32, #tpu.memory_space<vmem_shared>>
        %dma_wait3A_169 = tpu.memref_squeeze %dma_wait3A_168 : memref<1x1x1024xi32, #tpu.memory_space<vmem_shared>> -> memref<1024xi32, #tpu.memory_space<vmem_shared>>
        tpu.wait_dma2 semaphore(%run_scoped3A_145 : memref<!tpu.dma_semaphore, #tpu.memory_space<semaphore_mem>>) src(%dma_wait3A_169 : memref<1024xi32, #tpu.memory_space<vmem_shared>>) dst(%dma_wait3A_166 : memref<1024xi32, #tpu.memory_space<vmem>>)
        tpu.yield
      }) : () -> ()
      %run_scoped3A_117 = arith.constant 1 : i32
      %run_scoped3A_118 = arith.constant 1 : i32
      "tpu.region"() ({
        %run_scoped3A_145 = tpu.sem_alloc : memref<!tpu.dma_semaphore, #tpu.memory_space<semaphore_mem>>
        %dma_start3A_146 = arith.constant 0 : i32
        %dma_start3A_147 = tpu.memref_slice %arg7[%run_scoped3A_118, %dma_start3A_146] : memref<4x1024xi32, #tpu.memory_space<vmem>> -> memref<1x1024xi32, #tpu.memory_space<vmem>>
        %dma_start3A_148 = tpu.memref_squeeze %dma_start3A_147 : memref<1x1024xi32, #tpu.memory_space<vmem>> -> memref<1024xi32, #tpu.memory_space<vmem>>
        %dma_start3A_149 = arith.constant 0 : i32
        %dma_start3A_150 = tpu.memref_slice %arg15[%select_n3A, %run_scoped3A_117, %dma_start3A_149] : memref<4x4x1024xi32, #tpu.memory_space<vmem_shared>> -> memref<1x1x1024xi32, #tpu.memory_space<vmem_shared>>
        %dma_start3A_151 = tpu.memref_squeeze %dma_start3A_150 : memref<1x1x1024xi32, #tpu.memory_space<vmem_shared>> -> memref<1024xi32, #tpu.memory_space<vmem_shared>>
        %dma_start3A_152 = arith.constant 0 : i32
        %dma_start3A_153 = tpu.memref_slice %arg7[%run_scoped3A_118, %dma_start3A_152] : memref<4x1024xi32, #tpu.memory_space<vmem>> -> memref<1x1024xi32, #tpu.memory_space<vmem>>
        %dma_start3A_154 = tpu.memref_squeeze %dma_start3A_153 : memref<1x1024xi32, #tpu.memory_space<vmem>> -> memref<1024xi32, #tpu.memory_space<vmem>>
        %dma_start3A_155 = arith.constant 0 : i32
        %dma_start3A_156 = tpu.memref_slice %arg15[%select_n3A, %run_scoped3A_117, %dma_start3A_155] : memref<4x4x1024xi32, #tpu.memory_space<vmem_shared>> -> memref<1x1x1024xi32, #tpu.memory_space<vmem_shared>>
        %dma_start3A_157 = tpu.memref_squeeze %dma_start3A_156 : memref<1x1x1024xi32, #tpu.memory_space<vmem_shared>> -> memref<1024xi32, #tpu.memory_space<vmem_shared>>
        tpu.enqueue_dma source(%dma_start3A_157 : memref<1024xi32, #tpu.memory_space<vmem_shared>>) target(%dma_start3A_154 : memref<1024xi32, #tpu.memory_space<vmem>>) target_semaphore(%run_scoped3A_145 : memref<!tpu.dma_semaphore, #tpu.memory_space<semaphore_mem>>)
        %dma_wait3A_158 = arith.constant 0 : i32
        %dma_wait3A_159 = tpu.memref_slice %arg7[%run_scoped3A_118, %dma_wait3A_158] : memref<4x1024xi32, #tpu.memory_space<vmem>> -> memref<1x1024xi32, #tpu.memory_space<vmem>>
        %dma_wait3A_160 = tpu.memref_squeeze %dma_wait3A_159 : memref<1x1024xi32, #tpu.memory_space<vmem>> -> memref<1024xi32, #tpu.memory_space<vmem>>
        %dma_wait3A_161 = arith.constant 0 : i32
        %dma_wait3A_162 = tpu.memref_slice %arg15[%select_n3A, %run_scoped3A_117, %dma_wait3A_161] : memref<4x4x1024xi32, #tpu.memory_space<vmem_shared>> -> memref<1x1x1024xi32, #tpu.memory_space<vmem_shared>>
        %dma_wait3A_163 = tpu.memref_squeeze %dma_wait3A_162 : memref<1x1x1024xi32, #tpu.memory_space<vmem_shared>> -> memref<1024xi32, #tpu.memory_space<vmem_shared>>
        %dma_wait3A_164 = arith.constant 0 : i32
        %dma_wait3A_165 = tpu.memref_slice %arg7[%run_scoped3A_118, %dma_wait3A_164] : memref<4x1024xi32, #tpu.memory_space<vmem>> -> memref<1x1024xi32, #tpu.memory_space<vmem>>
        %dma_wait3A_166 = tpu.memref_squeeze %dma_wait3A_165 : memref<1x1024xi32, #tpu.memory_space<vmem>> -> memref<1024xi32, #tpu.memory_space<vmem>>
        %dma_wait3A_167 = arith.constant 0 : i32
        %dma_wait3A_168 = tpu.memref_slice %arg15[%select_n3A, %run_scoped3A_117, %dma_wait3A_167] : memref<4x4x1024xi32, #tpu.memory_space<vmem_shared>> -> memref<1x1x1024xi32, #tpu.memory_space<vmem_shared>>
        %dma_wait3A_169 = tpu.memref_squeeze %dma_wait3A_168 : memref<1x1x1024xi32, #tpu.memory_space<vmem_shared>> -> memref<1024xi32, #tpu.memory_space<vmem_shared>>
        tpu.wait_dma2 semaphore(%run_scoped3A_145 : memref<!tpu.dma_semaphore, #tpu.memory_space<semaphore_mem>>) src(%dma_wait3A_169 : memref<1024xi32, #tpu.memory_space<vmem_shared>>) dst(%dma_wait3A_166 : memref<1024xi32, #tpu.memory_space<vmem>>)
        tpu.yield
      }) : () -> ()
      %run_scoped3A_119 = arith.constant 2 : i32
      %run_scoped3A_120 = arith.constant 2 : i32
      "tpu.region"() ({
        %run_scoped3A_145 = tpu.sem_alloc : memref<!tpu.dma_semaphore, #tpu.memory_space<semaphore_mem>>
        %dma_start3A_146 = arith.constant 0 : i32
        %dma_start3A_147 = tpu.memref_slice %arg7[%run_scoped3A_120, %dma_start3A_146] : memref<4x1024xi32, #tpu.memory_space<vmem>> -> memref<1x1024xi32, #tpu.memory_space<vmem>>
        %dma_start3A_148 = tpu.memref_squeeze %dma_start3A_147 : memref<1x1024xi32, #tpu.memory_space<vmem>> -> memref<1024xi32, #tpu.memory_space<vmem>>
        %dma_start3A_149 = arith.constant 0 : i32
        %dma_start3A_150 = tpu.memref_slice %arg15[%select_n3A, %run_scoped3A_119, %dma_start3A_149] : memref<4x4x1024xi32, #tpu.memory_space<vmem_shared>> -> memref<1x1x1024xi32, #tpu.memory_space<vmem_shared>>
        %dma_start3A_151 = tpu.memref_squeeze %dma_start3A_150 : memref<1x1x1024xi32, #tpu.memory_space<vmem_shared>> -> memref<1024xi32, #tpu.memory_space<vmem_shared>>
        %dma_start3A_152 = arith.constant 0 : i32
        %dma_start3A_153 = tpu.memref_slice %arg7[%run_scoped3A_120, %dma_start3A_152] : memref<4x1024xi32, #tpu.memory_space<vmem>> -> memref<1x1024xi32, #tpu.memory_space<vmem>>
        %dma_start3A_154 = tpu.memref_squeeze %dma_start3A_153 : memref<1x1024xi32, #tpu.memory_space<vmem>> -> memref<1024xi32, #tpu.memory_space<vmem>>
        %dma_start3A_155 = arith.constant 0 : i32
        %dma_start3A_156 = tpu.memref_slice %arg15[%select_n3A, %run_scoped3A_119, %dma_start3A_155] : memref<4x4x1024xi32, #tpu.memory_space<vmem_shared>> -> memref<1x1x1024xi32, #tpu.memory_space<vmem_shared>>
        %dma_start3A_157 = tpu.memref_squeeze %dma_start3A_156 : memref<1x1x1024xi32, #tpu.memory_space<vmem_shared>> -> memref<1024xi32, #tpu.memory_space<vmem_shared>>
        tpu.enqueue_dma source(%dma_start3A_157 : memref<1024xi32, #tpu.memory_space<vmem_shared>>) target(%dma_start3A_154 : memref<1024xi32, #tpu.memory_space<vmem>>) target_semaphore(%run_scoped3A_145 : memref<!tpu.dma_semaphore, #tpu.memory_space<semaphore_mem>>)
        %dma_wait3A_158 = arith.constant 0 : i32
        %dma_wait3A_159 = tpu.memref_slice %arg7[%run_scoped3A_120, %dma_wait3A_158] : memref<4x1024xi32, #tpu.memory_space<vmem>> -> memref<1x1024xi32, #tpu.memory_space<vmem>>
        %dma_wait3A_160 = tpu.memref_squeeze %dma_wait3A_159 : memref<1x1024xi32, #tpu.memory_space<vmem>> -> memref<1024xi32, #tpu.memory_space<vmem>>
        %dma_wait3A_161 = arith.constant 0 : i32
        %dma_wait3A_162 = tpu.memref_slice %arg15[%select_n3A, %run_scoped3A_119, %dma_wait3A_161] : memref<4x4x1024xi32, #tpu.memory_space<vmem_shared>> -> memref<1x1x1024xi32, #tpu.memory_space<vmem_shared>>
        %dma_wait3A_163 = tpu.memref_squeeze %dma_wait3A_162 : memref<1x1x1024xi32, #tpu.memory_space<vmem_shared>> -> memref<1024xi32, #tpu.memory_space<vmem_shared>>
        %dma_wait3A_164 = arith.constant 0 : i32
        %dma_wait3A_165 = tpu.memref_slice %arg7[%run_scoped3A_120, %dma_wait3A_164] : memref<4x1024xi32, #tpu.memory_space<vmem>> -> memref<1x1024xi32, #tpu.memory_space<vmem>>
        %dma_wait3A_166 = tpu.memref_squeeze %dma_wait3A_165 : memref<1x1024xi32, #tpu.memory_space<vmem>> -> memref<1024xi32, #tpu.memory_space<vmem>>
        %dma_wait3A_167 = arith.constant 0 : i32
        %dma_wait3A_168 = tpu.memref_slice %arg15[%select_n3A, %run_scoped3A_119, %dma_wait3A_167] : memref<4x4x1024xi32, #tpu.memory_space<vmem_shared>> -> memref<1x1x1024xi32, #tpu.memory_space<vmem_shared>>
        %dma_wait3A_169 = tpu.memref_squeeze %dma_wait3A_168 : memref<1x1x1024xi32, #tpu.memory_space<vmem_shared>> -> memref<1024xi32, #tpu.memory_space<vmem_shared>>
        tpu.wait_dma2 semaphore(%run_scoped3A_145 : memref<!tpu.dma_semaphore, #tpu.memory_space<semaphore_mem>>) src(%dma_wait3A_169 : memref<1024xi32, #tpu.memory_space<vmem_shared>>) dst(%dma_wait3A_166 : memref<1024xi32, #tpu.memory_space<vmem>>)
        tpu.yield
      }) : () -> ()
      %run_scoped3A_121 = arith.constant 3 : i32
      %run_scoped3A_122 = arith.constant 3 : i32
      "tpu.region"() ({
        %run_scoped3A_145 = tpu.sem_alloc : memref<!tpu.dma_semaphore, #tpu.memory_space<semaphore_mem>>
        %dma_start3A_146 = arith.constant 0 : i32
        %dma_start3A_147 = tpu.memref_slice %arg7[%run_scoped3A_122, %dma_start3A_146] : memref<4x1024xi32, #tpu.memory_space<vmem>> -> memref<1x1024xi32, #tpu.memory_space<vmem>>
        %dma_start3A_148 = tpu.memref_squeeze %dma_start3A_147 : memref<1x1024xi32, #tpu.memory_space<vmem>> -> memref<1024xi32, #tpu.memory_space<vmem>>
        %dma_start3A_149 = arith.constant 0 : i32
        %dma_start3A_150 = tpu.memref_slice %arg15[%select_n3A, %run_scoped3A_121, %dma_start3A_149] : memref<4x4x1024xi32, #tpu.memory_space<vmem_shared>> -> memref<1x1x1024xi32, #tpu.memory_space<vmem_shared>>
        %dma_start3A_151 = tpu.memref_squeeze %dma_start3A_150 : memref<1x1x1024xi32, #tpu.memory_space<vmem_shared>> -> memref<1024xi32, #tpu.memory_space<vmem_shared>>
        %dma_start3A_152 = arith.constant 0 : i32
        %dma_start3A_153 = tpu.memref_slice %arg7[%run_scoped3A_122, %dma_start3A_152] : memref<4x1024xi32, #tpu.memory_space<vmem>> -> memref<1x1024xi32, #tpu.memory_space<vmem>>
        %dma_start3A_154 = tpu.memref_squeeze %dma_start3A_153 : memref<1x1024xi32, #tpu.memory_space<vmem>> -> memref<1024xi32, #tpu.memory_space<vmem>>
        %dma_start3A_155 = arith.constant 0 : i32
        %dma_start3A_156 = tpu.memref_slice %arg15[%select_n3A, %run_scoped3A_121, %dma_start3A_155] : memref<4x4x1024xi32, #tpu.memory_space<vmem_shared>> -> memref<1x1x1024xi32, #tpu.memory_space<vmem_shared>>
        %dma_start3A_157 = tpu.memref_squeeze %dma_start3A_156 : memref<1x1x1024xi32, #tpu.memory_space<vmem_shared>> -> memref<1024xi32, #tpu.memory_space<vmem_shared>>
        tpu.enqueue_dma source(%dma_start3A_157 : memref<1024xi32, #tpu.memory_space<vmem_shared>>) target(%dma_start3A_154 : memref<1024xi32, #tpu.memory_space<vmem>>) target_semaphore(%run_scoped3A_145 : memref<!tpu.dma_semaphore, #tpu.memory_space<semaphore_mem>>)
        %dma_wait3A_158 = arith.constant 0 : i32
        %dma_wait3A_159 = tpu.memref_slice %arg7[%run_scoped3A_122, %dma_wait3A_158] : memref<4x1024xi32, #tpu.memory_space<vmem>> -> memref<1x1024xi32, #tpu.memory_space<vmem>>
        %dma_wait3A_160 = tpu.memref_squeeze %dma_wait3A_159 : memref<1x1024xi32, #tpu.memory_space<vmem>> -> memref<1024xi32, #tpu.memory_space<vmem>>
        %dma_wait3A_161 = arith.constant 0 : i32
        %dma_wait3A_162 = tpu.memref_slice %arg15[%select_n3A, %run_scoped3A_121, %dma_wait3A_161] : memref<4x4x1024xi32, #tpu.memory_space<vmem_shared>> -> memref<1x1x1024xi32, #tpu.memory_space<vmem_shared>>
        %dma_wait3A_163 = tpu.memref_squeeze %dma_wait3A_162 : memref<1x1x1024xi32, #tpu.memory_space<vmem_shared>> -> memref<1024xi32, #tpu.memory_space<vmem_shared>>
        %dma_wait3A_164 = arith.constant 0 : i32
        %dma_wait3A_165 = tpu.memref_slice %arg7[%run_scoped3A_122, %dma_wait3A_164] : memref<4x1024xi32, #tpu.memory_space<vmem>> -> memref<1x1024xi32, #tpu.memory_space<vmem>>
        %dma_wait3A_166 = tpu.memref_squeeze %dma_wait3A_165 : memref<1x1024xi32, #tpu.memory_space<vmem>> -> memref<1024xi32, #tpu.memory_space<vmem>>
        %dma_wait3A_167 = arith.constant 0 : i32
        %dma_wait3A_168 = tpu.memref_slice %arg15[%select_n3A, %run_scoped3A_121, %dma_wait3A_167] : memref<4x4x1024xi32, #tpu.memory_space<vmem_shared>> -> memref<1x1x1024xi32, #tpu.memory_space<vmem_shared>>
        %dma_wait3A_169 = tpu.memref_squeeze %dma_wait3A_168 : memref<1x1x1024xi32, #tpu.memory_space<vmem_shared>> -> memref<1024xi32, #tpu.memory_space<vmem_shared>>
        tpu.wait_dma2 semaphore(%run_scoped3A_145 : memref<!tpu.dma_semaphore, #tpu.memory_space<semaphore_mem>>) src(%dma_wait3A_169 : memref<1024xi32, #tpu.memory_space<vmem_shared>>) dst(%dma_wait3A_166 : memref<1024xi32, #tpu.memory_space<vmem>>)
        tpu.yield
      }) : () -> ()
      %scan3A = arith.constant 0 : i32
      %scan3A_123 = arith.constant 0 : i32
      %scan3A_124 = arith.constant 0 : i32
      %scan3A_125 = arith.constant 0 : i32
      %scan3A_126 = arith.constant 0 : i32
      %scan3A_127 = arith.constant 64 : i32
      %scan3A_128 = arith.addi %scan3A_126, %scan3A_127 : i32
      %scan3A_129 = arith.constant 1 : i32
      %scan3A_130:4 = scf.for %scan3A_145 = %scan3A_126 to %scan3A_128 step %scan3A_129 iter_args(%scan3A_146 = %scan3A, %scan3A_147 = %scan3A_123, %scan3A_148 = %scan3A_124, %scan3A_149 = %scan3A_125) -> (i32, i32, i32, i32)  : i32 {
        %sub3A_150 = arith.constant 63 : i32
        %sub3A_151 = arith.subi %sub3A_150, %scan3A_145 : i32
        %mul3A_152 = arith.constant 16 : i32
        %mul3A_153 = arith.muli %sub3A_151, %mul3A_152 : i32
        %get3A_154 = arith.constant 0 : i32
        %get3A_155 = arith.index_cast %get3A_154 : i32 to index
        %get3A_156 = arith.index_cast %mul3A_153 : i32 to index
        %get3A_157 = tpu.vector_load %arg7[%get3A_155, %get3A_156] {strides = array<i32>} : memref<4x1024xi32, #tpu.memory_space<vmem>>, vector<16xi32>,
        %mul3A_158 = arith.constant 16 : i32
        %mul3A_159 = arith.muli %sub3A_151, %mul3A_158 : i32
        %get3A_160 = arith.constant 1 : i32
        %get3A_161 = arith.index_cast %get3A_160 : i32 to index
        %get3A_162 = arith.index_cast %mul3A_159 : i32 to index
        %get3A_163 = tpu.vector_load %arg7[%get3A_161, %get3A_162] {strides = array<i32>} : memref<4x1024xi32, #tpu.memory_space<vmem>>, vector<16xi32>,
        %add3A_164 = arith.addi %get3A_157, %get3A_163 : vector<16xi32>
        %mul3A_165 = arith.constant 16 : i32
        %mul3A_166 = arith.muli %sub3A_151, %mul3A_165 : i32
        %get3A_167 = arith.constant 2 : i32
        %get3A_168 = arith.index_cast %get3A_167 : i32 to index
        %get3A_169 = arith.index_cast %mul3A_166 : i32 to index
        %get3A_170 = tpu.vector_load %arg7[%get3A_168, %get3A_169] {strides = array<i32>} : memref<4x1024xi32, #tpu.memory_space<vmem>>, vector<16xi32>,
        %add3A_171 = arith.addi %add3A_164, %get3A_170 : vector<16xi32>
        %mul3A_172 = arith.constant 16 : i32
        %mul3A_173 = arith.muli %sub3A_151, %mul3A_172 : i32
        %get3A_174 = arith.constant 3 : i32
        %get3A_175 = arith.index_cast %get3A_174 : i32 to index
        %get3A_176 = arith.index_cast %mul3A_173 : i32 to index
        %get3A_177 = tpu.vector_load %arg7[%get3A_175, %get3A_176] {strides = array<i32>} : memref<4x1024xi32, #tpu.memory_space<vmem>>, vector<16xi32>,
        %add3A_178 = arith.addi %add3A_171, %get3A_177 : vector<16xi32>
        %broadcast_in_dim3A_179 = arith.constant true
        %broadcast_in_dim3A_180 = vector.broadcast %broadcast_in_dim3A_179 : i1 to vector<16xi1>
        %masked_cumsum3A = tpu.scan <sum>, %add3A_178 masked %broadcast_in_dim3A_180 : vector<16xi32>, vector<16xi1> -> vector<16xi32>
        %reduce_sum3A_181 = arith.constant true
        %reduce_sum3A_182 = vector.broadcast %reduce_sum3A_181 : i1 to vector<16xi1>
        %reduce_sum3A_183 = tpu.scan <sum>, %add3A_178 masked %reduce_sum3A_182 : vector<16xi32>, vector<16xi1> -> vector<16xi32>
        %reduce_sum3A_184 = vector.extract %reduce_sum3A_183[15] : i32 from vector<16xi32>
        %add3A_185 = arith.addi %scan3A_149, %reduce_sum3A_184 : i32
        %sub3A_186 = vector.broadcast %add3A_185 : i32 to vector<16xi32>
        %sub3A_187 = arith.subi %sub3A_186, %masked_cumsum3A : vector<16xi32>
        %lt3A_188 = vector.broadcast %reduce_sum3A_39 : i32 to vector<16xi32>
        %lt3A_189 = arith.cmpi slt, %sub3A_187, %lt3A_188 : vector<16xi32>
        %add3A_190 = arith.addi %sub3A_187, %add3A_178 : vector<16xi32>
        %ge3A = vector.broadcast %reduce_sum3A_39 : i32 to vector<16xi32>
        %ge3A_191 = arith.cmpi sge, %add3A_190, %ge3A : vector<16xi32>
        %and3A_192 = arith.andi %lt3A_189, %ge3A_191 : vector<16xi1>
        %eq3A_193 = arith.constant 0 : i32
        %eq3A_194 = arith.cmpi eq, %scan3A_146, %eq3A_193 : i32
        %and3A_195 = vector.broadcast %eq3A_194 : i1 to vector<16xi1>
        %and3A_196 = arith.andi %and3A_192, %and3A_195 : vector<16xi1>
        %convert_element_type3A_197 = arith.extui %and3A_196 : vector<16xi1> to vector<16xi32>
        %reduce_sum3A_198 = arith.constant true
        %reduce_sum3A_199 = vector.broadcast %reduce_sum3A_198 : i1 to vector<16xi1>
        %reduce_sum3A_200 = tpu.scan <sum>, %convert_element_type3A_197 masked %reduce_sum3A_199 : vector<16xi32>, vector<16xi1> -> vector<16xi32>
        %reduce_sum3A_201 = vector.extract %reduce_sum3A_200[15] : i32 from vector<16xi32>
        %gt3A = arith.constant 0 : i32
        %gt3A_202 = arith.cmpi sgt, %reduce_sum3A_201, %gt3A : i32
        %jit3A_203 = arith.constant 0 : i32
        %broadcast_in_dim3A_204 = vector.broadcast %jit3A_203 : i32 to vector<16xi32>
        %select_n3A_205 = arith.select %and3A_196, %iota3A, %broadcast_in_dim3A_204 : vector<16xi1>, vector<16xi32>
        %reduce_sum3A_206 = arith.constant true
        %reduce_sum3A_207 = vector.broadcast %reduce_sum3A_206 : i1 to vector<16xi1>
        %reduce_sum3A_208 = tpu.scan <sum>, %select_n3A_205 masked %reduce_sum3A_207 : vector<16xi32>, vector<16xi1> -> vector<16xi32>
        %reduce_sum3A_209 = vector.extract %reduce_sum3A_208[15] : i32 from vector<16xi32>
        %jit3A_210 = arith.constant 1 : i32
        %select_n3A_211 = arith.select %gt3A_202, %jit3A_210, %scan3A_146 : i32
        %mul3A_212 = arith.constant 16 : i32
        %mul3A_213 = arith.muli %sub3A_151, %mul3A_212 : i32
        %add3A_214 = arith.addi %mul3A_213, %reduce_sum3A_209 : i32
        %select_n3A_215 = arith.select %gt3A_202, %add3A_214, %scan3A_147 : i32
        %jit3A_216 = arith.constant 0 : i32
        %broadcast_in_dim3A_217 = vector.broadcast %jit3A_216 : i32 to vector<16xi32>
        %select_n3A_218 = arith.select %and3A_196, %sub3A_187, %broadcast_in_dim3A_217 : vector<16xi1>, vector<16xi32>
        %reduce_sum3A_219 = arith.constant true
        %reduce_sum3A_220 = vector.broadcast %reduce_sum3A_219 : i1 to vector<16xi1>
        %reduce_sum3A_221 = tpu.scan <sum>, %select_n3A_218 masked %reduce_sum3A_220 : vector<16xi32>, vector<16xi1> -> vector<16xi32>
        %reduce_sum3A_222 = vector.extract %reduce_sum3A_221[15] : i32 from vector<16xi32>
        %select_n3A_223 = arith.select %gt3A_202, %reduce_sum3A_222, %scan3A_148 : i32
        %add3A_224 = arith.addi %scan3A_149, %reduce_sum3A_184 : i32
        scf.yield %select_n3A_211, %select_n3A_215, %select_n3A_223, %add3A_224 : i32, i32, i32, i32
      }
      %scan3A_131 = arith.constant 64 : i32
      %eq3A_132 = arith.constant 0 : i32
      %eq3A_133 = vector.broadcast %eq3A_132 : i32 to vector<16xi32>
      %eq3A_134 = arith.cmpi eq, %iota3A, %eq3A_133 : vector<16xi32>
      %eq3A_135 = arith.constant 1 : i32
      %eq3A_136 = vector.broadcast %eq3A_135 : i32 to vector<16xi32>
      %eq3A_137 = arith.cmpi eq, %iota3A, %eq3A_136 : vector<16xi32>
      %jit3A_138 = arith.constant 0 : i32
      %broadcast_in_dim3A_139 = vector.broadcast %scan3A_130#2 : i32 to vector<16xi32>
      %broadcast_in_dim3A_140 = vector.broadcast %jit3A_138 : i32 to vector<16xi32>
      %select_n3A_141 = arith.select %eq3A_137, %broadcast_in_dim3A_139, %broadcast_in_dim3A_140 : vector<16xi1>, vector<16xi32>
      %broadcast_in_dim3A_142 = vector.broadcast %scan3A_130#1 : i32 to vector<16xi32>
      %select_n3A_143 = arith.select %eq3A_134, %broadcast_in_dim3A_142, %select_n3A_141 : vector<16xi1>, vector<16xi32>
      %swap3A = arith.constant 0 : index
      %swap3A_144 = tpu.vector_load %arg14[%swap3A] {strides = array<i32>} : memref<16xi32, #tpu.memory_space<vmem>>, vector<16xi32>,
      tpu.vector_store %arg14[%swap3A], %select_n3A_143 {strides = array<i32>} : memref<16xi32, #tpu.memory_space<vmem>>, vector<16xi32>,
      "tpu.region"() ({
        %run_scoped3A_145 = tpu.sem_alloc : memref<!tpu.dma_semaphore, #tpu.memory_space<semaphore_mem>>
        %dma_start3A_146 = arith.constant 0 : i32
        %dma_start3A_147 = tpu.memref_slice %arg16[%select_n3A, %dma_start3A_146] : memref<4x16xi32, #tpu.memory_space<vmem_shared>> -> memref<1x16xi32, #tpu.memory_space<vmem_shared>>
        %dma_start3A_148 = tpu.memref_squeeze %dma_start3A_147 : memref<1x16xi32, #tpu.memory_space<vmem_shared>> -> memref<16xi32, #tpu.memory_space<vmem_shared>>
        %dma_start3A_149 = arith.constant 0 : i32
        %dma_start3A_150 = tpu.memref_slice %arg16[%select_n3A, %dma_start3A_149] : memref<4x16xi32, #tpu.memory_space<vmem_shared>> -> memref<1x16xi32, #tpu.memory_space<vmem_shared>>
        %dma_start3A_151 = tpu.memref_squeeze %dma_start3A_150 : memref<1x16xi32, #tpu.memory_space<vmem_shared>> -> memref<16xi32, #tpu.memory_space<vmem_shared>>
        tpu.enqueue_dma source(%arg14 : memref<16xi32, #tpu.memory_space<vmem>>) target(%dma_start3A_151 : memref<16xi32, #tpu.memory_space<vmem_shared>>) target_semaphore(%run_scoped3A_145 : memref<!tpu.dma_semaphore, #tpu.memory_space<semaphore_mem>>)
        %dma_wait3A_152 = arith.constant 0 : i32
        %dma_wait3A_153 = tpu.memref_slice %arg16[%select_n3A, %dma_wait3A_152] : memref<4x16xi32, #tpu.memory_space<vmem_shared>> -> memref<1x16xi32, #tpu.memory_space<vmem_shared>>
        %dma_wait3A_154 = tpu.memref_squeeze %dma_wait3A_153 : memref<1x16xi32, #tpu.memory_space<vmem_shared>> -> memref<16xi32, #tpu.memory_space<vmem_shared>>
        %dma_wait3A_155 = arith.constant 0 : i32
        %dma_wait3A_156 = tpu.memref_slice %arg16[%select_n3A, %dma_wait3A_155] : memref<4x16xi32, #tpu.memory_space<vmem_shared>> -> memref<1x16xi32, #tpu.memory_space<vmem_shared>>
        %dma_wait3A_157 = tpu.memref_squeeze %dma_wait3A_156 : memref<1x16xi32, #tpu.memory_space<vmem_shared>> -> memref<16xi32, #tpu.memory_space<vmem_shared>>
        tpu.wait_dma2 semaphore(%run_scoped3A_145 : memref<!tpu.dma_semaphore, #tpu.memory_space<semaphore_mem>>) src(%arg14 : memref<16xi32, #tpu.memory_space<vmem>>) dst(%dma_wait3A_157 : memref<16xi32, #tpu.memory_space<vmem_shared>>)
        tpu.yield
      }) : () -> ()
    } else {
    }
    %barrier3A_75 = arith.constant 0 : index
    tpu.barrier barrier_id(%barrier3A_75)
    "tpu.region"() ({
      %run_scoped3A = tpu.sem_alloc : memref<!tpu.dma_semaphore, #tpu.memory_space<semaphore_mem>>
      %dma_start3A_116 = arith.constant 0 : i32
      %dma_start3A_117 = tpu.memref_slice %arg16[%select_n3A, %dma_start3A_116] : memref<4x16xi32, #tpu.memory_space<vmem_shared>> -> memref<1x16xi32, #tpu.memory_space<vmem_shared>>
      %dma_start3A_118 = tpu.memref_squeeze %dma_start3A_117 : memref<1x16xi32, #tpu.memory_space<vmem_shared>> -> memref<16xi32, #tpu.memory_space<vmem_shared>>
      %dma_start3A_119 = arith.constant 0 : i32
      %dma_start3A_120 = tpu.memref_slice %arg16[%select_n3A, %dma_start3A_119] : memref<4x16xi32, #tpu.memory_space<vmem_shared>> -> memref<1x16xi32, #tpu.memory_space<vmem_shared>>
      %dma_start3A_121 = tpu.memref_squeeze %dma_start3A_120 : memref<1x16xi32, #tpu.memory_space<vmem_shared>> -> memref<16xi32, #tpu.memory_space<vmem_shared>>
      tpu.enqueue_dma source(%dma_start3A_121 : memref<16xi32, #tpu.memory_space<vmem_shared>>) target(%arg14 : memref<16xi32, #tpu.memory_space<vmem>>) target_semaphore(%run_scoped3A : memref<!tpu.dma_semaphore, #tpu.memory_space<semaphore_mem>>)
      %dma_wait3A_122 = arith.constant 0 : i32
      %dma_wait3A_123 = tpu.memref_slice %arg16[%select_n3A, %dma_wait3A_122] : memref<4x16xi32, #tpu.memory_space<vmem_shared>> -> memref<1x16xi32, #tpu.memory_space<vmem_shared>>
      %dma_wait3A_124 = tpu.memref_squeeze %dma_wait3A_123 : memref<1x16xi32, #tpu.memory_space<vmem_shared>> -> memref<16xi32, #tpu.memory_space<vmem_shared>>
      %dma_wait3A_125 = arith.constant 0 : i32
      %dma_wait3A_126 = tpu.memref_slice %arg16[%select_n3A, %dma_wait3A_125] : memref<4x16xi32, #tpu.memory_space<vmem_shared>> -> memref<1x16xi32, #tpu.memory_space<vmem_shared>>
      %dma_wait3A_127 = tpu.memref_squeeze %dma_wait3A_126 : memref<1x16xi32, #tpu.memory_space<vmem_shared>> -> memref<16xi32, #tpu.memory_space<vmem_shared>>
      tpu.wait_dma2 semaphore(%run_scoped3A : memref<!tpu.dma_semaphore, #tpu.memory_space<semaphore_mem>>) src(%dma_wait3A_127 : memref<16xi32, #tpu.memory_space<vmem_shared>>) dst(%arg14 : memref<16xi32, #tpu.memory_space<vmem>>)
      tpu.yield
    }) : () -> ()
    %get3A_76 = arith.constant 0 : index
    %get3A_77 = tpu.vector_load %arg14[%get3A_76] {strides = array<i32>} : memref<16xi32, #tpu.memory_space<vmem>>, vector<16xi32>,
    %iota3A_78 = tpu.iota {dimensions = array<i32: 0>} : vector<16xi32>
    %eq3A_79 = arith.constant 0 : i32
    %eq3A_80 = vector.broadcast %eq3A_79 : i32 to vector<16xi32>
    %eq3A_81 = arith.cmpi eq, %iota3A_78, %eq3A_80 : vector<16xi32>
    %jit3A_82 = arith.constant 0 : i32
    %broadcast_in_dim3A_83 = vector.broadcast %jit3A_82 : i32 to vector<16xi32>
    %select_n3A_84 = arith.select %eq3A_81, %get3A_77, %broadcast_in_dim3A_83 : vector<16xi1>, vector<16xi32>
    %reduce_sum3A_85 = arith.constant true
    %reduce_sum3A_86 = vector.broadcast %reduce_sum3A_85 : i1 to vector<16xi1>
    %reduce_sum3A_87 = tpu.scan <sum>, %select_n3A_84 masked %reduce_sum3A_86 : vector<16xi32>, vector<16xi1> -> vector<16xi32>
    %reduce_sum3A_88 = vector.extract %reduce_sum3A_87[15] : i32 from vector<16xi32>
    %iota3A_89 = tpu.iota {dimensions = array<i32: 0>} : vector<16xi32>
    %eq3A_90 = arith.constant 1 : i32
    %eq3A_91 = vector.broadcast %eq3A_90 : i32 to vector<16xi32>
    %eq3A_92 = arith.cmpi eq, %iota3A_89, %eq3A_91 : vector<16xi32>
    %jit3A_93 = arith.constant 0 : i32
    %broadcast_in_dim3A_94 = vector.broadcast %jit3A_93 : i32 to vector<16xi32>
    %select_n3A_95 = arith.select %eq3A_92, %get3A_77, %broadcast_in_dim3A_94 : vector<16xi1>, vector<16xi32>
    %reduce_sum3A_96 = arith.constant true
    %reduce_sum3A_97 = vector.broadcast %reduce_sum3A_96 : i1 to vector<16xi1>
    %reduce_sum3A_98 = tpu.scan <sum>, %select_n3A_95 masked %reduce_sum3A_97 : vector<16xi32>, vector<16xi1> -> vector<16xi32>
    %reduce_sum3A_99 = vector.extract %reduce_sum3A_98[15] : i32 from vector<16xi32>
    %mul3A_100 = arith.constant 65536 : i32
    %mul3A_101 = arith.muli %select_n3A_28, %mul3A_100 : i32
    %add3A_102 = vector.broadcast %mul3A_101 : i32 to vector<16xi32>
    %add3A_103 = arith.addi %add3A_102, %iota3A : vector<16xi32>
    %broadcast_in_dim3A_104 = arith.constant 0 : i32
    %broadcast_in_dim3A_105 = vector.broadcast %broadcast_in_dim3A_104 : i32 to vector<16xi32>
    %parallel_loop3A_106 = arith.constant 0 : i32
    %parallel_loop3A_107 = arith.constant 4096 : i32
    %parallel_loop3A_108 = arith.constant 1 : i32
    %parallel_loop3A_109 = scf.for %parallel_loop3A_116 = %parallel_loop3A_106 to %parallel_loop3A_107 step %parallel_loop3A_108 iter_args(%parallel_loop3A_117 = %broadcast_in_dim3A_105) -> (vector<16xi32>)  : i32 {
      %parallel_loop3A_118 = arith.constant 32 : i32
      %parallel_loop3A_119 = arith.divsi %parallel_loop3A_116, %parallel_loop3A_118 : i32
      %parallel_loop3A_120 = arith.constant 0 : i32
      %parallel_loop3A_121 = arith.cmpi sgt, %parallel_loop3A_116, %parallel_loop3A_120 : i32
      %parallel_loop3A_122 = arith.extui %parallel_loop3A_121 : i1 to i32
      %parallel_loop3A_123 = arith.constant 0 : i32
      %parallel_loop3A_124 = arith.cmpi slt, %parallel_loop3A_116, %parallel_loop3A_123 : i32
      %parallel_loop3A_125 = arith.extui %parallel_loop3A_124 : i1 to i32
      %parallel_loop3A_126 = arith.subi %parallel_loop3A_122, %parallel_loop3A_125 : i32
      %parallel_loop3A_127 = arith.constant 0 : i32
      %parallel_loop3A_128 = arith.cmpi sgt, %parallel_loop3A_118, %parallel_loop3A_127 : i32
      %parallel_loop3A_129 = arith.extui %parallel_loop3A_128 : i1 to i32
      %parallel_loop3A_130 = arith.constant 0 : i32
      %parallel_loop3A_131 = arith.cmpi slt, %parallel_loop3A_118, %parallel_loop3A_130 : i32
      %parallel_loop3A_132 = arith.extui %parallel_loop3A_131 : i1 to i32
      %parallel_loop3A_133 = arith.subi %parallel_loop3A_129, %parallel_loop3A_132 : i32
      %parallel_loop3A_134 = arith.cmpi ne, %parallel_loop3A_126, %parallel_loop3A_133 : i32
      %parallel_loop3A_135 = arith.remsi %parallel_loop3A_116, %parallel_loop3A_118 : i32
      %parallel_loop3A_136 = arith.constant 0 : i32
      %parallel_loop3A_137 = arith.cmpi ne, %parallel_loop3A_135, %parallel_loop3A_136 : i32
      %parallel_loop3A_138 = arith.andi %parallel_loop3A_134, %parallel_loop3A_137 : i1
      %parallel_loop3A_139 = arith.constant 1 : i32
      %parallel_loop3A_140 = arith.subi %parallel_loop3A_119, %parallel_loop3A_139 : i32
      %parallel_loop3A_141 = arith.select %parallel_loop3A_138, %parallel_loop3A_140, %parallel_loop3A_119 : i32
      %parallel_loop3A_142 = arith.constant 32 : i32
      %parallel_loop3A_143 = arith.constant 0 : i32
      %parallel_loop3A_144 = arith.cmpi eq, %parallel_loop3A_142, %parallel_loop3A_143 : i32
      %parallel_loop3A_145 = arith.constant 1 : i32
      %parallel_loop3A_146 = arith.select %parallel_loop3A_144, %parallel_loop3A_145, %parallel_loop3A_142 : i32
      %parallel_loop3A_147 = arith.remsi %parallel_loop3A_116, %parallel_loop3A_146 : i32
      %parallel_loop3A_148 = arith.constant 0 : i32
      %parallel_loop3A_149 = arith.cmpi ne, %parallel_loop3A_147, %parallel_loop3A_148 : i32
      %parallel_loop3A_150 = arith.constant 0 : i32
      %parallel_loop3A_151 = arith.cmpi slt, %parallel_loop3A_147, %parallel_loop3A_150 : i32
      %parallel_loop3A_152 = arith.constant 0 : i32
      %parallel_loop3A_153 = arith.cmpi slt, %parallel_loop3A_146, %parallel_loop3A_152 : i32
      %parallel_loop3A_154 = arith.xori %parallel_loop3A_151, %parallel_loop3A_153 : i1
      %parallel_loop3A_155 = arith.andi %parallel_loop3A_154, %parallel_loop3A_149 : i1
      %parallel_loop3A_156 = arith.addi %parallel_loop3A_147, %parallel_loop3A_146 : i32
      %parallel_loop3A_157 = arith.select %parallel_loop3A_155, %parallel_loop3A_156, %parallel_loop3A_147 : i32
      %parallel_loop3A_158 = arith.constant 16 : i32
      %parallel_loop3A_159 = arith.muli %parallel_loop3A_157, %parallel_loop3A_158 : i32
      %parallel_loop3A_160 = arith.index_cast %parallel_loop3A_141 : i32 to index
      %parallel_loop3A_161 = arith.index_cast %parallel_loop3A_159 : i32 to index
      %parallel_loop3A_162 = tpu.vector_load %arg5[%parallel_loop3A_160, %parallel_loop3A_161] {strides = array<i32>} : memref<128x512xf32, #tpu.memory_space<vmem>>, vector<16xf32>,
      %parallel_loop3A_163 = vector.bitcast %parallel_loop3A_162 : vector<16xf32> to vector<16xi32>
      %parallel_loop3A_164 = arith.constant 1.024000e+03 : f32
      %parallel_loop3A_165 = vector.broadcast %parallel_loop3A_164 : f32 to vector<16xf32>
      %parallel_loop3A_166 = arith.mulf %parallel_loop3A_162, %parallel_loop3A_165 : vector<16xf32>
      %parallel_loop3A_167 = arith.fptosi %parallel_loop3A_166 : vector<16xf32> to vector<16xi32>
      %parallel_loop3A_168 = arith.constant 1023 : i32
      %parallel_loop3A_169 = vector.broadcast %parallel_loop3A_168 : i32 to vector<16xi32>
      %parallel_loop3A_170 = arith.minsi %parallel_loop3A_167, %parallel_loop3A_169 : vector<16xi32>
      %parallel_loop3A_171 = vector.broadcast %reduce_sum3A_88 : i32 to vector<16xi32>
      %parallel_loop3A_172 = arith.cmpi eq, %parallel_loop3A_170, %parallel_loop3A_171 : vector<16xi32>
      %parallel_loop3A_173 = arith.constant 32 : i32
      %parallel_loop3A_174 = vector.broadcast %parallel_loop3A_173 : i32 to vector<16xi32>
      %parallel_loop3A_175 = arith.cmpi slt, %parallel_loop3A_117, %parallel_loop3A_174 : vector<16xi32>
      %parallel_loop3A_176 = arith.andi %parallel_loop3A_172, %parallel_loop3A_175 : vector<16xi1>
      %parallel_loop3A_177 = arith.constant 32 : i32
      %parallel_loop3A_178 = vector.broadcast %parallel_loop3A_177 : i32 to vector<16xi32>
      %parallel_loop3A_179 = arith.muli %iota3A, %parallel_loop3A_178 : vector<16xi32>
      %parallel_loop3A_180 = arith.addi %parallel_loop3A_179, %parallel_loop3A_117 : vector<16xi32>
      tpu.vector_store_idx %arg9[%parallel_loop3A_180], %parallel_loop3A_163 masked %parallel_loop3A_176 : memref<512xi32, #tpu.memory_space<vmem>>[vector<16xi32>], vector<16xi32>, vector<16xi1>
      %parallel_loop3A_181 = arith.constant 16 : i32
      %parallel_loop3A_182 = arith.muli %parallel_loop3A_116, %parallel_loop3A_181 : i32
      %parallel_loop3A_183 = vector.broadcast %parallel_loop3A_182 : i32 to vector<16xi32>
      %parallel_loop3A_184 = arith.addi %add3A_103, %parallel_loop3A_183 : vector<16xi32>
      tpu.vector_store_idx %arg10[%parallel_loop3A_180], %parallel_loop3A_184 masked %parallel_loop3A_176 : memref<512xi32, #tpu.memory_space<vmem>>[vector<16xi32>], vector<16xi32>, vector<16xi1>
      %parallel_loop3A_185 = arith.constant 1 : i32
      %parallel_loop3A_186 = arith.constant 0 : i32
      %parallel_loop3A_187 = vector.broadcast %parallel_loop3A_185 : i32 to vector<16xi32>
      %parallel_loop3A_188 = vector.broadcast %parallel_loop3A_186 : i32 to vector<16xi32>
      %parallel_loop3A_189 = arith.select %parallel_loop3A_176, %parallel_loop3A_187, %parallel_loop3A_188 : vector<16xi1>, vector<16xi32>
      %parallel_loop3A_190 = arith.addi %parallel_loop3A_117, %parallel_loop3A_189 : vector<16xi32>
      scf.yield %parallel_loop3A_190 : vector<16xi32>
    } {sc.loop_unroll_factor = 8 : i64, sc.parallel_access}
    "tpu.region"() ({
      %run_scoped3A = tpu.sem_alloc : memref<!tpu.dma_semaphore, #tpu.memory_space<semaphore_mem>>
      %dma_start3A_116 = arith.constant 0 : i32
      %dma_start3A_117 = tpu.memref_slice %arg17[%select_n3A, %select_n3A_28, %dma_start3A_116] : memref<4x4x512xi32, #tpu.memory_space<vmem_shared>> -> memref<1x1x512xi32, #tpu.memory_space<vmem_shared>>
      %dma_start3A_118 = tpu.memref_squeeze %dma_start3A_117 : memref<1x1x512xi32, #tpu.memory_space<vmem_shared>> -> memref<512xi32, #tpu.memory_space<vmem_shared>>
      %dma_start3A_119 = arith.constant 0 : i32
      %dma_start3A_120 = tpu.memref_slice %arg17[%select_n3A, %select_n3A_28, %dma_start3A_119] : memref<4x4x512xi32, #tpu.memory_space<vmem_shared>> -> memref<1x1x512xi32, #tpu.memory_space<vmem_shared>>
      %dma_start3A_121 = tpu.memref_squeeze %dma_start3A_120 : memref<1x1x512xi32, #tpu.memory_space<vmem_shared>> -> memref<512xi32, #tpu.memory_space<vmem_shared>>
      tpu.enqueue_dma source(%arg9 : memref<512xi32, #tpu.memory_space<vmem>>) target(%dma_start3A_121 : memref<512xi32, #tpu.memory_space<vmem_shared>>) target_semaphore(%run_scoped3A : memref<!tpu.dma_semaphore, #tpu.memory_space<semaphore_mem>>)
      %dma_wait3A_122 = arith.constant 0 : i32
      %dma_wait3A_123 = tpu.memref_slice %arg17[%select_n3A, %select_n3A_28, %dma_wait3A_122] : memref<4x4x512xi32, #tpu.memory_space<vmem_shared>> -> memref<1x1x512xi32, #tpu.memory_space<vmem_shared>>
      %dma_wait3A_124 = tpu.memref_squeeze %dma_wait3A_123 : memref<1x1x512xi32, #tpu.memory_space<vmem_shared>> -> memref<512xi32, #tpu.memory_space<vmem_shared>>
      %dma_wait3A_125 = arith.constant 0 : i32
      %dma_wait3A_126 = tpu.memref_slice %arg17[%select_n3A, %select_n3A_28, %dma_wait3A_125] : memref<4x4x512xi32, #tpu.memory_space<vmem_shared>> -> memref<1x1x512xi32, #tpu.memory_space<vmem_shared>>
      %dma_wait3A_127 = tpu.memref_squeeze %dma_wait3A_126 : memref<1x1x512xi32, #tpu.memory_space<vmem_shared>> -> memref<512xi32, #tpu.memory_space<vmem_shared>>
      tpu.wait_dma2 semaphore(%run_scoped3A : memref<!tpu.dma_semaphore, #tpu.memory_space<semaphore_mem>>) src(%arg9 : memref<512xi32, #tpu.memory_space<vmem>>) dst(%dma_wait3A_127 : memref<512xi32, #tpu.memory_space<vmem_shared>>)
      tpu.yield
    }) : () -> ()
    "tpu.region"() ({
      %run_scoped3A = tpu.sem_alloc : memref<!tpu.dma_semaphore, #tpu.memory_space<semaphore_mem>>
      %dma_start3A_116 = arith.constant 0 : i32
      %dma_start3A_117 = tpu.memref_slice %arg18[%select_n3A, %select_n3A_28, %dma_start3A_116] : memref<4x4x512xi32, #tpu.memory_space<vmem_shared>> -> memref<1x1x512xi32, #tpu.memory_space<vmem_shared>>
      %dma_start3A_118 = tpu.memref_squeeze %dma_start3A_117 : memref<1x1x512xi32, #tpu.memory_space<vmem_shared>> -> memref<512xi32, #tpu.memory_space<vmem_shared>>
      %dma_start3A_119 = arith.constant 0 : i32
      %dma_start3A_120 = tpu.memref_slice %arg18[%select_n3A, %select_n3A_28, %dma_start3A_119] : memref<4x4x512xi32, #tpu.memory_space<vmem_shared>> -> memref<1x1x512xi32, #tpu.memory_space<vmem_shared>>
      %dma_start3A_121 = tpu.memref_squeeze %dma_start3A_120 : memref<1x1x512xi32, #tpu.memory_space<vmem_shared>> -> memref<512xi32, #tpu.memory_space<vmem_shared>>
      tpu.enqueue_dma source(%arg10 : memref<512xi32, #tpu.memory_space<vmem>>) target(%dma_start3A_121 : memref<512xi32, #tpu.memory_space<vmem_shared>>) target_semaphore(%run_scoped3A : memref<!tpu.dma_semaphore, #tpu.memory_space<semaphore_mem>>)
      %dma_wait3A_122 = arith.constant 0 : i32
      %dma_wait3A_123 = tpu.memref_slice %arg18[%select_n3A, %select_n3A_28, %dma_wait3A_122] : memref<4x4x512xi32, #tpu.memory_space<vmem_shared>> -> memref<1x1x512xi32, #tpu.memory_space<vmem_shared>>
      %dma_wait3A_124 = tpu.memref_squeeze %dma_wait3A_123 : memref<1x1x512xi32, #tpu.memory_space<vmem_shared>> -> memref<512xi32, #tpu.memory_space<vmem_shared>>
      %dma_wait3A_125 = arith.constant 0 : i32
      %dma_wait3A_126 = tpu.memref_slice %arg18[%select_n3A, %select_n3A_28, %dma_wait3A_125] : memref<4x4x512xi32, #tpu.memory_space<vmem_shared>> -> memref<1x1x512xi32, #tpu.memory_space<vmem_shared>>
      %dma_wait3A_127 = tpu.memref_squeeze %dma_wait3A_126 : memref<1x1x512xi32, #tpu.memory_space<vmem_shared>> -> memref<512xi32, #tpu.memory_space<vmem_shared>>
      tpu.wait_dma2 semaphore(%run_scoped3A : memref<!tpu.dma_semaphore, #tpu.memory_space<semaphore_mem>>) src(%arg10 : memref<512xi32, #tpu.memory_space<vmem>>) dst(%dma_wait3A_127 : memref<512xi32, #tpu.memory_space<vmem_shared>>)
      tpu.yield
    }) : () -> ()
    %barrier3A_110 = arith.constant 0 : index
    tpu.barrier barrier_id(%barrier3A_110)
    %eq3A_111 = arith.constant 0 : i32
    %eq3A_112 = arith.cmpi eq, %select_n3A_28, %eq3A_111 : i32
    %convert_element_type3A_113 = arith.extui %eq3A_112 : i1 to i32
    %cond3A_114 = arith.constant 0 : i32
    %cond3A_115 = arith.cmpi ne, %convert_element_type3A_113, %cond3A_114 : i32
    scf.if %cond3A_115 {
      %run_scoped3A = arith.constant 0 : i32
      "tpu.region"() ({
        %run_scoped3A_170 = tpu.sem_alloc : memref<!tpu.dma_semaphore, #tpu.memory_space<semaphore_mem>>
        %dma_start3A_171 = arith.constant 0 : i32
        %dma_start3A_172 = tpu.memref_slice %arg11[%dma_start3A_171] : memref<2048xi32, #tpu.memory_space<vmem>> -> memref<512xi32, #tpu.memory_space<vmem>>
        %dma_start3A_173 = arith.constant 0 : i32
        %dma_start3A_174 = tpu.memref_slice %arg17[%select_n3A, %run_scoped3A, %dma_start3A_173] : memref<4x4x512xi32, #tpu.memory_space<vmem_shared>> -> memref<1x1x512xi32, #tpu.memory_space<vmem_shared>>
        %dma_start3A_175 = tpu.memref_squeeze %dma_start3A_174 : memref<1x1x512xi32, #tpu.memory_space<vmem_shared>> -> memref<512xi32, #tpu.memory_space<vmem_shared>>
        %dma_start3A_176 = arith.constant 0 : i32
        %dma_start3A_177 = tpu.memref_slice %arg11[%dma_start3A_176] : memref<2048xi32, #tpu.memory_space<vmem>> -> memref<512xi32, #tpu.memory_space<vmem>>
        %dma_start3A_178 = arith.constant 0 : i32
        %dma_start3A_179 = tpu.memref_slice %arg17[%select_n3A, %run_scoped3A, %dma_start3A_178] : memref<4x4x512xi32, #tpu.memory_space<vmem_shared>> -> memref<1x1x512xi32, #tpu.memory_space<vmem_shared>>
        %dma_start3A_180 = tpu.memref_squeeze %dma_start3A_179 : memref<1x1x512xi32, #tpu.memory_space<vmem_shared>> -> memref<512xi32, #tpu.memory_space<vmem_shared>>
        tpu.enqueue_dma source(%dma_start3A_180 : memref<512xi32, #tpu.memory_space<vmem_shared>>) target(%dma_start3A_177 : memref<512xi32, #tpu.memory_space<vmem>>) target_semaphore(%run_scoped3A_170 : memref<!tpu.dma_semaphore, #tpu.memory_space<semaphore_mem>>)
        %dma_wait3A_181 = arith.constant 0 : i32
        %dma_wait3A_182 = tpu.memref_slice %arg11[%dma_wait3A_181] : memref<2048xi32, #tpu.memory_space<vmem>> -> memref<512xi32, #tpu.memory_space<vmem>>
        %dma_wait3A_183 = arith.constant 0 : i32
        %dma_wait3A_184 = tpu.memref_slice %arg17[%select_n3A, %run_scoped3A, %dma_wait3A_183] : memref<4x4x512xi32, #tpu.memory_space<vmem_shared>> -> memref<1x1x512xi32, #tpu.memory_space<vmem_shared>>
        %dma_wait3A_185 = tpu.memref_squeeze %dma_wait3A_184 : memref<1x1x512xi32, #tpu.memory_space<vmem_shared>> -> memref<512xi32, #tpu.memory_space<vmem_shared>>
        %dma_wait3A_186 = arith.constant 0 : i32
        %dma_wait3A_187 = tpu.memref_slice %arg11[%dma_wait3A_186] : memref<2048xi32, #tpu.memory_space<vmem>> -> memref<512xi32, #tpu.memory_space<vmem>>
        %dma_wait3A_188 = arith.constant 0 : i32
        %dma_wait3A_189 = tpu.memref_slice %arg17[%select_n3A, %run_scoped3A, %dma_wait3A_188] : memref<4x4x512xi32, #tpu.memory_space<vmem_shared>> -> memref<1x1x512xi32, #tpu.memory_space<vmem_shared>>
        %dma_wait3A_190 = tpu.memref_squeeze %dma_wait3A_189 : memref<1x1x512xi32, #tpu.memory_space<vmem_shared>> -> memref<512xi32, #tpu.memory_space<vmem_shared>>
        tpu.wait_dma2 semaphore(%run_scoped3A_170 : memref<!tpu.dma_semaphore, #tpu.memory_space<semaphore_mem>>) src(%dma_wait3A_190 : memref<512xi32, #tpu.memory_space<vmem_shared>>) dst(%dma_wait3A_187 : memref<512xi32, #tpu.memory_space<vmem>>)
        tpu.yield
      }) : () -> ()
      %run_scoped3A_116 = arith.constant 0 : i32
      "tpu.region"() ({
        %run_scoped3A_170 = tpu.sem_alloc : memref<!tpu.dma_semaphore, #tpu.memory_space<semaphore_mem>>
        %dma_start3A_171 = arith.constant 0 : i32
        %dma_start3A_172 = tpu.memref_slice %arg12[%dma_start3A_171] : memref<2048xi32, #tpu.memory_space<vmem>> -> memref<512xi32, #tpu.memory_space<vmem>>
        %dma_start3A_173 = arith.constant 0 : i32
        %dma_start3A_174 = tpu.memref_slice %arg18[%select_n3A, %run_scoped3A_116, %dma_start3A_173] : memref<4x4x512xi32, #tpu.memory_space<vmem_shared>> -> memref<1x1x512xi32, #tpu.memory_space<vmem_shared>>
        %dma_start3A_175 = tpu.memref_squeeze %dma_start3A_174 : memref<1x1x512xi32, #tpu.memory_space<vmem_shared>> -> memref<512xi32, #tpu.memory_space<vmem_shared>>
        %dma_start3A_176 = arith.constant 0 : i32
        %dma_start3A_177 = tpu.memref_slice %arg12[%dma_start3A_176] : memref<2048xi32, #tpu.memory_space<vmem>> -> memref<512xi32, #tpu.memory_space<vmem>>
        %dma_start3A_178 = arith.constant 0 : i32
        %dma_start3A_179 = tpu.memref_slice %arg18[%select_n3A, %run_scoped3A_116, %dma_start3A_178] : memref<4x4x512xi32, #tpu.memory_space<vmem_shared>> -> memref<1x1x512xi32, #tpu.memory_space<vmem_shared>>
        %dma_start3A_180 = tpu.memref_squeeze %dma_start3A_179 : memref<1x1x512xi32, #tpu.memory_space<vmem_shared>> -> memref<512xi32, #tpu.memory_space<vmem_shared>>
        tpu.enqueue_dma source(%dma_start3A_180 : memref<512xi32, #tpu.memory_space<vmem_shared>>) target(%dma_start3A_177 : memref<512xi32, #tpu.memory_space<vmem>>) target_semaphore(%run_scoped3A_170 : memref<!tpu.dma_semaphore, #tpu.memory_space<semaphore_mem>>)
        %dma_wait3A_181 = arith.constant 0 : i32
        %dma_wait3A_182 = tpu.memref_slice %arg12[%dma_wait3A_181] : memref<2048xi32, #tpu.memory_space<vmem>> -> memref<512xi32, #tpu.memory_space<vmem>>
        %dma_wait3A_183 = arith.constant 0 : i32
        %dma_wait3A_184 = tpu.memref_slice %arg18[%select_n3A, %run_scoped3A_116, %dma_wait3A_183] : memref<4x4x512xi32, #tpu.memory_space<vmem_shared>> -> memref<1x1x512xi32, #tpu.memory_space<vmem_shared>>
        %dma_wait3A_185 = tpu.memref_squeeze %dma_wait3A_184 : memref<1x1x512xi32, #tpu.memory_space<vmem_shared>> -> memref<512xi32, #tpu.memory_space<vmem_shared>>
        %dma_wait3A_186 = arith.constant 0 : i32
        %dma_wait3A_187 = tpu.memref_slice %arg12[%dma_wait3A_186] : memref<2048xi32, #tpu.memory_space<vmem>> -> memref<512xi32, #tpu.memory_space<vmem>>
        %dma_wait3A_188 = arith.constant 0 : i32
        %dma_wait3A_189 = tpu.memref_slice %arg18[%select_n3A, %run_scoped3A_116, %dma_wait3A_188] : memref<4x4x512xi32, #tpu.memory_space<vmem_shared>> -> memref<1x1x512xi32, #tpu.memory_space<vmem_shared>>
        %dma_wait3A_190 = tpu.memref_squeeze %dma_wait3A_189 : memref<1x1x512xi32, #tpu.memory_space<vmem_shared>> -> memref<512xi32, #tpu.memory_space<vmem_shared>>
        tpu.wait_dma2 semaphore(%run_scoped3A_170 : memref<!tpu.dma_semaphore, #tpu.memory_space<semaphore_mem>>) src(%dma_wait3A_190 : memref<512xi32, #tpu.memory_space<vmem_shared>>) dst(%dma_wait3A_187 : memref<512xi32, #tpu.memory_space<vmem>>)
        tpu.yield
      }) : () -> ()
      %run_scoped3A_117 = arith.constant 1 : i32
      "tpu.region"() ({
        %run_scoped3A_170 = tpu.sem_alloc : memref<!tpu.dma_semaphore, #tpu.memory_space<semaphore_mem>>
        %dma_start3A_171 = arith.constant 512 : i32
        %dma_start3A_172 = tpu.memref_slice %arg11[%dma_start3A_171] : memref<2048xi32, #tpu.memory_space<vmem>> -> memref<512xi32, #tpu.memory_space<vmem>>
        %dma_start3A_173 = arith.constant 0 : i32
        %dma_start3A_174 = tpu.memref_slice %arg17[%select_n3A, %run_scoped3A_117, %dma_start3A_173] : memref<4x4x512xi32, #tpu.memory_space<vmem_shared>> -> memref<1x1x512xi32, #tpu.memory_space<vmem_shared>>
        %dma_start3A_175 = tpu.memref_squeeze %dma_start3A_174 : memref<1x1x512xi32, #tpu.memory_space<vmem_shared>> -> memref<512xi32, #tpu.memory_space<vmem_shared>>
        %dma_start3A_176 = arith.constant 512 : i32
        %dma_start3A_177 = tpu.memref_slice %arg11[%dma_start3A_176] : memref<2048xi32, #tpu.memory_space<vmem>> -> memref<512xi32, #tpu.memory_space<vmem>>
        %dma_start3A_178 = arith.constant 0 : i32
        %dma_start3A_179 = tpu.memref_slice %arg17[%select_n3A, %run_scoped3A_117, %dma_start3A_178] : memref<4x4x512xi32, #tpu.memory_space<vmem_shared>> -> memref<1x1x512xi32, #tpu.memory_space<vmem_shared>>
        %dma_start3A_180 = tpu.memref_squeeze %dma_start3A_179 : memref<1x1x512xi32, #tpu.memory_space<vmem_shared>> -> memref<512xi32, #tpu.memory_space<vmem_shared>>
        tpu.enqueue_dma source(%dma_start3A_180 : memref<512xi32, #tpu.memory_space<vmem_shared>>) target(%dma_start3A_177 : memref<512xi32, #tpu.memory_space<vmem>>) target_semaphore(%run_scoped3A_170 : memref<!tpu.dma_semaphore, #tpu.memory_space<semaphore_mem>>)
        %dma_wait3A_181 = arith.constant 512 : i32
        %dma_wait3A_182 = tpu.memref_slice %arg11[%dma_wait3A_181] : memref<2048xi32, #tpu.memory_space<vmem>> -> memref<512xi32, #tpu.memory_space<vmem>>
        %dma_wait3A_183 = arith.constant 0 : i32
        %dma_wait3A_184 = tpu.memref_slice %arg17[%select_n3A, %run_scoped3A_117, %dma_wait3A_183] : memref<4x4x512xi32, #tpu.memory_space<vmem_shared>> -> memref<1x1x512xi32, #tpu.memory_space<vmem_shared>>
        %dma_wait3A_185 = tpu.memref_squeeze %dma_wait3A_184 : memref<1x1x512xi32, #tpu.memory_space<vmem_shared>> -> memref<512xi32, #tpu.memory_space<vmem_shared>>
        %dma_wait3A_186 = arith.constant 512 : i32
        %dma_wait3A_187 = tpu.memref_slice %arg11[%dma_wait3A_186] : memref<2048xi32, #tpu.memory_space<vmem>> -> memref<512xi32, #tpu.memory_space<vmem>>
        %dma_wait3A_188 = arith.constant 0 : i32
        %dma_wait3A_189 = tpu.memref_slice %arg17[%select_n3A, %run_scoped3A_117, %dma_wait3A_188] : memref<4x4x512xi32, #tpu.memory_space<vmem_shared>> -> memref<1x1x512xi32, #tpu.memory_space<vmem_shared>>
        %dma_wait3A_190 = tpu.memref_squeeze %dma_wait3A_189 : memref<1x1x512xi32, #tpu.memory_space<vmem_shared>> -> memref<512xi32, #tpu.memory_space<vmem_shared>>
        tpu.wait_dma2 semaphore(%run_scoped3A_170 : memref<!tpu.dma_semaphore, #tpu.memory_space<semaphore_mem>>) src(%dma_wait3A_190 : memref<512xi32, #tpu.memory_space<vmem_shared>>) dst(%dma_wait3A_187 : memref<512xi32, #tpu.memory_space<vmem>>)
        tpu.yield
      }) : () -> ()
      %run_scoped3A_118 = arith.constant 1 : i32
      "tpu.region"() ({
        %run_scoped3A_170 = tpu.sem_alloc : memref<!tpu.dma_semaphore, #tpu.memory_space<semaphore_mem>>
        %dma_start3A_171 = arith.constant 512 : i32
        %dma_start3A_172 = tpu.memref_slice %arg12[%dma_start3A_171] : memref<2048xi32, #tpu.memory_space<vmem>> -> memref<512xi32, #tpu.memory_space<vmem>>
        %dma_start3A_173 = arith.constant 0 : i32
        %dma_start3A_174 = tpu.memref_slice %arg18[%select_n3A, %run_scoped3A_118, %dma_start3A_173] : memref<4x4x512xi32, #tpu.memory_space<vmem_shared>> -> memref<1x1x512xi32, #tpu.memory_space<vmem_shared>>
        %dma_start3A_175 = tpu.memref_squeeze %dma_start3A_174 : memref<1x1x512xi32, #tpu.memory_space<vmem_shared>> -> memref<512xi32, #tpu.memory_space<vmem_shared>>
        %dma_start3A_176 = arith.constant 512 : i32
        %dma_start3A_177 = tpu.memref_slice %arg12[%dma_start3A_176] : memref<2048xi32, #tpu.memory_space<vmem>> -> memref<512xi32, #tpu.memory_space<vmem>>
        %dma_start3A_178 = arith.constant 0 : i32
        %dma_start3A_179 = tpu.memref_slice %arg18[%select_n3A, %run_scoped3A_118, %dma_start3A_178] : memref<4x4x512xi32, #tpu.memory_space<vmem_shared>> -> memref<1x1x512xi32, #tpu.memory_space<vmem_shared>>
        %dma_start3A_180 = tpu.memref_squeeze %dma_start3A_179 : memref<1x1x512xi32, #tpu.memory_space<vmem_shared>> -> memref<512xi32, #tpu.memory_space<vmem_shared>>
        tpu.enqueue_dma source(%dma_start3A_180 : memref<512xi32, #tpu.memory_space<vmem_shared>>) target(%dma_start3A_177 : memref<512xi32, #tpu.memory_space<vmem>>) target_semaphore(%run_scoped3A_170 : memref<!tpu.dma_semaphore, #tpu.memory_space<semaphore_mem>>)
        %dma_wait3A_181 = arith.constant 512 : i32
        %dma_wait3A_182 = tpu.memref_slice %arg12[%dma_wait3A_181] : memref<2048xi32, #tpu.memory_space<vmem>> -> memref<512xi32, #tpu.memory_space<vmem>>
        %dma_wait3A_183 = arith.constant 0 : i32
        %dma_wait3A_184 = tpu.memref_slice %arg18[%select_n3A, %run_scoped3A_118, %dma_wait3A_183] : memref<4x4x512xi32, #tpu.memory_space<vmem_shared>> -> memref<1x1x512xi32, #tpu.memory_space<vmem_shared>>
        %dma_wait3A_185 = tpu.memref_squeeze %dma_wait3A_184 : memref<1x1x512xi32, #tpu.memory_space<vmem_shared>> -> memref<512xi32, #tpu.memory_space<vmem_shared>>
        %dma_wait3A_186 = arith.constant 512 : i32
        %dma_wait3A_187 = tpu.memref_slice %arg12[%dma_wait3A_186] : memref<2048xi32, #tpu.memory_space<vmem>> -> memref<512xi32, #tpu.memory_space<vmem>>
        %dma_wait3A_188 = arith.constant 0 : i32
        %dma_wait3A_189 = tpu.memref_slice %arg18[%select_n3A, %run_scoped3A_118, %dma_wait3A_188] : memref<4x4x512xi32, #tpu.memory_space<vmem_shared>> -> memref<1x1x512xi32, #tpu.memory_space<vmem_shared>>
        %dma_wait3A_190 = tpu.memref_squeeze %dma_wait3A_189 : memref<1x1x512xi32, #tpu.memory_space<vmem_shared>> -> memref<512xi32, #tpu.memory_space<vmem_shared>>
        tpu.wait_dma2 semaphore(%run_scoped3A_170 : memref<!tpu.dma_semaphore, #tpu.memory_space<semaphore_mem>>) src(%dma_wait3A_190 : memref<512xi32, #tpu.memory_space<vmem_shared>>) dst(%dma_wait3A_187 : memref<512xi32, #tpu.memory_space<vmem>>)
        tpu.yield
      }) : () -> ()
      %run_scoped3A_119 = arith.constant 2 : i32
      "tpu.region"() ({
        %run_scoped3A_170 = tpu.sem_alloc : memref<!tpu.dma_semaphore, #tpu.memory_space<semaphore_mem>>
        %dma_start3A_171 = arith.constant 1024 : i32
        %dma_start3A_172 = tpu.memref_slice %arg11[%dma_start3A_171] : memref<2048xi32, #tpu.memory_space<vmem>> -> memref<512xi32, #tpu.memory_space<vmem>>
        %dma_start3A_173 = arith.constant 0 : i32
        %dma_start3A_174 = tpu.memref_slice %arg17[%select_n3A, %run_scoped3A_119, %dma_start3A_173] : memref<4x4x512xi32, #tpu.memory_space<vmem_shared>> -> memref<1x1x512xi32, #tpu.memory_space<vmem_shared>>
        %dma_start3A_175 = tpu.memref_squeeze %dma_start3A_174 : memref<1x1x512xi32, #tpu.memory_space<vmem_shared>> -> memref<512xi32, #tpu.memory_space<vmem_shared>>
        %dma_start3A_176 = arith.constant 1024 : i32
        %dma_start3A_177 = tpu.memref_slice %arg11[%dma_start3A_176] : memref<2048xi32, #tpu.memory_space<vmem>> -> memref<512xi32, #tpu.memory_space<vmem>>
        %dma_start3A_178 = arith.constant 0 : i32
        %dma_start3A_179 = tpu.memref_slice %arg17[%select_n3A, %run_scoped3A_119, %dma_start3A_178] : memref<4x4x512xi32, #tpu.memory_space<vmem_shared>> -> memref<1x1x512xi32, #tpu.memory_space<vmem_shared>>
        %dma_start3A_180 = tpu.memref_squeeze %dma_start3A_179 : memref<1x1x512xi32, #tpu.memory_space<vmem_shared>> -> memref<512xi32, #tpu.memory_space<vmem_shared>>
        tpu.enqueue_dma source(%dma_start3A_180 : memref<512xi32, #tpu.memory_space<vmem_shared>>) target(%dma_start3A_177 : memref<512xi32, #tpu.memory_space<vmem>>) target_semaphore(%run_scoped3A_170 : memref<!tpu.dma_semaphore, #tpu.memory_space<semaphore_mem>>)
        %dma_wait3A_181 = arith.constant 1024 : i32
        %dma_wait3A_182 = tpu.memref_slice %arg11[%dma_wait3A_181] : memref<2048xi32, #tpu.memory_space<vmem>> -> memref<512xi32, #tpu.memory_space<vmem>>
        %dma_wait3A_183 = arith.constant 0 : i32
        %dma_wait3A_184 = tpu.memref_slice %arg17[%select_n3A, %run_scoped3A_119, %dma_wait3A_183] : memref<4x4x512xi32, #tpu.memory_space<vmem_shared>> -> memref<1x1x512xi32, #tpu.memory_space<vmem_shared>>
        %dma_wait3A_185 = tpu.memref_squeeze %dma_wait3A_184 : memref<1x1x512xi32, #tpu.memory_space<vmem_shared>> -> memref<512xi32, #tpu.memory_space<vmem_shared>>
        %dma_wait3A_186 = arith.constant 1024 : i32
        %dma_wait3A_187 = tpu.memref_slice %arg11[%dma_wait3A_186] : memref<2048xi32, #tpu.memory_space<vmem>> -> memref<512xi32, #tpu.memory_space<vmem>>
        %dma_wait3A_188 = arith.constant 0 : i32
        %dma_wait3A_189 = tpu.memref_slice %arg17[%select_n3A, %run_scoped3A_119, %dma_wait3A_188] : memref<4x4x512xi32, #tpu.memory_space<vmem_shared>> -> memref<1x1x512xi32, #tpu.memory_space<vmem_shared>>
        %dma_wait3A_190 = tpu.memref_squeeze %dma_wait3A_189 : memref<1x1x512xi32, #tpu.memory_space<vmem_shared>> -> memref<512xi32, #tpu.memory_space<vmem_shared>>
        tpu.wait_dma2 semaphore(%run_scoped3A_170 : memref<!tpu.dma_semaphore, #tpu.memory_space<semaphore_mem>>) src(%dma_wait3A_190 : memref<512xi32, #tpu.memory_space<vmem_shared>>) dst(%dma_wait3A_187 : memref<512xi32, #tpu.memory_space<vmem>>)
        tpu.yield
      }) : () -> ()
      %run_scoped3A_120 = arith.constant 2 : i32
      "tpu.region"() ({
        %run_scoped3A_170 = tpu.sem_alloc : memref<!tpu.dma_semaphore, #tpu.memory_space<semaphore_mem>>
        %dma_start3A_171 = arith.constant 1024 : i32
        %dma_start3A_172 = tpu.memref_slice %arg12[%dma_start3A_171] : memref<2048xi32, #tpu.memory_space<vmem>> -> memref<512xi32, #tpu.memory_space<vmem>>
        %dma_start3A_173 = arith.constant 0 : i32
        %dma_start3A_174 = tpu.memref_slice %arg18[%select_n3A, %run_scoped3A_120, %dma_start3A_173] : memref<4x4x512xi32, #tpu.memory_space<vmem_shared>> -> memref<1x1x512xi32, #tpu.memory_space<vmem_shared>>
        %dma_start3A_175 = tpu.memref_squeeze %dma_start3A_174 : memref<1x1x512xi32, #tpu.memory_space<vmem_shared>> -> memref<512xi32, #tpu.memory_space<vmem_shared>>
        %dma_start3A_176 = arith.constant 1024 : i32
        %dma_start3A_177 = tpu.memref_slice %arg12[%dma_start3A_176] : memref<2048xi32, #tpu.memory_space<vmem>> -> memref<512xi32, #tpu.memory_space<vmem>>
        %dma_start3A_178 = arith.constant 0 : i32
        %dma_start3A_179 = tpu.memref_slice %arg18[%select_n3A, %run_scoped3A_120, %dma_start3A_178] : memref<4x4x512xi32, #tpu.memory_space<vmem_shared>> -> memref<1x1x512xi32, #tpu.memory_space<vmem_shared>>
        %dma_start3A_180 = tpu.memref_squeeze %dma_start3A_179 : memref<1x1x512xi32, #tpu.memory_space<vmem_shared>> -> memref<512xi32, #tpu.memory_space<vmem_shared>>
        tpu.enqueue_dma source(%dma_start3A_180 : memref<512xi32, #tpu.memory_space<vmem_shared>>) target(%dma_start3A_177 : memref<512xi32, #tpu.memory_space<vmem>>) target_semaphore(%run_scoped3A_170 : memref<!tpu.dma_semaphore, #tpu.memory_space<semaphore_mem>>)
        %dma_wait3A_181 = arith.constant 1024 : i32
        %dma_wait3A_182 = tpu.memref_slice %arg12[%dma_wait3A_181] : memref<2048xi32, #tpu.memory_space<vmem>> -> memref<512xi32, #tpu.memory_space<vmem>>
        %dma_wait3A_183 = arith.constant 0 : i32
        %dma_wait3A_184 = tpu.memref_slice %arg18[%select_n3A, %run_scoped3A_120, %dma_wait3A_183] : memref<4x4x512xi32, #tpu.memory_space<vmem_shared>> -> memref<1x1x512xi32, #tpu.memory_space<vmem_shared>>
        %dma_wait3A_185 = tpu.memref_squeeze %dma_wait3A_184 : memref<1x1x512xi32, #tpu.memory_space<vmem_shared>> -> memref<512xi32, #tpu.memory_space<vmem_shared>>
        %dma_wait3A_186 = arith.constant 1024 : i32
        %dma_wait3A_187 = tpu.memref_slice %arg12[%dma_wait3A_186] : memref<2048xi32, #tpu.memory_space<vmem>> -> memref<512xi32, #tpu.memory_space<vmem>>
        %dma_wait3A_188 = arith.constant 0 : i32
        %dma_wait3A_189 = tpu.memref_slice %arg18[%select_n3A, %run_scoped3A_120, %dma_wait3A_188] : memref<4x4x512xi32, #tpu.memory_space<vmem_shared>> -> memref<1x1x512xi32, #tpu.memory_space<vmem_shared>>
        %dma_wait3A_190 = tpu.memref_squeeze %dma_wait3A_189 : memref<1x1x512xi32, #tpu.memory_space<vmem_shared>> -> memref<512xi32, #tpu.memory_space<vmem_shared>>
        tpu.wait_dma2 semaphore(%run_scoped3A_170 : memref<!tpu.dma_semaphore, #tpu.memory_space<semaphore_mem>>) src(%dma_wait3A_190 : memref<512xi32, #tpu.memory_space<vmem_shared>>) dst(%dma_wait3A_187 : memref<512xi32, #tpu.memory_space<vmem>>)
        tpu.yield
      }) : () -> ()
      %run_scoped3A_121 = arith.constant 3 : i32
      "tpu.region"() ({
        %run_scoped3A_170 = tpu.sem_alloc : memref<!tpu.dma_semaphore, #tpu.memory_space<semaphore_mem>>
        %dma_start3A_171 = arith.constant 1536 : i32
        %dma_start3A_172 = tpu.memref_slice %arg11[%dma_start3A_171] : memref<2048xi32, #tpu.memory_space<vmem>> -> memref<512xi32, #tpu.memory_space<vmem>>
        %dma_start3A_173 = arith.constant 0 : i32
        %dma_start3A_174 = tpu.memref_slice %arg17[%select_n3A, %run_scoped3A_121, %dma_start3A_173] : memref<4x4x512xi32, #tpu.memory_space<vmem_shared>> -> memref<1x1x512xi32, #tpu.memory_space<vmem_shared>>
        %dma_start3A_175 = tpu.memref_squeeze %dma_start3A_174 : memref<1x1x512xi32, #tpu.memory_space<vmem_shared>> -> memref<512xi32, #tpu.memory_space<vmem_shared>>
        %dma_start3A_176 = arith.constant 1536 : i32
        %dma_start3A_177 = tpu.memref_slice %arg11[%dma_start3A_176] : memref<2048xi32, #tpu.memory_space<vmem>> -> memref<512xi32, #tpu.memory_space<vmem>>
        %dma_start3A_178 = arith.constant 0 : i32
        %dma_start3A_179 = tpu.memref_slice %arg17[%select_n3A, %run_scoped3A_121, %dma_start3A_178] : memref<4x4x512xi32, #tpu.memory_space<vmem_shared>> -> memref<1x1x512xi32, #tpu.memory_space<vmem_shared>>
        %dma_start3A_180 = tpu.memref_squeeze %dma_start3A_179 : memref<1x1x512xi32, #tpu.memory_space<vmem_shared>> -> memref<512xi32, #tpu.memory_space<vmem_shared>>
        tpu.enqueue_dma source(%dma_start3A_180 : memref<512xi32, #tpu.memory_space<vmem_shared>>) target(%dma_start3A_177 : memref<512xi32, #tpu.memory_space<vmem>>) target_semaphore(%run_scoped3A_170 : memref<!tpu.dma_semaphore, #tpu.memory_space<semaphore_mem>>)
        %dma_wait3A_181 = arith.constant 1536 : i32
        %dma_wait3A_182 = tpu.memref_slice %arg11[%dma_wait3A_181] : memref<2048xi32, #tpu.memory_space<vmem>> -> memref<512xi32, #tpu.memory_space<vmem>>
        %dma_wait3A_183 = arith.constant 0 : i32
        %dma_wait3A_184 = tpu.memref_slice %arg17[%select_n3A, %run_scoped3A_121, %dma_wait3A_183] : memref<4x4x512xi32, #tpu.memory_space<vmem_shared>> -> memref<1x1x512xi32, #tpu.memory_space<vmem_shared>>
        %dma_wait3A_185 = tpu.memref_squeeze %dma_wait3A_184 : memref<1x1x512xi32, #tpu.memory_space<vmem_shared>> -> memref<512xi32, #tpu.memory_space<vmem_shared>>
        %dma_wait3A_186 = arith.constant 1536 : i32
        %dma_wait3A_187 = tpu.memref_slice %arg11[%dma_wait3A_186] : memref<2048xi32, #tpu.memory_space<vmem>> -> memref<512xi32, #tpu.memory_space<vmem>>
        %dma_wait3A_188 = arith.constant 0 : i32
        %dma_wait3A_189 = tpu.memref_slice %arg17[%select_n3A, %run_scoped3A_121, %dma_wait3A_188] : memref<4x4x512xi32, #tpu.memory_space<vmem_shared>> -> memref<1x1x512xi32, #tpu.memory_space<vmem_shared>>
        %dma_wait3A_190 = tpu.memref_squeeze %dma_wait3A_189 : memref<1x1x512xi32, #tpu.memory_space<vmem_shared>> -> memref<512xi32, #tpu.memory_space<vmem_shared>>
        tpu.wait_dma2 semaphore(%run_scoped3A_170 : memref<!tpu.dma_semaphore, #tpu.memory_space<semaphore_mem>>) src(%dma_wait3A_190 : memref<512xi32, #tpu.memory_space<vmem_shared>>) dst(%dma_wait3A_187 : memref<512xi32, #tpu.memory_space<vmem>>)
        tpu.yield
      }) : () -> ()
      %run_scoped3A_122 = arith.constant 3 : i32
      "tpu.region"() ({
        %run_scoped3A_170 = tpu.sem_alloc : memref<!tpu.dma_semaphore, #tpu.memory_space<semaphore_mem>>
        %dma_start3A_171 = arith.constant 1536 : i32
        %dma_start3A_172 = tpu.memref_slice %arg12[%dma_start3A_171] : memref<2048xi32, #tpu.memory_space<vmem>> -> memref<512xi32, #tpu.memory_space<vmem>>
        %dma_start3A_173 = arith.constant 0 : i32
        %dma_start3A_174 = tpu.memref_slice %arg18[%select_n3A, %run_scoped3A_122, %dma_start3A_173] : memref<4x4x512xi32, #tpu.memory_space<vmem_shared>> -> memref<1x1x512xi32, #tpu.memory_space<vmem_shared>>
        %dma_start3A_175 = tpu.memref_squeeze %dma_start3A_174 : memref<1x1x512xi32, #tpu.memory_space<vmem_shared>> -> memref<512xi32, #tpu.memory_space<vmem_shared>>
        %dma_start3A_176 = arith.constant 1536 : i32
        %dma_start3A_177 = tpu.memref_slice %arg12[%dma_start3A_176] : memref<2048xi32, #tpu.memory_space<vmem>> -> memref<512xi32, #tpu.memory_space<vmem>>
        %dma_start3A_178 = arith.constant 0 : i32
        %dma_start3A_179 = tpu.memref_slice %arg18[%select_n3A, %run_scoped3A_122, %dma_start3A_178] : memref<4x4x512xi32, #tpu.memory_space<vmem_shared>> -> memref<1x1x512xi32, #tpu.memory_space<vmem_shared>>
        %dma_start3A_180 = tpu.memref_squeeze %dma_start3A_179 : memref<1x1x512xi32, #tpu.memory_space<vmem_shared>> -> memref<512xi32, #tpu.memory_space<vmem_shared>>
        tpu.enqueue_dma source(%dma_start3A_180 : memref<512xi32, #tpu.memory_space<vmem_shared>>) target(%dma_start3A_177 : memref<512xi32, #tpu.memory_space<vmem>>) target_semaphore(%run_scoped3A_170 : memref<!tpu.dma_semaphore, #tpu.memory_space<semaphore_mem>>)
        %dma_wait3A_181 = arith.constant 1536 : i32
        %dma_wait3A_182 = tpu.memref_slice %arg12[%dma_wait3A_181] : memref<2048xi32, #tpu.memory_space<vmem>> -> memref<512xi32, #tpu.memory_space<vmem>>
        %dma_wait3A_183 = arith.constant 0 : i32
        %dma_wait3A_184 = tpu.memref_slice %arg18[%select_n3A, %run_scoped3A_122, %dma_wait3A_183] : memref<4x4x512xi32, #tpu.memory_space<vmem_shared>> -> memref<1x1x512xi32, #tpu.memory_space<vmem_shared>>
        %dma_wait3A_185 = tpu.memref_squeeze %dma_wait3A_184 : memref<1x1x512xi32, #tpu.memory_space<vmem_shared>> -> memref<512xi32, #tpu.memory_space<vmem_shared>>
        %dma_wait3A_186 = arith.constant 1536 : i32
        %dma_wait3A_187 = tpu.memref_slice %arg12[%dma_wait3A_186] : memref<2048xi32, #tpu.memory_space<vmem>> -> memref<512xi32, #tpu.memory_space<vmem>>
        %dma_wait3A_188 = arith.constant 0 : i32
        %dma_wait3A_189 = tpu.memref_slice %arg18[%select_n3A, %run_scoped3A_122, %dma_wait3A_188] : memref<4x4x512xi32, #tpu.memory_space<vmem_shared>> -> memref<1x1x512xi32, #tpu.memory_space<vmem_shared>>
        %dma_wait3A_190 = tpu.memref_squeeze %dma_wait3A_189 : memref<1x1x512xi32, #tpu.memory_space<vmem_shared>> -> memref<512xi32, #tpu.memory_space<vmem_shared>>
        tpu.wait_dma2 semaphore(%run_scoped3A_170 : memref<!tpu.dma_semaphore, #tpu.memory_space<semaphore_mem>>) src(%dma_wait3A_190 : memref<512xi32, #tpu.memory_space<vmem_shared>>) dst(%dma_wait3A_187 : memref<512xi32, #tpu.memory_space<vmem>>)
        tpu.yield
      }) : () -> ()
      %sub3A_123 = arith.subi %reduce_sum3A_39, %reduce_sum3A_99 : i32
      %sub3A_124 = arith.constant 1 : i32
      %sub3A_125 = arith.subi %reduce_sum3A_88, %sub3A_124 : i32
      %max3A = arith.constant 0 : i32
      %max3A_126 = arith.maxsi %sub3A_125, %max3A : i32
      %convert_element_type3A_127 = arith.sitofp %max3A_126 : i32 to f32
      %mul3A_128 = arith.constant 9.765625E-4 : f32
      %mul3A_129 = arith.mulf %convert_element_type3A_127, %mul3A_128 : f32
      %bitcast_convert_type3A = arith.bitcast %mul3A_129 : f32 to i32
      %sub3A_130 = arith.constant 1 : i32
      %sub3A_131 = arith.subi %bitcast_convert_type3A, %sub3A_130 : i32
      %add3A_132 = arith.constant 1 : i32
      %add3A_133 = arith.addi %reduce_sum3A_88, %add3A_132 : i32
      %convert_element_type3A_134 = arith.sitofp %add3A_133 : i32 to f32
      %mul3A_135 = arith.constant 9.765625E-4 : f32
      %mul3A_136 = arith.mulf %convert_element_type3A_134, %mul3A_135 : f32
      %bitcast_convert_type3A_137 = arith.bitcast %mul3A_136 : f32 to i32
      %while3A = arith.constant 0 : i32
      %while3A_138:3 = scf.while (%while3A_170 = %sub3A_131, %while3A_171 = %bitcast_convert_type3A_137, %while3A_172 = %while3A) : (i32, i32, i32) -> (i32, i32, i32) {
        %sub3A_173 = arith.subi %while3A_171, %while3A_170 : i32
        %gt3A = arith.constant 1 : i32
        %gt3A_174 = arith.cmpi sgt, %sub3A_173, %gt3A : i32
        scf.condition(%gt3A_174) %while3A_170, %while3A_171, %while3A_172 : i32, i32, i32
      } do {
      ^bb0(%while3A_170: i32, %while3A_171: i32, %while3A_172: i32):
        %sub3A_173 = arith.subi %while3A_171, %while3A_170 : i32
        %jit3A_174 = arith.constant 2 : i32
        %div3A_175 = arith.divsi %sub3A_173, %jit3A_174 : i32
        %sign3A_176 = arith.constant 0 : i32
        %sign3A_177 = arith.cmpi sgt, %sub3A_173, %sign3A_176 : i32
        %sign3A_178 = arith.extui %sign3A_177 : i1 to i32
        %sign3A_179 = arith.constant 0 : i32
        %sign3A_180 = arith.cmpi slt, %sub3A_173, %sign3A_179 : i32
        %sign3A_181 = arith.extui %sign3A_180 : i1 to i32
        %sign3A_182 = arith.subi %sign3A_178, %sign3A_181 : i32
        %sign3A_183 = arith.constant 0 : i32
        %sign3A_184 = arith.cmpi sgt, %jit3A_174, %sign3A_183 : i32
        %sign3A_185 = arith.extui %sign3A_184 : i1 to i32
        %sign3A_186 = arith.constant 0 : i32
        %sign3A_187 = arith.cmpi slt, %jit3A_174, %sign3A_186 : i32
        %sign3A_188 = arith.extui %sign3A_187 : i1 to i32
        %sign3A_189 = arith.subi %sign3A_185, %sign3A_188 : i32
        %ne3A_190 = arith.cmpi ne, %sign3A_182, %sign3A_189 : i32
        %rem3A_191 = arith.remsi %sub3A_173, %jit3A_174 : i32
        %ne3A_192 = arith.constant 0 : i32
        %ne3A_193 = arith.cmpi ne, %rem3A_191, %ne3A_192 : i32
        %and3A_194 = arith.andi %ne3A_190, %ne3A_193 : i1
        %sub3A_195 = arith.constant 1 : i32
        %sub3A_196 = arith.subi %div3A_175, %sub3A_195 : i32
        %select_n3A_197 = arith.select %and3A_194, %sub3A_196, %div3A_175 : i32
        %add3A_198 = arith.addi %while3A_170, %select_n3A_197 : i32
        %parallel_loop3A_199 = arith.constant 0 : i32
        %parallel_loop3A_200 = arith.constant 128 : i32
        %parallel_loop3A_201 = arith.constant 1 : i32
        %parallel_loop3A_202 = scf.for %parallel_loop3A_211 = %parallel_loop3A_199 to %parallel_loop3A_200 step %parallel_loop3A_201 iter_args(%parallel_loop3A_212 = %broadcast_in_dim3A_48) -> (vector<16xi32>)  : i32 {
          %parallel_loop3A_213 = arith.constant 16 : i32
          %parallel_loop3A_214 = arith.muli %parallel_loop3A_211, %parallel_loop3A_213 : i32
          %parallel_loop3A_215 = arith.index_cast %parallel_loop3A_214 : i32 to index
          %parallel_loop3A_216 = tpu.vector_load %arg11[%parallel_loop3A_215] {strides = array<i32>} : memref<2048xi32, #tpu.memory_space<vmem>>, vector<16xi32>,
          %parallel_loop3A_217 = vector.broadcast %add3A_198 : i32 to vector<16xi32>
          %parallel_loop3A_218 = arith.cmpi sgt, %parallel_loop3A_216, %parallel_loop3A_217 : vector<16xi32>
          %parallel_loop3A_219 = arith.constant 1 : i32
          %parallel_loop3A_220 = arith.constant 0 : i32
          %parallel_loop3A_221 = vector.broadcast %parallel_loop3A_219 : i32 to vector<16xi32>
          %parallel_loop3A_222 = vector.broadcast %parallel_loop3A_220 : i32 to vector<16xi32>
          %parallel_loop3A_223 = arith.select %parallel_loop3A_218, %parallel_loop3A_221, %parallel_loop3A_222 : vector<16xi1>, vector<16xi32>
          %parallel_loop3A_224 = arith.addi %parallel_loop3A_212, %parallel_loop3A_223 : vector<16xi32>
          scf.yield %parallel_loop3A_224 : vector<16xi32>
        } {sc.loop_unroll_factor = 8 : i64, sc.parallel_access}
        %reduce_sum3A_203 = arith.constant true
        %reduce_sum3A_204 = vector.broadcast %reduce_sum3A_203 : i1 to vector<16xi1>
        %reduce_sum3A_205 = tpu.scan <sum>, %parallel_loop3A_202 masked %reduce_sum3A_204 : vector<16xi32>, vector<16xi1> -> vector<16xi32>
        %reduce_sum3A_206 = vector.extract %reduce_sum3A_205[15] : i32 from vector<16xi32>
        %lt3A_207 = arith.cmpi slt, %reduce_sum3A_206, %sub3A_123 : i32
        %select_n3A_208 = arith.select %lt3A_207, %while3A_170, %add3A_198 : i32
        %select_n3A_209 = arith.select %lt3A_207, %add3A_198, %while3A_171 : i32
        %select_n3A_210 = arith.select %lt3A_207, %reduce_sum3A_206, %while3A_172 : i32
        scf.yield %select_n3A_208, %select_n3A_209, %select_n3A_210 : i32, i32, i32
      }
      %sub3A_139 = arith.subi %sub3A_123, %while3A_138#2 : i32
      %sub3A_140 = arith.constant 1 : i32
      %sub3A_141 = arith.subi %while3A_138#1, %sub3A_140 : i32
      %parallel_loop3A_142 = arith.constant 0 : i32
      %parallel_loop3A_143 = arith.constant 128 : i32
      %parallel_loop3A_144 = arith.constant 1 : i32
      %parallel_loop3A_145 = scf.for %parallel_loop3A_170 = %parallel_loop3A_142 to %parallel_loop3A_143 step %parallel_loop3A_144 iter_args(%parallel_loop3A_171 = %broadcast_in_dim3A_48) -> (vector<16xi32>)  : i32 {
        %parallel_loop3A_172 = arith.constant 16 : i32
        %parallel_loop3A_173 = arith.muli %parallel_loop3A_170, %parallel_loop3A_172 : i32
        %parallel_loop3A_174 = arith.index_cast %parallel_loop3A_173 : i32 to index
        %parallel_loop3A_175 = tpu.vector_load %arg11[%parallel_loop3A_174] {strides = array<i32>} : memref<2048xi32, #tpu.memory_space<vmem>>, vector<16xi32>,
        %parallel_loop3A_176 = vector.broadcast %sub3A_141 : i32 to vector<16xi32>
        %parallel_loop3A_177 = arith.cmpi sgt, %parallel_loop3A_175, %parallel_loop3A_176 : vector<16xi32>
        %parallel_loop3A_178 = arith.constant 1 : i32
        %parallel_loop3A_179 = arith.constant 0 : i32
        %parallel_loop3A_180 = vector.broadcast %parallel_loop3A_178 : i32 to vector<16xi32>
        %parallel_loop3A_181 = vector.broadcast %parallel_loop3A_179 : i32 to vector<16xi32>
        %parallel_loop3A_182 = arith.select %parallel_loop3A_177, %parallel_loop3A_180, %parallel_loop3A_181 : vector<16xi1>, vector<16xi32>
        %parallel_loop3A_183 = arith.addi %parallel_loop3A_171, %parallel_loop3A_182 : vector<16xi32>
        scf.yield %parallel_loop3A_183 : vector<16xi32>
      } {sc.loop_unroll_factor = 8 : i64, sc.parallel_access}
      %reduce_sum3A_146 = arith.constant true
      %reduce_sum3A_147 = vector.broadcast %reduce_sum3A_146 : i1 to vector<16xi1>
      %reduce_sum3A_148 = tpu.scan <sum>, %parallel_loop3A_145 masked %reduce_sum3A_147 : vector<16xi32>, vector<16xi1> -> vector<16xi32>
      %reduce_sum3A_149 = vector.extract %reduce_sum3A_148[15] : i32 from vector<16xi32>
      %sub3A_150 = arith.subi %reduce_sum3A_149, %while3A_138#2 : i32
      %eq3A_151 = arith.cmpi eq, %sub3A_150, %sub3A_139 : i32
      %jit3A_152 = arith.constant 262142 : i32
      %jit3A_153 = arith.constant -1 : i32
      %select_n3A_154 = arith.select %eq3A_151, %jit3A_152, %jit3A_153 : i32
      %while3A_155 = arith.constant 262143 : i32
      %while3A_156:2 = scf.while (%while3A_170 = %select_n3A_154, %while3A_171 = %while3A_155) : (i32, i32) -> (i32, i32) {
        %sub3A_172 = arith.subi %while3A_171, %while3A_170 : i32
        %gt3A = arith.constant 1 : i32
        %gt3A_173 = arith.cmpi sgt, %sub3A_172, %gt3A : i32
        scf.condition(%gt3A_173) %while3A_170, %while3A_171 : i32, i32
      } do {
      ^bb0(%while3A_170: i32, %while3A_171: i32):
        %sub3A_172 = arith.subi %while3A_171, %while3A_170 : i32
        %jit3A_173 = arith.constant 2 : i32
        %div3A_174 = arith.divsi %sub3A_172, %jit3A_173 : i32
        %sign3A_175 = arith.constant 0 : i32
        %sign3A_176 = arith.cmpi sgt, %sub3A_172, %sign3A_175 : i32
        %sign3A_177 = arith.extui %sign3A_176 : i1 to i32
        %sign3A_178 = arith.constant 0 : i32
        %sign3A_179 = arith.cmpi slt, %sub3A_172, %sign3A_178 : i32
        %sign3A_180 = arith.extui %sign3A_179 : i1 to i32
        %sign3A_181 = arith.subi %sign3A_177, %sign3A_180 : i32
        %sign3A_182 = arith.constant 0 : i32
        %sign3A_183 = arith.cmpi sgt, %jit3A_173, %sign3A_182 : i32
        %sign3A_184 = arith.extui %sign3A_183 : i1 to i32
        %sign3A_185 = arith.constant 0 : i32
        %sign3A_186 = arith.cmpi slt, %jit3A_173, %sign3A_185 : i32
        %sign3A_187 = arith.extui %sign3A_186 : i1 to i32
        %sign3A_188 = arith.subi %sign3A_184, %sign3A_187 : i32
        %ne3A_189 = arith.cmpi ne, %sign3A_181, %sign3A_188 : i32
        %rem3A_190 = arith.remsi %sub3A_172, %jit3A_173 : i32
        %ne3A_191 = arith.constant 0 : i32
        %ne3A_192 = arith.cmpi ne, %rem3A_190, %ne3A_191 : i32
        %and3A_193 = arith.andi %ne3A_189, %ne3A_192 : i1
        %sub3A_194 = arith.constant 1 : i32
        %sub3A_195 = arith.subi %div3A_174, %sub3A_194 : i32
        %select_n3A_196 = arith.select %and3A_193, %sub3A_195, %div3A_174 : i32
        %add3A_197 = arith.addi %while3A_170, %select_n3A_196 : i32
        %parallel_loop3A_198 = arith.constant 0 : i32
        %parallel_loop3A_199 = arith.constant 128 : i32
        %parallel_loop3A_200 = arith.constant 1 : i32
        %parallel_loop3A_201 = scf.for %parallel_loop3A_208 = %parallel_loop3A_198 to %parallel_loop3A_199 step %parallel_loop3A_200 iter_args(%parallel_loop3A_209 = %broadcast_in_dim3A_48) -> (vector<16xi32>)  : i32 {
          %parallel_loop3A_210 = arith.constant 16 : i32
          %parallel_loop3A_211 = arith.muli %parallel_loop3A_208, %parallel_loop3A_210 : i32
          %parallel_loop3A_212 = arith.index_cast %parallel_loop3A_211 : i32 to index
          %parallel_loop3A_213 = tpu.vector_load %arg11[%parallel_loop3A_212] {strides = array<i32>} : memref<2048xi32, #tpu.memory_space<vmem>>, vector<16xi32>,
          %parallel_loop3A_214 = arith.constant 16 : i32
          %parallel_loop3A_215 = arith.muli %parallel_loop3A_208, %parallel_loop3A_214 : i32
          %parallel_loop3A_216 = arith.index_cast %parallel_loop3A_215 : i32 to index
          %parallel_loop3A_217 = tpu.vector_load %arg12[%parallel_loop3A_216] {strides = array<i32>} : memref<2048xi32, #tpu.memory_space<vmem>>, vector<16xi32>,
          %parallel_loop3A_218 = vector.broadcast %while3A_138#1 : i32 to vector<16xi32>
          %parallel_loop3A_219 = arith.cmpi eq, %parallel_loop3A_213, %parallel_loop3A_218 : vector<16xi32>
          %parallel_loop3A_220 = vector.broadcast %add3A_197 : i32 to vector<16xi32>
          %parallel_loop3A_221 = arith.cmpi sle, %parallel_loop3A_217, %parallel_loop3A_220 : vector<16xi32>
          %parallel_loop3A_222 = arith.andi %parallel_loop3A_219, %parallel_loop3A_221 : vector<16xi1>
          %parallel_loop3A_223 = arith.constant 1 : i32
          %parallel_loop3A_224 = arith.constant 0 : i32
          %parallel_loop3A_225 = vector.broadcast %parallel_loop3A_223 : i32 to vector<16xi32>
          %parallel_loop3A_226 = vector.broadcast %parallel_loop3A_224 : i32 to vector<16xi32>
          %parallel_loop3A_227 = arith.select %parallel_loop3A_222, %parallel_loop3A_225, %parallel_loop3A_226 : vector<16xi1>, vector<16xi32>
          %parallel_loop3A_228 = arith.addi %parallel_loop3A_209, %parallel_loop3A_227 : vector<16xi32>
          scf.yield %parallel_loop3A_228 : vector<16xi32>
        } {sc.loop_unroll_factor = 8 : i64, sc.parallel_access}
        %reduce_sum3A_202 = arith.constant true
        %reduce_sum3A_203 = vector.broadcast %reduce_sum3A_202 : i1 to vector<16xi1>
        %reduce_sum3A_204 = tpu.scan <sum>, %parallel_loop3A_201 masked %reduce_sum3A_203 : vector<16xi32>, vector<16xi1> -> vector<16xi32>
        %reduce_sum3A_205 = vector.extract %reduce_sum3A_204[15] : i32 from vector<16xi32>
        %ge3A = arith.cmpi sge, %reduce_sum3A_205, %sub3A_139 : i32
        %select_n3A_206 = arith.select %ge3A, %while3A_170, %add3A_197 : i32
        %select_n3A_207 = arith.select %ge3A, %add3A_197, %while3A_171 : i32
        scf.yield %select_n3A_206, %select_n3A_207 : i32, i32
      }
      %eq3A_157 = arith.constant 0 : i32
      %eq3A_158 = vector.broadcast %eq3A_157 : i32 to vector<16xi32>
      %eq3A_159 = arith.cmpi eq, %iota3A, %eq3A_158 : vector<16xi32>
      %eq3A_160 = arith.constant 1 : i32
      %eq3A_161 = vector.broadcast %eq3A_160 : i32 to vector<16xi32>
      %eq3A_162 = arith.cmpi eq, %iota3A, %eq3A_161 : vector<16xi32>
      %jit3A_163 = arith.constant 0 : i32
      %broadcast_in_dim3A_164 = vector.broadcast %while3A_156#1 : i32 to vector<16xi32>
      %broadcast_in_dim3A_165 = vector.broadcast %jit3A_163 : i32 to vector<16xi32>
      %select_n3A_166 = arith.select %eq3A_162, %broadcast_in_dim3A_164, %broadcast_in_dim3A_165 : vector<16xi1>, vector<16xi32>
      %broadcast_in_dim3A_167 = vector.broadcast %while3A_138#1 : i32 to vector<16xi32>
      %select_n3A_168 = arith.select %eq3A_159, %broadcast_in_dim3A_167, %select_n3A_166 : vector<16xi1>, vector<16xi32>
      %swap3A = arith.constant 0 : index
      %swap3A_169 = tpu.vector_load %arg14[%swap3A] {strides = array<i32>} : memref<16xi32, #tpu.memory_space<vmem>>, vector<16xi32>,
      tpu.vector_store %arg14[%swap3A], %select_n3A_168 {strides = array<i32>} : memref<16xi32, #tpu.memory_space<vmem>>, vector<16xi32>,
      "tpu.region"() ({
        %run_scoped3A_170 = tpu.sem_alloc : memref<!tpu.dma_semaphore, #tpu.memory_space<semaphore_mem>>
        %dma_start3A_171 = arith.constant 0 : i32
        %dma_start3A_172 = tpu.memref_slice %arg4[%add3A_30, %dma_start3A_171] : memref<8x16xi32, #tpu.memory_space<hbm>> -> memref<1x16xi32, #tpu.memory_space<hbm>>
        %dma_start3A_173 = tpu.memref_squeeze %dma_start3A_172 : memref<1x16xi32, #tpu.memory_space<hbm>> -> memref<16xi32, #tpu.memory_space<hbm>>
        %dma_start3A_174 = arith.constant 0 : i32
        %dma_start3A_175 = tpu.memref_slice %arg4[%add3A_30, %dma_start3A_174] : memref<8x16xi32, #tpu.memory_space<hbm>> -> memref<1x16xi32, #tpu.memory_space<hbm>>
        %dma_start3A_176 = tpu.memref_squeeze %dma_start3A_175 : memref<1x16xi32, #tpu.memory_space<hbm>> -> memref<16xi32, #tpu.memory_space<hbm>>
        tpu.enqueue_dma source(%arg14 : memref<16xi32, #tpu.memory_space<vmem>>) target(%dma_start3A_176 : memref<16xi32, #tpu.memory_space<hbm>>) target_semaphore(%run_scoped3A_170 : memref<!tpu.dma_semaphore, #tpu.memory_space<semaphore_mem>>)
        %dma_wait3A_177 = arith.constant 0 : i32
        %dma_wait3A_178 = tpu.memref_slice %arg4[%add3A_30, %dma_wait3A_177] : memref<8x16xi32, #tpu.memory_space<hbm>> -> memref<1x16xi32, #tpu.memory_space<hbm>>
        %dma_wait3A_179 = tpu.memref_squeeze %dma_wait3A_178 : memref<1x16xi32, #tpu.memory_space<hbm>> -> memref<16xi32, #tpu.memory_space<hbm>>
        %dma_wait3A_180 = arith.constant 0 : i32
        %dma_wait3A_181 = tpu.memref_slice %arg4[%add3A_30, %dma_wait3A_180] : memref<8x16xi32, #tpu.memory_space<hbm>> -> memref<1x16xi32, #tpu.memory_space<hbm>>
        %dma_wait3A_182 = tpu.memref_squeeze %dma_wait3A_181 : memref<1x16xi32, #tpu.memory_space<hbm>> -> memref<16xi32, #tpu.memory_space<hbm>>
        tpu.wait_dma2 semaphore(%run_scoped3A_170 : memref<!tpu.dma_semaphore, #tpu.memory_space<semaphore_mem>>) src(%arg14 : memref<16xi32, #tpu.memory_space<vmem>>) dst(%dma_wait3A_182 : memref<16xi32, #tpu.memory_space<hbm>>)
        tpu.yield
      }) : () -> ()
    } else {
    }
    return
  }
}

module attributes {stable_mosaic.version = 14 : i64} {
  func.func @_tc_nll_body(%arg0: i32, %arg1: memref<1x3x512x512xf32, #tpu.memory_space<vmem>>, %arg2: memref<1x512x512xi32, #tpu.memory_space<vmem>>, %arg3: memref<1x512x512xbf16, #tpu.memory_space<vmem>>, %arg4: memref<1x1xf32, #tpu.memory_space<smem>>) attributes {dimension_semantics = [#tpu.dimension_semantics<arbitrary>], iteration_bounds = array<i64: 8>, scalar_prefetch = 0 : i64, scratch_operands = 0 : i64, tpu.core_type = #tpu.core_type<tc>, window_params = [{transform_indices = @transform_0, window_bounds = array<i64: 1, 3, 512, 512>}, {transform_indices = @transform_1, window_bounds = array<i64: 1, 512, 512>}, {transform_indices = @transform_2, window_bounds = array<i64: 1, 512, 512>}, {transform_indices = @transform_3, window_bounds = array<i64: 1, 1>}]} {
    %eq3A = arith.constant 0 : i32
    %eq3A_0 = arith.cmpi eq, %arg0, %eq3A : i32
    %convert_element_type3A = arith.extui %eq3A_0 : i1 to i32
    %cond3A = arith.constant 0 : i32
    %cond3A_1 = arith.cmpi ne, %convert_element_type3A, %cond3A : i32
    scf.if %cond3A_1 {
      %swap3A_55 = arith.constant 0.000000e+00 : f32
      %swap3A_56 = arith.constant 0 : index
      %swap3A_57 = arith.constant 0 : index
      %swap3A_58 = memref.load %arg4[%swap3A_56, %swap3A_57] : memref<1x1xf32, #tpu.memory_space<smem>>
      memref.store %swap3A_55, %arg4[%swap3A_56, %swap3A_57] : memref<1x1xf32, #tpu.memory_space<smem>>
    } else {
    }
    %get3A = arith.constant 0 : index
    %get3A_2 = arith.constant 0 : index
    %get3A_3 = arith.constant 0 : index
    %get3A_4 = arith.constant 0 : index
    %get3A_5 = vector.load %arg1[%get3A, %get3A_2, %get3A_3, %get3A_4] : memref<1x3x512x512xf32, #tpu.memory_space<vmem>>, vector<1x1x512x512xf32>
    %get3A_6 = vector.shape_cast %get3A_5 : vector<1x1x512x512xf32> to vector<512x512xf32>
    %get3A_7 = arith.constant 0 : index
    %get3A_8 = arith.constant 1 : index
    %get3A_9 = arith.constant 0 : index
    %get3A_10 = arith.constant 0 : index
    %get3A_11 = vector.load %arg1[%get3A_7, %get3A_8, %get3A_9, %get3A_10] : memref<1x3x512x512xf32, #tpu.memory_space<vmem>>, vector<1x1x512x512xf32>
    %get3A_12 = vector.shape_cast %get3A_11 : vector<1x1x512x512xf32> to vector<512x512xf32>
    %get3A_13 = arith.constant 0 : index
    %get3A_14 = arith.constant 2 : index
    %get3A_15 = arith.constant 0 : index
    %get3A_16 = arith.constant 0 : index
    %get3A_17 = vector.load %arg1[%get3A_13, %get3A_14, %get3A_15, %get3A_16] : memref<1x3x512x512xf32, #tpu.memory_space<vmem>>, vector<1x1x512x512xf32>
    %get3A_18 = vector.shape_cast %get3A_17 : vector<1x1x512x512xf32> to vector<512x512xf32>
    %get3A_19 = arith.constant 0 : index
    %get3A_20 = arith.constant 0 : index
    %get3A_21 = arith.constant 0 : index
    %get3A_22 = vector.load %arg2[%get3A_19, %get3A_20, %get3A_21] : memref<1x512x512xi32, #tpu.memory_space<vmem>>, vector<1x512x512xi32>
    %get3A_23 = vector.shape_cast %get3A_22 : vector<1x512x512xi32> to vector<512x512xi32>
    %max3A = arith.maximumf %get3A_12, %get3A_18 : vector<512x512xf32>
    %max3A_24 = arith.maximumf %get3A_6, %max3A : vector<512x512xf32>
    %sub3A = arith.subf %get3A_6, %max3A_24 : vector<512x512xf32>
    %exp3A = math.exp %sub3A : vector<512x512xf32>
    %sub3A_25 = arith.subf %get3A_12, %max3A_24 : vector<512x512xf32>
    %exp3A_26 = math.exp %sub3A_25 : vector<512x512xf32>
    %add3A = arith.addf %exp3A, %exp3A_26 : vector<512x512xf32>
    %sub3A_27 = arith.subf %get3A_18, %max3A_24 : vector<512x512xf32>
    %exp3A_28 = math.exp %sub3A_27 : vector<512x512xf32>
    %add3A_29 = arith.addf %add3A, %exp3A_28 : vector<512x512xf32>
    %log3A = math.log %add3A_29 : vector<512x512xf32>
    %add3A_30 = arith.addf %log3A, %max3A_24 : vector<512x512xf32>
    %eq3A_31 = arith.constant 0 : i32
    %eq3A_32 = vector.broadcast %eq3A_31 : i32 to vector<512x512xi32>
    %eq3A_33 = arith.cmpi eq, %get3A_23, %eq3A_32 : vector<512x512xi32>
    %select_n3A = arith.select %eq3A_33, %get3A_6, %get3A_12 : vector<512x512xi1>, vector<512x512xf32>
    %lt3A = arith.constant 2 : i32
    %lt3A_34 = vector.broadcast %lt3A : i32 to vector<512x512xi32>
    %lt3A_35 = arith.cmpi slt, %get3A_23, %lt3A_34 : vector<512x512xi32>
    %sub3A_36 = arith.subf %add3A_30, %select_n3A : vector<512x512xf32>
    %jit3A = arith.constant 0.000000e+00 : f32
    %broadcast_in_dim3A = vector.broadcast %jit3A : f32 to vector<512x512xf32>
    %select_n3A_37 = arith.select %lt3A_35, %sub3A_36, %broadcast_in_dim3A : vector<512x512xi1>, vector<512x512xf32>
    %convert_element_type3A_38 = arith.truncf %select_n3A_37 : vector<512x512xf32> to vector<512x512xbf16>
    %swap3A = arith.constant 0 : index
    %swap3A_39 = arith.constant 0 : index
    %swap3A_40 = arith.constant 0 : index
    %swap3A_41 = vector.load %arg3[%swap3A, %swap3A_39, %swap3A_40] : memref<1x512x512xbf16, #tpu.memory_space<vmem>>, vector<1x512x512xbf16>
    %swap3A_42 = vector.shape_cast %swap3A_41 : vector<1x512x512xbf16> to vector<512x512xbf16>
    %swap3A_43 = vector.shape_cast %convert_element_type3A_38 : vector<512x512xbf16> to vector<1x512x512xbf16>
    tpu.vector_store %arg3[%swap3A, %swap3A_39, %swap3A_40], %swap3A_43 {strides = array<i32>} : memref<1x512x512xbf16, #tpu.memory_space<vmem>>, vector<1x512x512xbf16>,
    %get3A_44 = arith.constant 0 : index
    %get3A_45 = arith.constant 0 : index
    %get3A_46 = memref.load %arg4[%get3A_44, %get3A_45] : memref<1x1xf32, #tpu.memory_space<smem>>
    %reduce_sum3A = vector.shape_cast %select_n3A_37 : vector<512x512xf32> to vector<1x512x512xf32>
    %reduce_sum3A_47 = arith.constant dense<0.000000e+00> : vector<1xf32>
    %reduce_sum3A_48 = vector.multi_reduction <add>, %reduce_sum3A, %reduce_sum3A_47 [1, 2] : vector<1x512x512xf32> to vector<1xf32>
    %reduce_sum3A_49 = vector.shape_cast %reduce_sum3A_48 : vector<1xf32> to vector<1x1x1xf32>
    %reduce_sum3A_50 = vector.extract %reduce_sum3A_49[0, 0, 0] : f32 from vector<1x1x1xf32>
    %add3A_51 = arith.addf %get3A_46, %reduce_sum3A_50 : f32
    %swap3A_52 = arith.constant 0 : index
    %swap3A_53 = arith.constant 0 : index
    %swap3A_54 = memref.load %arg4[%swap3A_52, %swap3A_53] : memref<1x1xf32, #tpu.memory_space<smem>>
    memref.store %add3A_51, %arg4[%swap3A_52, %swap3A_53] : memref<1x1xf32, #tpu.memory_space<smem>>
    return
  }
  func.func @transform_0(%arg0: i32) -> (i32, i32, i32, i32) {
    %c0_i32 = arith.constant 0 : i32
    %c0_i32_0 = arith.constant 0 : i32
    %c0_i32_1 = arith.constant 0 : i32
    %c0_i32_2 = arith.constant 0 : i32
    return %arg0, %c0_i32, %c0_i32_0, %c0_i32_1 : i32, i32, i32, i32
  }
  func.func @transform_1(%arg0: i32) -> (i32, i32, i32) {
    %c0_i32 = arith.constant 0 : i32
    %c0_i32_0 = arith.constant 0 : i32
    %c0_i32_1 = arith.constant 0 : i32
    return %arg0, %c0_i32, %c0_i32_0 : i32, i32, i32
  }
  func.func @transform_2(%arg0: i32) -> (i32, i32, i32) {
    %c0_i32 = arith.constant 0 : i32
    %c0_i32_0 = arith.constant 0 : i32
    %c0_i32_1 = arith.constant 0 : i32
    return %arg0, %c0_i32, %c0_i32_0 : i32, i32, i32
  }
  func.func @transform_3(%arg0: i32) -> (i32, i32) {
    %c0_i32 = arith.constant 0 : i32
    %c0_i32_0 = arith.constant 0 : i32
    %c0_i32_1 = arith.constant 0 : i32
    return %c0_i32, %c0_i32_0 : i32, i32
  }
}

module attributes {stable_mosaic.version = 14 : i64} {
  func.func @_tc_fg_body(%arg0: i32, %arg1: memref<8xi32, #tpu.memory_space<smem>>, %arg2: memref<8xi32, #tpu.memory_space<smem>>, %arg3: memref<8x16xi32, #tpu.memory_space<smem>>, %arg4: memref<1x1xf32, #tpu.memory_space<smem>>, %arg5: memref<1x512x512xbf16, #tpu.memory_space<vmem>>, %arg6: memref<1x512x512xf32, #tpu.memory_space<vmem>>, %arg7: memref<1x2xf32, #tpu.memory_space<smem>>) attributes {dimension_semantics = [#tpu.dimension_semantics<arbitrary>], iteration_bounds = array<i64: 8>, scalar_prefetch = 0 : i64, scratch_operands = 0 : i64, tpu.core_type = #tpu.core_type<tc>, window_params = [{transform_indices = @transform_0, window_bounds = array<i64: 8>}, {transform_indices = @transform_1, window_bounds = array<i64: 8>}, {transform_indices = @transform_2, window_bounds = array<i64: 8, 16>}, {transform_indices = @transform_3, window_bounds = array<i64: 1, 1>}, {transform_indices = @transform_4, window_bounds = array<i64: 1, 512, 512>}, {transform_indices = @transform_5, window_bounds = array<i64: 1, 512, 512>}, {transform_indices = @transform_6, window_bounds = array<i64: 1, 2>}]} {
    %eq3A = arith.constant 0 : i32
    %eq3A_0 = arith.cmpi eq, %arg0, %eq3A : i32
    %convert_element_type3A = arith.extui %eq3A_0 : i1 to i32
    %cond3A = arith.constant 0 : i32
    %cond3A_1 = arith.cmpi ne, %convert_element_type3A, %cond3A : i32
    scf.if %cond3A_1 {
      %swap3A_40 = arith.constant 0.000000e+00 : f32
      %swap3A_41 = arith.constant 0 : index
      %swap3A_42 = arith.constant 0 : index
      %swap3A_43 = memref.load %arg7[%swap3A_41, %swap3A_42] : memref<1x2xf32, #tpu.memory_space<smem>>
      memref.store %swap3A_40, %arg7[%swap3A_41, %swap3A_42] : memref<1x2xf32, #tpu.memory_space<smem>>
      %swap3A_44 = arith.constant 0.000000e+00 : f32
      %swap3A_45 = arith.constant 0 : index
      %swap3A_46 = arith.constant 1 : index
      %swap3A_47 = memref.load %arg7[%swap3A_45, %swap3A_46] : memref<1x2xf32, #tpu.memory_space<smem>>
      memref.store %swap3A_44, %arg7[%swap3A_45, %swap3A_46] : memref<1x2xf32, #tpu.memory_space<smem>>
    } else {
    }
    %get3A = arith.constant 0 : index
    %get3A_2 = arith.constant 0 : index
    %get3A_3 = arith.constant 0 : index
    %get3A_4 = vector.load %arg6[%get3A, %get3A_2, %get3A_3] : memref<1x512x512xf32, #tpu.memory_space<vmem>>, vector<1x512x512xf32>
    %get3A_5 = vector.shape_cast %get3A_4 : vector<1x512x512xf32> to vector<512x512xf32>
    %bitcast_convert_type3A = tpu.bitcast %get3A_5 : vector<512x512xf32> -> vector<512x512xi32>
    %get3A_6 = arith.index_cast %arg0 : i32 to index
    %get3A_7 = arith.constant 0 : index
    %get3A_8 = memref.load %arg3[%get3A_6, %get3A_7] : memref<8x16xi32, #tpu.memory_space<smem>>
    %get3A_9 = arith.index_cast %arg0 : i32 to index
    %get3A_10 = arith.constant 1 : index
    %get3A_11 = memref.load %arg3[%get3A_9, %get3A_10] : memref<8x16xi32, #tpu.memory_space<smem>>
    %iota3A = tpu.iota {dimensions = array<i32: 0>} : vector<512x512xi32>
    %mul3A = arith.constant 512 : i32
    %mul3A_12 = vector.broadcast %mul3A : i32 to vector<512x512xi32>
    %mul3A_13 = arith.muli %iota3A, %mul3A_12 : vector<512x512xi32>
    %iota3A_14 = tpu.iota {dimensions = array<i32: 1>} : vector<512x512xi32>
    %add3A = arith.addi %mul3A_13, %iota3A_14 : vector<512x512xi32>
    %gt3A = vector.broadcast %get3A_8 : i32 to vector<512x512xi32>
    %gt3A_15 = arith.cmpi sgt, %bitcast_convert_type3A, %gt3A : vector<512x512xi32>
    %eq3A_16 = vector.broadcast %get3A_8 : i32 to vector<512x512xi32>
    %eq3A_17 = arith.cmpi eq, %bitcast_convert_type3A, %eq3A_16 : vector<512x512xi32>
    %le3A = vector.broadcast %get3A_11 : i32 to vector<512x512xi32>
    %le3A_18 = arith.cmpi sle, %add3A, %le3A : vector<512x512xi32>
    %and3A = arith.andi %eq3A_17, %le3A_18 : vector<512x512xi1>
    %or3A = arith.ori %gt3A_15, %and3A : vector<512x512xi1>
    %get3A_19 = arith.constant 0 : index
    %get3A_20 = arith.constant 0 : index
    %get3A_21 = arith.constant 0 : index
    %get3A_22 = vector.load %arg5[%get3A_19, %get3A_20, %get3A_21] : memref<1x512x512xbf16, #tpu.memory_space<vmem>>, vector<1x512x512xbf16>
    %get3A_23 = vector.shape_cast %get3A_22 : vector<1x512x512xbf16> to vector<512x512xbf16>
    %convert_element_type3A_24 = arith.extf %get3A_23 : vector<512x512xbf16> to vector<512x512xf32>
    %get3A_25 = arith.constant 0 : index
    %get3A_26 = arith.constant 0 : index
    %get3A_27 = memref.load %arg7[%get3A_25, %get3A_26] : memref<1x2xf32, #tpu.memory_space<smem>>
    %jit3A = arith.constant 0.000000e+00 : f32
    %broadcast_in_dim3A = vector.broadcast %jit3A : f32 to vector<512x512xf32>
    %select_n3A = arith.select %or3A, %convert_element_type3A_24, %broadcast_in_dim3A : vector<512x512xi1>, vector<512x512xf32>
    %reduce_sum3A = vector.shape_cast %select_n3A : vector<512x512xf32> to vector<1x512x512xf32>
    %reduce_sum3A_28 = arith.constant dense<0.000000e+00> : vector<1xf32>
    %reduce_sum3A_29 = vector.multi_reduction <add>, %reduce_sum3A, %reduce_sum3A_28 [1, 2] : vector<1x512x512xf32> to vector<1xf32>
    %reduce_sum3A_30 = vector.shape_cast %reduce_sum3A_29 : vector<1xf32> to vector<1x1x1xf32>
    %reduce_sum3A_31 = vector.extract %reduce_sum3A_30[0, 0, 0] : f32 from vector<1x1x1xf32>
    %add3A_32 = arith.addf %get3A_27, %reduce_sum3A_31 : f32
    %swap3A = arith.constant 0 : index
    %swap3A_33 = arith.constant 0 : index
    %swap3A_34 = memref.load %arg7[%swap3A, %swap3A_33] : memref<1x2xf32, #tpu.memory_space<smem>>
    memref.store %add3A_32, %arg7[%swap3A, %swap3A_33] : memref<1x2xf32, #tpu.memory_space<smem>>
    %eq3A_35 = arith.constant 7 : i32
    %eq3A_36 = arith.cmpi eq, %arg0, %eq3A_35 : i32
    %convert_element_type3A_37 = arith.extui %eq3A_36 : i1 to i32
    %cond3A_38 = arith.constant 0 : i32
    %cond3A_39 = arith.cmpi ne, %convert_element_type3A_37, %cond3A_38 : i32
    scf.if %cond3A_39 {
      %scan3A = arith.constant 0 : i32
      %scan3A_40 = arith.constant 0 : i32
      %scan3A_41 = arith.constant 8 : i32
      %scan3A_42 = arith.addi %scan3A_40, %scan3A_41 : i32
      %scan3A_43 = arith.constant 1 : i32
      %scan3A_44 = scf.for %scan3A_71 = %scan3A_40 to %scan3A_42 step %scan3A_43 iter_args(%scan3A_72 = %scan3A) -> (i32)  : i32 {
        %get3A_73 = arith.index_cast %scan3A_71 : i32 to index
        %get3A_74 = memref.load %arg2[%get3A_73] : memref<8xi32, #tpu.memory_space<smem>>
        %add3A_75 = arith.addi %scan3A_72, %get3A_74 : i32
        scf.yield %add3A_75 : i32
      }
      %scan3A_45 = arith.constant 8 : i32
      %scan3A_46 = arith.constant 0 : i32
      %scan3A_47 = arith.constant 0 : i32
      %scan3A_48 = arith.constant 8 : i32
      %scan3A_49 = arith.addi %scan3A_47, %scan3A_48 : i32
      %scan3A_50 = arith.constant 1 : i32
      %scan3A_51 = scf.for %scan3A_71 = %scan3A_47 to %scan3A_49 step %scan3A_50 iter_args(%scan3A_72 = %scan3A_46) -> (i32)  : i32 {
        %get3A_73 = arith.index_cast %scan3A_71 : i32 to index
        %get3A_74 = memref.load %arg1[%get3A_73] : memref<8xi32, #tpu.memory_space<smem>>
        %add3A_75 = arith.addi %scan3A_72, %get3A_74 : i32
        scf.yield %add3A_75 : i32
      }
      %scan3A_52 = arith.constant 8 : i32
      %sub3A = arith.constant 2097152 : i32
      %sub3A_53 = arith.subi %sub3A, %scan3A_44 : i32
      %add3A_54 = arith.constant 1 : i32
      %add3A_55 = arith.addi %sub3A_53, %add3A_54 : i32
      %convert_element_type3A_56 = arith.sitofp %add3A_55 : i32 to f32
      %get3A_57 = arith.constant 0 : index
      %get3A_58 = arith.constant 0 : index
      %get3A_59 = memref.load %arg4[%get3A_57, %get3A_58] : memref<1x1xf32, #tpu.memory_space<smem>>
      %div3A = arith.divf %get3A_59, %convert_element_type3A_56 : f32
      %get3A_60 = arith.constant 0 : index
      %get3A_61 = arith.constant 0 : index
      %get3A_62 = memref.load %arg7[%get3A_60, %get3A_61] : memref<1x2xf32, #tpu.memory_space<smem>>
      %convert_element_type3A_63 = arith.sitofp %scan3A_51 : i32 to f32
      %div3A_64 = arith.divf %get3A_62, %convert_element_type3A_63 : f32
      %add3A_65 = arith.addf %div3A, %div3A_64 : f32
      %mul3A_66 = arith.constant 5.000000e-01 : f32
      %mul3A_67 = arith.mulf %mul3A_66, %add3A_65 : f32
      %swap3A_68 = arith.constant 0 : index
      %swap3A_69 = arith.constant 1 : index
      %swap3A_70 = memref.load %arg7[%swap3A_68, %swap3A_69] : memref<1x2xf32, #tpu.memory_space<smem>>
      memref.store %mul3A_67, %arg7[%swap3A_68, %swap3A_69] : memref<1x2xf32, #tpu.memory_space<smem>>
    } else {
    }
    return
  }
  func.func @transform_0(%arg0: i32) -> i32 {
    %c0_i32 = arith.constant 0 : i32
    %c0_i32_0 = arith.constant 0 : i32
    return %c0_i32 : i32
  }
  func.func @transform_1(%arg0: i32) -> i32 {
    %c0_i32 = arith.constant 0 : i32
    %c0_i32_0 = arith.constant 0 : i32
    return %c0_i32 : i32
  }
  func.func @transform_2(%arg0: i32) -> (i32, i32) {
    %c0_i32 = arith.constant 0 : i32
    %c0_i32_0 = arith.constant 0 : i32
    %c0_i32_1 = arith.constant 0 : i32
    return %c0_i32, %c0_i32_0 : i32, i32
  }
  func.func @transform_3(%arg0: i32) -> (i32, i32) {
    %c0_i32 = arith.constant 0 : i32
    %c0_i32_0 = arith.constant 0 : i32
    %c0_i32_1 = arith.constant 0 : i32
    return %c0_i32, %c0_i32_0 : i32, i32
  }
  func.func @transform_4(%arg0: i32) -> (i32, i32, i32) {
    %c0_i32 = arith.constant 0 : i32
    %c0_i32_0 = arith.constant 0 : i32
    %c0_i32_1 = arith.constant 0 : i32
    return %arg0, %c0_i32, %c0_i32_0 : i32, i32, i32
  }
  func.func @transform_5(%arg0: i32) -> (i32, i32, i32) {
    %c0_i32 = arith.constant 0 : i32
    %c0_i32_0 = arith.constant 0 : i32
    %c0_i32_1 = arith.constant 0 : i32
    return %arg0, %c0_i32, %c0_i32_0 : i32, i32, i32
  }
  func.func @transform_6(%arg0: i32) -> (i32, i32) {
    %c0_i32 = arith.constant 0 : i32
    %c0_i32_0 = arith.constant 0 : i32
    %c0_i32_1 = arith.constant 0 : i32
    return %c0_i32, %c0_i32_0 : i32, i32
  }
}

</mosaic_0001>

<sc_bundles>
// kernel: kernel.5.cloned.1.call-start
scs
__scs_entry_jumppad:
0x0: {  	(pc) =	sbr.rel $0x88, $3  }
0x1: {  	(tag) =	ssettag $0x0;
	lr =	simm.s32 $0x1  }
0x2: {  	[smem:$0x3F9C] =	sst lr;
	_ =	strace $0xD0000000  }
0x3: {  	_ = 	snop  }
0x4: {  	_ = 	snop  }
0x5: {  	_ = 	snop  }
0x6: {  	_ = 	snop  }
0x7: {  	_ = 	snop  }
__scs_overlays_trampoline_lowered:
0x8: {  	[smem:$0x3FAB] =	sst s0  }
0x9: {  	[smem:$0x3FAC] =	sst s1  }
0xa: {  	[smem:$0x3FAD] =	sst s2  }
0xb: {  	[smem:$0x3FAE] =	sst s3  }
0xc: {  	[smem:$0x3FAF] =	sst s4  }
0xd: {  	[smem:$0x3FB0] =	sst s5  }
0xe: {  	[smem:$0x3FB1] =	sst s6  }
0xf: {  	[smem:$0x3FB2] =	sst s7  }
0x10: {  	[smem:$0x3FB3] =	sst s8  }
0x11: {  	[smem:$0x3FB4] =	sst s9;
	s0 =	simm.s32 @!p0 $0x0  }
0x12: {  	s1 =	sld [smem:$0x3F9A];
	s0 =	simm.s32 @p0 $0x1  }
0x13: {  	[smem:$0x3FB5] =	sst s0;
	s0 =	simm.s32 @!p1 $0x0  }
0x14: {  	s2 =	sld [smem:$0x3F99];
	s0 =	simm.s32 @p1 $0x1  }
0x15: {  	[smem:$0x3FB6] =	sst s0;
	s0 =	simm.s32 @!p2 $0x0  }
0x16: {  	s3 =	sld [smem:$0x3FDB];
	s0 =	simm.s32 @p2 $0x1  }
0x17: {  	s4 =	simm.s32 $0x1BF5;
	[smem:$0x3FB8] =	sst s0  }
0x18: {  	s0 =	sld [smem:$0x3F9B];
	_ =	swait.ge [sflag:s4], $0x0  }
0x19: {  	s7 =	sld [smem:$0x3F9C]  }
0x1a: {  	s8 =	sadd.s32 $0xFFFFE003, lr  }
0x1b: {  	s9 =	sadd.s32 $0xFFFFFEF7, lr;
	s5 =	simm.s32 $0xFFFFFFFF;
	p2 =	slt.u32 s8, $0xFFFFF086  }
0x1c: {  	p1 =	slt.u32 s9, $0xF7A;
	s5 =	simm.s32 @!p2 $0x0  }
0x1d: {  	s5 =	simm.s32 @p1 $0x1;
	p0 =	seq.s32 s7, s2  }
0x1e: {  	s7 =	smul.u32 @!p0 $0xF7A, s2;
	p2 =	seq.s32 @!p0 s5, $0x0  }
0x1f: {  	s9 =	smul.u32 $0xF7A, s1;
	s8 =	simm.s32 @!p0 $0x1BF5;
	p2 =	por !p2, p0  }
0x20: {  	[sflag:s8] =	ssyncset.s32 @!p0 $0xFFFFF086;
	s6 =	sadd.s32 @!p0 s3, s7;
	s7 =	simm.s32 @!p0 $0x108  }
0x21: {  	s3 =	sadd.s32 s3, s9;
	s6 =	sadd.s32 @!p0 $0x88, s6;
	s7 =	simm.s32 @p2 $0x1082  }
0x22: {  	[simem:s7], [sflag:s8] =	dma.local @!p0 [hbm:s6], $0xF7A  }
0x23: {  	s9 =	sor.u32 $0xD0000000, s2;
	s6 =	simm.s32 $0x108;
	_ =	swait.ge @!p0 [sflag:s8], $0x0  }
0x24: {  	s3 =	sadd.s32 $0x88, s3;
	s6 =	simm.s32 @!p1 $0x1082;
	[sflag:s4] =	ssyncset.s32 $0xFFFFF086  }
0x25: {  	[simem:s6], [sflag:s4] =	dma.local [hbm:s3], $0xF7A  }
0x26: {  	[smem:$0x3F9C] =	sst s1;
	(tag) =	ssettag s2;
	_ =	strace s9  }
0x27: {  	s1 =	sld [smem:$0x3FAC]  }
0x28: {  	s2 =	sld [smem:$0x3FAD]  }
0x29: {  	s4 =	sld [smem:$0x3FAF]  }
0x2a: {  	p0 =	seq.s32 s5, $0x0;
	s5 =	sld [smem:$0x3FB0]  }
0x2b: {  	s6 =	sld [smem:$0x3FB1]  }
0x2c: {  	s7 =	sld [smem:$0x3FB2]  }
0x2d: {  	s3 =	simm.s32 $0x108;
	s8 =	sld [smem:$0x3FB3]  }
0x2e: {  	s3 =	simm.s32 @!p0 $0x1082;
	s9 =	sld [smem:$0x3FB4]  }
0x2f: {  	lr =	sadd.s32 s0, s3;
	s0 =	sld [smem:$0x3FAB]  }
0x30: {  	s3 =	sld [smem:$0x3FAE]  }
0x31: {  	[smem:$0x3FB7] =	sst s10  }
0x32: {  	s10 =	sld [smem:$0x3FB5];
	_ =	sdelay $0x3  }
0x33: {  	p0 =	seq.s32 s10, $0x1;
	s10 =	sld [smem:$0x3FB7];
	_ =	sdelay $0x3  }
0x34: {  	[smem:$0x3FB7] =	sst s10  }
0x35: {  	s10 =	sld [smem:$0x3FB6];
	_ =	sdelay $0x3  }
0x36: {  	p1 =	seq.s32 s10, $0x1;
	s10 =	sld [smem:$0x3FB7];
	_ =	sdelay $0x3  }
0x37: {  	[smem:$0x3FB7] =	sst s10  }
0x38: {  	s10 =	sld [smem:$0x3FB8]  }
0x39: {  	_ = 	snop;
	(pc) =	sbr.ind lr, $3  }
0x3a: {  	_ = 	snop  }
0x3b: {  	_ = 	snop  }
0x3c: {  	p2 =	seq.s32 s10, $0x1;
	s10 =	sld [smem:$0x3FB7]  }
0x3d: {  	_ =	shalt  }
0x3e: {  	_ =	shalt  }
0x3f: {  	_ =	shalt  }
0x40: {  	_ =	shalt  }
0x41: {  	_ =	shalt  }
0x42: {  	_ =	shalt  }
0x43: {  	_ =	shalt  }
0x44: {  	_ =	shalt  }
0x45: {  	_ =	shalt  }
0x46: {  	_ =	shalt  }
0x47: {  	_ =	shalt  }
0x48: {  	_ =	shalt  }
0x49: {  	_ =	shalt  }
0x4a: {  	_ =	shalt  }
0x4b: {  	_ =	shalt  }
0x4c: {  	_ =	shalt  }
0x4d: {  	_ =	shalt  }
0x4e: {  	_ =	shalt  }
0x4f: {  	_ =	shalt  }
0x50: {  	_ =	shalt  }
0x51: {  	_ =	shalt  }
0x52: {  	_ =	shalt  }
0x53: {  	_ =	shalt  }
0x54: {  	_ =	shalt  }
0x55: {  	_ =	shalt  }
0x56: {  	_ =	shalt  }
0x57: {  	_ =	shalt  }
0x58: {  	_ =	shalt  }
0x59: {  	_ =	shalt  }
0x5a: {  	_ =	shalt  }
0x5b: {  	_ =	shalt  }
0x5c: {  	_ =	shalt  }
0x5d: {  	_ =	shalt  }
0x5e: {  	_ =	shalt  }
0x5f: {  	_ =	shalt  }
0x60: {  	_ =	shalt  }
0x61: {  	_ =	shalt  }
0x62: {  	_ =	shalt  }
0x63: {  	_ =	shalt  }
0x64: {  	_ =	shalt  }
0x65: {  	_ =	shalt  }
0x66: {  	_ =	shalt  }
0x67: {  	_ =	shalt  }
0x68: {  	_ =	shalt  }
0x69: {  	_ =	shalt  }
0x6a: {  	_ =	shalt  }
0x6b: {  	_ =	shalt  }
0x6c: {  	_ =	shalt  }
0x6d: {  	_ =	shalt  }
0x6e: {  	_ =	shalt  }
0x6f: {  	_ =	shalt  }
0x70: {  	_ =	shalt  }
0x71: {  	_ =	shalt  }
0x72: {  	_ =	shalt  }
0x73: {  	_ =	shalt  }
0x74: {  	_ =	shalt  }
0x75: {  	_ =	shalt  }
0x76: {  	_ =	shalt  }
0x77: {  	_ =	shalt  }
0x78: {  	_ =	shalt  }
0x79: {  	_ =	shalt  }
0x7a: {  	_ =	shalt  }
0x7b: {  	_ =	shalt  }
0x7c: {  	_ =	shalt  }
0x7d: {  	_ =	shalt  }
0x7e: {  	_ =	shalt  }
0x7f: {  	_ =	shalt  }
0x80: {  	_ =	shalt  }
0x81: {  	_ =	shalt  }
0x82: {  	_ =	shalt  }
0x83: {  	_ =	shalt  }
0x84: {  	_ =	shalt  }
0x85: {  	_ =	shalt  }
0x86: {  	_ =	shalt  }
0x87: {  	_ =	shalt  }
.Lfunc_end0:
.L_simem_size_0:
called_computation_lowered:
.L_overlay_start_0:
0x88: {  	s2 =	sld [smem:$0x3FD9]  }
0x89: {  	s3 =	sld [smem:$0x3FFE];
	_ =	sdelay $0x1  }
0x8a: {  	s1 =	srdreg.scid  }
0x8b: {  	s0 =	sand.u32 $0x1, s1  }
0x8c: {  	s17 =	sshll.u32 s0, $0xA;
	s2 =	sadd.s32 s3, s2  }
0x8d: {  	s2 =	sadd.s32 s2, s17  }
0x8e: {  	[smem:$0x3FC3] =	sst s2  }
0x8f: {  	_ = 	snop  }
0x90: {  	s2 =	sld [smem:$0x3FC7]  }
0x91: {  	s18 =	sld [smem:$0x3FD0];
	(tm) =	ssettm $0x1  }
0x92: {  	s4 =	sld [smem:$0x3FFB];
	_ =	sdelay $0x3  }
0x93: {  	_ =	strace s4  }
0x94: {  	s4 =	sld [smem:$0x3FFC];
	_ =	sdelay $0x3  }
0x95: {  	_ =	strace s4  }
0x96: {  	s4 =	sld [smem:$0x3FFD];
	_ =	sdelay $0x3  }
0x97: {  	_ =	strace s4  }
0x98: {  	_ =	strace $0x8FFFFFFF  }
0x99: {  	s19 =	sld [smem:$0x3FDB];
	_ =	sdelay $0x1  }
0x9a: {  	s5 =	simm.s32 $_scs_section_size  }
0x9b: {  	s6 =	simm.s32 $_size__tile_overlayer_lowered;
	s7 =	simm.s32 $_tile_overlayer_lowered  }
0x9c: {  	s22 =	simm.s32 $0x1BFF;
	s21 =	sshll.u32 s7, $0x1;
	s4 =	sadd.s32 s5, s19  }
0x9d: {  	s8 =	simm.s32 $0x0;
	s20 =	sshll.u32 s6, $0x1;
	s6 =	sadd.s32 s21, s4  }
0x9e: {  	[timem:s8], [sflag:s22] =	dma.local [hbm:s6], s20  }
0x9f: {  	_ =	swait.ge [sflag:s22], s20  }
0xa0: {  	s5 =	ssub.s32 $0x0, s20;
	[sflag:s22] =	ssyncset.done $0x0  }
0xa1: {  	[sflag:s22] =	ssyncadd.s32 s5;
	_ =	sdelay $0x1  }
0xa2: {  	s23 =	simm.s32 $0x1B8B  }
0xa3: {  	_ =	swait.ge [sflag:s23], $0x1  }
0xa4: {  	[sflag:s23] =	ssyncset.done $0x0  }
0xa5: {  	s25 =	simm.s32 $0x1B8E;
	s24 =	sld [smem:$0x3FFE];
	[sflag:s23] =	ssyncadd.s32 $0xFFFFFFFF  }
0xa6: {  	s26 =	simm.s32 $execute0_lowered;
	[smem:$0x3FD2] =	sst s25  }
0xa7: {  	s6 =	sshll.u32 s26, $0x1;
	_ =	strace $0x80000046;
	[dreg:$0x1] =	wrdreg $0xFFFFFFFF  }
0xa8: {  	s28 =	simm.s32 $_size_execute0_lowered;
	s4 =	sadd.s32 s4, s6;
	[dreg:$0x0] =	wrdreg $0x0  }
0xa9: {  	s6 =	sshll.u32 s28, $0x1;
	[dreg:$0x2] =	wrdreg s4  }
0xaa: {  	[dreg:$0x3] =	wrdreg s6  }
0xab: {  	[dreg:$0x4] =	wrdreg $0xC0  }
0xac: {  	_ =	task [dreg:s8], $0x5FFFF  }
0xad: {  	[dreg:$0x1] =	wrdreg $0xFFFFFFFF  }
0xae: {  	[dreg:$0x0] =	wrdreg $0x60  }
0xaf: {  	[dreg:$0x2] =	wrdreg s2  }
0xb0: {  	[dreg:$0x3] =	wrdreg s18  }
0xb1: {  	[dreg:$0x4] =	wrdreg s24  }
0xb2: {  	[dreg:$0x5] =	wrdreg $0x16D000  }
0xb3: {  	[dreg:$0x6] =	wrdreg $0x169000  }
0xb4: {  	[dreg:$0x7] =	wrdreg $0x16D080  }
0xb5: {  	[dreg:$0x8] =	wrdreg $0x16F080  }
0xb6: {  	[dreg:$0x9] =	wrdreg $0x9  }
0xb7: {  	_ =	task.clear_ibuf [dreg:s8], $0xAFFFF;
	_ =	strace $0x90000046  }
0xb8: {  	s29 =	simm.s32 $0x9;
	_ =	strace $0x80000048  }
0xb9: {  	_ =	swait.ge [sflag:s29], $0x1  }
0xba: {  	[sflag:s29] =	ssyncadd.s32 $0xFFFFFFFF  }
0xbb: {  	_ =	strace $0x90000048  }
0xbc: {  	_ =	sfence  }
0xbd: {  	s30 =	sld [smem:$0x0];
	_ =	sdelay $0x2  }
0xbe: {  	s31 =	sshll.u32 s1, $0xD;
	s1 =	sshrl.u32 s1, $0x2  }
0xbf: {  	s3 =	sand.u32 $0x4000, s31;
	s1 =	sadd.s32 s1, s30  }
0xc0: {  	s0 =	sor.u32 s3, s0;
	s1 =	sshll.u32 s1, $0x11  }
0xc1: {  	s0 =	sor.u32 s1, s0  }
0xc2: {  	s0 =	sadd.s32 $0x8F2B, s0  }
0xc3: {  	[sflag:s0] =	ssyncadd.remote.s32 $0x1  }
0xc4: {  	_ =	sfence.sel $0xFFFF  }
0xc5: {  	[dreg:$0x0] =	wrdreg $0xFFFFFFFF;
	(pc) =	sbr.abs _section_cstart, $3  }
0xc6: {  	[dreg:$0x1] =	wrdreg $0xFFFFFFFF  }
0xc7: {  	_ =	task.clear_ibuf [dreg:s8], $0x2FFFF;
	_ =	strace $0x9FFFFFFF  }
0xc8: {  	(tm) =	ssettm $0x7FFFFFFF  }
0xc9: {  	_ =	shalt  }
tec
execute0_lowered:
.L_overlay_start_1:
0x0: {  	(tag) =	ssettag $0x1  }
0x1: {  	s1 =	rddreg [dreg:$0x0]  }
0x2: {  	s30 =	rddreg [dreg:$0x1]  }
0x3: {  	s2 =	rddreg [dreg:$0x2]  }
0x4: {  	s7 =	rddreg [dreg:$0x3]  }
0x5: {  	s4 =	rddreg [dreg:$0x4];
	s3 =	srdreg.scid  }
0x6: {  	s8 =	rddreg [dreg:$0x5];
	s0 =	stileid.u32  }
0x7: {  	s12 =	rddreg [dreg:$0x6];
	s5 =	sand.u32 $0x1, s3;
	s9 =	sshrl.u32 s0, $0x2  }
0x8: {  	s3 =	simm.s32 $0x0;
	s15 =	sand.u32 $0x3, s0;
	s6 =	sshll.u32 s5, $0x2  }
0x9: {  	[smem:$0x7FF] =	sst s3;
	s5 =	ssub.s32 $0x2, s5;
	s18 =	sshll.u32 s9, $0xB  }
0xa: {  	s11 =	sshll.u32 s9, $0xC;
	_ =	strace $0x80000047;
	s20 =	sadd.s32 s18, s8  }
0xb: {  	s4 =	sadd.s32 s11, s4;
	s21 =	sadd.s32 s18, s12;
	[dreg:$0xa] =	wrdreg s20  }
0xc: {  	s19 =	sor.u32 $0x80, s18;
	s11 =	sadd.s32 $0x100, s4;
	[dreg:$0xb] =	wrdreg s21  }
0xd: {  	s14 =	sshll.u32 s15, $0x10;
	s22 =	sadd.s32 s19, s8;
	[dreg:$0x9] =	wrdreg s11  }
0xe: {  	s24 =	sor.u32 $0x100, s18;
	s23 =	sadd.s32 s19, s12;
	[dreg:$0xc] =	wrdreg s22  }
0xf: {  	s16 =	sshll.u32 s15, $0x7;
	s26 =	sadd.s32 s24, s8;
	[dreg:$0xd] =	wrdreg s23  }
0x10: {  	p0 =	sne.s32 s15, $0x0;
	s29 =	sadd.s32 s24, s12;
	[dreg:$0xe] =	wrdreg s26  }
0x11: {  	s13 =	sor.u32 s9, s6;
	s19 =	sadd.s32 $0x800, s4;
	[dreg:$0xf] =	wrdreg s29  }
0x12: {  	s10 =	sshrl.u32 s5, $0x1;
	s20 =	sadd.s32 $0xA00, s4;
	[dreg:$0x17] =	wrdreg s19  }
0x13: {  	s25 =	sor.u32 $0x180, s18;
	s21 =	sadd.s32 $0xC00, s4;
	[dreg:$0x18] =	wrdreg s20  }
0x14: {  	s17 =	ssub.s32 s5, s10;
	s24 =	sadd.s32 $0x280, s4;
	[dreg:$0x19] =	wrdreg s21  }
0x15: {  	s10 =	sshll.u32 s9, $0x7;
	s15 =	sadd.s32 $0x700, s4;
	[dreg:$0x1b] =	wrdreg s24  }
0x16: {  	s9 =	sadd.s32 s10, s7;
	s7 =	sadd.s32 s25, s12;
	[smem:$0x7F2] =	sst s15  }
0x17: {  	s22 =	smax.u32 s17, $0x1;
	s17 =	sadd.s32 $0x400, s4;
	[dreg:$0x11] =	wrdreg s7  }
0x18: {  	s23 =	sadd.s32 $0xE00, s4;
	[dreg:$0x15] =	wrdreg s17  }
0x19: {  	s26 =	sadd.s32 $0x680, s4;
	[dreg:$0x1a] =	wrdreg s23  }
0x1a: {  	s29 =	sadd.s32 $0x880, s4;
	[dreg:$0x1d] =	wrdreg s26  }
0x1b: {  	s19 =	sadd.s32 $0xF00, s4;
	[dreg:$0x1e] =	wrdreg s29  }
0x1c: {  	s20 =	sadd.s32 $0x380, s4;
	[smem:$0x7F6] =	sst s19  }
0x1d: {  	s21 =	sadd.s32 $0x580, s4;
	[smem:$0x7F7] =	sst s20  }
0x1e: {  	s6 =	sshll.u32 s13, $0x4;
	s24 =	sadd.s32 $0x980, s4;
	[smem:$0x7F8] =	sst s21  }
0x1f: {  	s0 =	sshll.u32 s13, $0x12;
	s7 =	sadd.s32 $0xE80, s4;
	[smem:$0x7FA] =	sst s24  }
0x20: {  	s2 =	sadd.s32 s6, s2;
	s17 =	sadd.s32 $0xB00, s4;
	[smem:$0x7EF] =	sst s7  }
0x21: {  	s6 =	sor.u32 s14, s0;
	s23 =	sadd.s32 $0x780, s4;
	[smem:$0x7F4] =	sst s17  }
0x22: {  	s6 =	sshrl.u32 s6, $0x3;
	s26 =	sadd.s32 $0xD80, s4;
	[smem:$0x7F9] =	sst s23  }
0x23: {  	s29 =	sadd.s32 $0xF80, s4;
	s5 =	sadd.s32 s1, s6;
	[smem:$0x7FC] =	sst s26  }
0x24: {  	s6 =	sadd.s32 s16, s4;
	s1 =	sadd.s32 $0x80, s4;
	[smem:$0x7FD] =	sst s29  }
0x25: {  	s16 =	sor.u32 s16, s18;
	s18 =	sadd.s32 $0x600, s4;
	[dreg:$0x8] =	wrdreg s1  }
0x26: {  	s1 =	sadd.s32 s25, s8;
	[dreg:$0x16] =	wrdreg s18  }
0x27: {  	s10 =	sadd.s32 s16, s8;
	s8 =	sadd.s32 $0x180, s4;
	[dreg:$0x10] =	wrdreg s1  }
0x28: {  	s11 =	sadd.s32 s16, s12;
	s12 =	sadd.s32 $0x1600, s2;
	[dreg:$0x12] =	wrdreg s8  }
0x29: {  	s16 =	sadd.s32 $0x200, s4;
	[dreg:$0x13] =	wrdreg s12  }
0x2a: {  	s25 =	sadd.s32 $0x480, s4;
	[dreg:$0x14] =	wrdreg s16  }
0x2b: {  	s28 =	simm.s32 $0x16800;
	s2 =	sadd.s32 $0xC80, s4;
	[dreg:$0x1c] =	wrdreg s25  }
0x2c: {  	s31 =	simm.s32 $0x2;
	s18 =	sadd.s32 $0xD00, s4;
	[smem:$0x7EE] =	sst s2  }
0x2d: {  	v0 =	vlaneseq.u32;
	v6 =	vmov s13;
	s13 =	simm.s32 $0x16880;
	s1 =	sadd.s32 $0xA80, s4;
	[smem:$0x7F5] =	sst s18  }
0x2e: {  	v1 =	vor.u32 s14, v0;
	s14 =	simm.s32 $0x15400;
	s8 =	sadd.s32 $0x300, s4;
	[dreg:$0x1f] =	wrdreg s1  }
.Ltmp0:
0x2f: {  	v7 =	vimm.s32 $0x0;
	vm0 =	veq.s32 v6, v0;
	s12 =	sadd.s32 $0x500, s4;
	[smem:$0x7F0] =	sst s8;
	(pc) =	sbr.rel .LBB2_1-.Ltmp0, $4  }
0x30: {  	v2 =	vimm.s32 $0x0;
	v4 =	vimm.s32 $0x1;
	s15 =	simm.s32 $0x15600;
	v7 =	vsel vm0, $0xFFFFFFFF, v7;
	s16 =	sadd.s32 $0x900, s4;
	[smem:$0x7F1] =	sst s12  }
0x31: {  	v5 =	vimm.s32 $0xFFFFFFFF;
	vm4 =	vmmov $0x1;
	s7 =	simm.s32 $0x80;
	[tilespmem:$0x1FFE0] =	vst v7;
	v7 =	vimm.s32 $0x0;
	s25 =	sadd.s32 $0xB80, s4;
	[smem:$0x7F3] =	sst s16  }
0x32: {  	vm1 =	vmxor vm1, vm1;
	vm2 =	vcmask $0x300;
	v7 =	vsel vm4, $0xFFFFFFFF, v7;
	s2 =	simm.s32 $0x1;
	[smem:$0x7FB] =	sst s25;
	s1 =	simm.s32 $0x10000  }
0x33: {  	vm3 =	vcmask $0x704;
	v3 =	vmul.u32 $0x400, v0;
	v6 =	vmul.u32 $0x20, v0;
	[tilespmem:$0x1FFF0] =	vst v7;
	s8 =	simm.s32 $0x200;
	s12 =	simm.s32 $0x15000;
	s16 =	simm.s32 $0x0  }
.LBB2_27:
0x34: {  	v7 =	vmov s18  }
0x35: {  	vm3 =	vcmask $0x704;
	v7 =	vnsel vm4, $0x0, v7  }
0x36: {  	v7 =	vsel vm3, s21, v7  }
0x37: {  	s0 =	rddreg [dreg:$0x13];
	[tilespmem:$0x16880] =	vst v7  }
0x38: {  	[hbm4b:s0+s3] =	stream.linear.scatter [tilespmem:s13], [sflag:$0x2], $0x80, $0x38;
	[tilespmem:$0x17108] =	vst v63  }
0x39: {  	_ =	swait.ge [sflag:s31], $0x80  }
0x3a: {  	v7 =	vld [tilespmem:$0x1FFE0];
	_ =	sdelay $0x4  }
0x3b: {  	vm0 =	vnez.u8 v7;
	v7 =	vld [tilespmem:$0x1FFF0];
	_ =	sdelay $0x3  }
0x3c: {  	[sflag:s31] =	ssyncset.done $0x0  }
0x3d: {  	vm2 =	vmmov vm4;
	[sflag:s31] =	ssyncadd.s32 $0xFFFFFF80;
	vm4 =	vnez.u8 v7  }
.LBB2_28:
0x3e: {  	s16 =	sadd.s32 $0x1, s16  }
0x3f: {  	p1 =	sne.s32 s16, s22  }
.Ltmp1:
0x40: {  	_ = 	snop;
	(pc) =	sbr.rel @!p1 .LBB2_29-.Ltmp1, $1  }
0x41: {  	_ =	sdelay $0x3  }
.LBB2_1:
0x42: {  	[tilespmem:s28], [sflag:$0x2] =	stream.linear.gather [hbm4b:s30+s3], $0x80, $0x38;
	[tilespmem:$0x17108] =	vst v63  }
0x43: {  	_ =	swait.ge [sflag:s31], $0x80  }
0x44: {  	[sflag:s31] =	ssyncset.done $0x0  }
0x45: {  	s17 =	simm.s32 $0x10040;
	[sflag:s31] =	ssyncadd.s32 $0xFFFFFF80  }
0x46: {  	v7 =	vld [tilespmem:$0x16800];
	[tilespmem:s3], [sflag:$0x1] =	stream.linear.gather [hbm4b:s5+s3], $0x10000, $0x38  }
0x47: {  	[tilespmem:s17+$0xFFFFFFC0] =	vst v2  }
0x48: {  	[tilespmem:s17+$0x30] =	vst v2  }
0x49: {  	[tilespmem:s17+$0x20] =	vst v2  }
0x4a: {  	[tilespmem:s17+$0x10] =	vst v2  }
0x4b: {  	[tilespmem:s17+$0x0] =	vst v2  }
0x4c: {  	[tilespmem:s17+$0xFFFFFFF0] =	vst v2  }
0x4d: {  	s18 =	simm.s32 $0x0;
	[tilespmem:s17+$0xFFFFFFE0] =	vst v2  }
.LBB2_2:
0x4e: {  	s18 =	sadd.s32 $0x8, s18;
	[tilespmem:s17+$0xFFFFFFD0] =	vst v2;
	s17 =	sadd.s32 $0x80, s17  }
0x4f: {  	[tilespmem:s17+$0xFFFFFFC0] =	vst v2;
	p1 =	slt.u32 s18, $0x3F8  }
0x50: {  	[tilespmem:s17+$0x30] =	vst v2  }
.Ltmp2:
0x51: {  	[tilespmem:s17+$0x20] =	vst v2;
	(pc) =	sbr.rel @p1 .LBB2_2-.Ltmp2, $4  }
0x52: {  	[tilespmem:s17+$0x10] =	vst v2  }
0x53: {  	[tilespmem:s17+$0x0] =	vst v2  }
0x54: {  	[tilespmem:s17+$0xFFFFFFF0] =	vst v2  }
0x55: {  	[tilespmem:s17+$0xFFFFFFE0] =	vst v2  }
0x56: {  	[tilespmem:s17+$0xFFFFFFD0] =	vst v2;
	s17 =	simm.s32 $0x0;
	s18 =	simm.s32 $0x0;
	s20 =	simm.s32 $0x0  }
0x57: {  	_ =	swait.ge [sflag:s2], $0x10000;
	s18 =	sand.u32 $0xF000, s18;
	s19 =	sand.u32 $0xC00, s17  }
0x58: {  	s20 =	sand.u32 $0x380, s20;
	[sflag:s2] =	ssyncset.done $0x0;
	s18 =	sor.u32 s19, s18  }
0x59: {  	[sflag:s2] =	ssyncadd.s32 $0xFFFF0000;
	s18 =	sor.u32 s20, s18  }
0x5a: {  	v8 =	vld [tilespmem:s18+$0x70]  }
0x5b: {  	v9 =	vld [tilespmem:s18+$0x0]  }
0x5c: {  	v10 =	vld [tilespmem:s18+$0x10]  }
0x5d: {  	v11 =	vld [tilespmem:s18+$0x20]  }
0x5e: {  	v12 =	vld [tilespmem:s18+$0x30]  }
0x5f: {  	v13 =	vld [tilespmem:s18+$0x40]  }
0x60: {  	v14 =	vld [tilespmem:s18+$0x50]  }
0x61: {  	v15 =	vld [tilespmem:s18+$0x60];
	_ =	sdelay $0x1  }
0x62: {  	v8 =	vmul.f32 $1.024000000e+03, v8;
	v9 =	vmul.f32 $1.024000000e+03, v9  }
0x63: {  	s23 =	simm.s32 $0x80;
	s24 =	simm.s32 $0x400;
	v10 =	vmul.f32 $1.024000000e+03, v10;
	v11 =	vmul.f32 $1.024000000e+03, v11  }
0x64: {  	s25 =	simm.s32 $0x20;
	s19 =	sand.u32 $0xC00, s24;
	s18 =	sand.u32 $0xF000, s23;
	v12 =	vmul.f32 $1.024000000e+03, v12;
	v13 =	vmul.f32 $1.024000000e+03, v13  }
0x65: {  	s20 =	sand.u32 $0x380, s25;
	s18 =	sor.u32 s19, s18;
	v14 =	vmul.f32 $1.024000000e+03, v14;
	v15 =	vmul.f32 $1.024000000e+03, v15  }
0x66: {  	s18 =	sor.u32 s20, s18;
	v8 =	vtrunc.f32 v8;
	v9 =	vtrunc.f32 v9  }
0x67: {  	v16 =	vld [tilespmem:s18+$0x70];
	v10 =	vtrunc.f32 v10;
	v11 =	vtrunc.f32 v11  }
0x68: {  	v17 =	vld [tilespmem:s18+$0x0];
	v12 =	vtrunc.f32 v12;
	v13 =	vtrunc.f32 v13  }
0x69: {  	v18 =	vld [tilespmem:s18+$0x10];
	v14 =	vtrunc.f32 v14;
	v15 =	vtrunc.f32 v15  }
0x6a: {  	v19 =	vld [tilespmem:s18+$0x20];
	v8 =	vcvt.f32.s32 v8;
	v9 =	vcvt.f32.s32 v9  }
0x6b: {  	v20 =	vld [tilespmem:s18+$0x30];
	v10 =	vcvt.f32.s32 v10;
	v11 =	vcvt.f32.s32 v11  }
0x6c: {  	v12 =	vcvt.f32.s32 v12;
	v13 =	vcvt.f32.s32 v13  }
0x6d: {  	v14 =	vcvt.f32.s32 v14;
	v15 =	vcvt.f32.s32 v15  }
0x6e: {  	v16 =	vmul.f32 $1.024000000e+03, v16;
	v17 =	vmul.f32 $1.024000000e+03, v17  }
0x6f: {  	v18 =	vmul.f32 $1.024000000e+03, v18;
	v19 =	vmul.f32 $1.024000000e+03, v19  }
0x70: {  	v20 =	vmul.f32 $1.024000000e+03, v20;
	vm6 =	vlt.s32 v8, $0x3FF;
	vm7 =	vlt.s32 v10, $0x3FF  }
0x71: {  	vm8 =	vlt.s32 v11, $0x3FF;
	vm9 =	vlt.s32 v12, $0x3FF;
	vm10 =	vlt.s32 v14, $0x3FF  }
0x72: {  	v16 =	vtrunc.f32 v16;
	v17 =	vtrunc.f32 v17;
	v8 =	vnsel vm6, $0x3FF, v8  }
0x73: {  	v18 =	vtrunc.f32 v18;
	v11 =	vnsel vm8, $0x3FF, v11;
	v8 =	vadd.s32 v3, v8  }
0x74: {  	v21 =	vld [tilespmem:s18+$0x40];
	vm6 =	vlt.s32 v9, $0x3FF;
	v12 =	vnsel vm9, $0x3FF, v12;
	v11 =	vadd.s32 v3, v11  }
0x75: {  	v19 =	vtrunc.f32 v19;
	v9 =	vnsel vm6, $0x3FF, v9;
	v12 =	vadd.s32 v3, v12  }
0x76: {  	v22 =	vld [tilespmem:s18+$0x50];
	v10 =	vnsel vm7, $0x3FF, v10;
	vm7 =	vlt.s32 v15, $0x3FF;
	v9 =	vadd.s32 v3, v9  }
0x77: {  	v23 =	vld [tilespmem:s18+$0x60];
	v16 =	vcvt.f32.s32 v16;
	vm6 =	vlt.s32 v13, $0x3FF;
	v10 =	vadd.s32 v3, v10  }
0x78: {  	v14 =	vnsel vm10, $0x3FF, v14;
	v15 =	vnsel vm7, $0x3FF, v15;
	v13 =	vnsel vm6, $0x3FF, v13;
	[tilespmem:v8+s1+$0x0] =	vst.idx.add.s32.msk $0xffff, v4  }
0x79: {  	s26 =	simm.s32 $0x100;
	s18 =	simm.s32 $0x800;
	vm6 =	vlt.s32 v16, $0x3FF;
	v8 =	vmul.f32 $1.024000000e+03, v21;
	[tilespmem:v11+s1+$0x0] =	vst.idx.add.s32.msk $0xffff, v4;
	v11 =	vcvt.f32.s32 v17  }
0x7a: {  	s21 =	simm.s32 $0x40;
	s19 =	sand.u32 $0xF000, s26;
	s29 =	sand.u32 $0xC00, s18;
	v16 =	vnsel vm6, $0x3FF, v16;
	[tilespmem:v12+s1+$0x0] =	vst.idx.add.s32.msk $0xffff, v4;
	v12 =	vcvt.f32.s32 v18;
	v17 =	vcvt.f32.s32 v19  }
0x7b: {  	s21 =	sand.u32 $0x380, s21;
	s19 =	sor.u32 s29, s19;
	v16 =	vadd.s32 v3, v16;
	[tilespmem:v9+s1+$0x0] =	vst.idx.add.s32.msk $0xffff, v4;
	v9 =	vtrunc.f32 v20;
	v20 =	vmul.f32 $1.024000000e+03, v22  }
0x7c: {  	s19 =	sor.u32 s21, s19;
	v24 =	vadd.s32 v3, v14;
	[tilespmem:v10+s1+$0x0] =	vst.idx.add.s32.msk $0xffff, v4;
	v10 =	vtrunc.f32 v8;
	v8 =	vmul.f32 $1.024000000e+03, v23  }
0x7d: {  	v21 =	vld [tilespmem:s19+$0x10];
	v23 =	vadd.s32 v3, v13;
	vm6 =	vlt.s32 v11, $0x3FF;
	v9 =	vcvt.f32.s32 v9  }
0x7e: {  	vm7 =	vlt.s32 v12, $0x3FF;
	v14 =	vtrunc.f32 v8;
	v8 =	vadd.s32 v3, v15;
	v15 =	vld [tilespmem:s19+$0x70]  }
0x7f: {  	v25 =	vld [tilespmem:s19+$0x30];
	vm8 =	vlt.s32 v17, $0x3FF;
	v13 =	vtrunc.f32 v20;
	v10 =	vcvt.f32.s32 v10  }
0x80: {  	[tilespmem:v16+s1+$0x0] =	vst.idx.add.s32.msk $0xffff, v4;
	v12 =	vnsel vm7, $0x3FF, v12;
	v17 =	vnsel vm8, $0x3FF, v17;
	v13 =	vcvt.f32.s32 v13  }
0x81: {  	v16 =	vld [tilespmem:s19+$0x0];
	vm14 =	vlt.s32 v9, $0x3FF;
	v18 =	vcvt.f32.s32 v14;
	v14 =	vnsel vm6, $0x3FF, v11  }
0x82: {  	v22 =	vld [tilespmem:s19+$0x20];
	vm6 =	vlt.s32 v10, $0x3FF;
	v26 =	vnsel vm14, $0x3FF, v9;
	v27 =	vmul.f32 $1.024000000e+03, v21  }
0x83: {  	vm15 =	vlt.s32 v13, $0x3FF;
	v11 =	vnsel vm6, $0x3FF, v10;
	v15 =	vmul.f32 $1.024000000e+03, v15  }
0x84: {  	v19 =	vld [tilespmem:s19+$0x40];
	v14 =	vadd.s32 v3, v14;
	vm7 =	vlt.s32 v18, $0x3FF;
	v10 =	vnsel vm15, $0x3FF, v13  }
0x85: {  	v20 =	vld [tilespmem:s19+$0x50];
	v9 =	vnsel vm7, $0x3FF, v18;
	v13 =	vtrunc.f32 v15;
	v15 =	vadd.s32 v3, v12  }
0x86: {  	v16 =	vmul.f32 $1.024000000e+03, v16;
	v18 =	vld [tilespmem:s19+$0x60];
	v21 =	vcvt.f32.s32 v13;
	v13 =	vadd.s32 v3, v17  }
0x87: {  	v22 =	vmul.f32 $1.024000000e+03, v22;
	[tilespmem:v23+s1+$0x0] =	vst.idx.add.s32.msk $0xffff, v4;
	v23 =	vmul.f32 $1.024000000e+03, v25;
	v12 =	vadd.s32 v3, v26  }
0x88: {  	[tilespmem:v24+s1+$0x0] =	vst.idx.add.s32.msk $0xffff, v4;
	s19 =	simm.s32 $0x10;
	v16 =	vtrunc.f32 v16;
	v17 =	vtrunc.f32 v27;
	vm6 =	vlt.s32 v21, $0x3FF  }
.LBB2_4:
0x89: {  	s19 =	sadd.s32 $0x8, s19;
	v22 =	vtrunc.f32 v22;
	v19 =	vmul.f32 $1.024000000e+03, v19;
	v21 =	vnsel vm6, $0x3FF, v21;
	[tilespmem:v14+s1+$0x0] =	vst.idx.add.s32.msk $0xffff, v4  }
0x8a: {  	s18 =	sadd.s32 $0x400, s18;
	s20 =	sshll.u32 s19, $0x4;
	p1 =	slt.u32 s19, $0xFF8;
	v14 =	vtrunc.f32 v23;
	v20 =	vmul.f32 $1.024000000e+03, v20;
	v21 =	vadd.s32 v3, v21;
	[tilespmem:v15+s1+$0x0] =	vst.idx.add.s32.msk $0xffff, v4  }
0x8b: {  	s21 =	sand.u32 $0xC00, s18;
	s23 =	sshll.u32 s19, $0x2;
	v23 =	vadd.s32 v3, v11;
	s20 =	sand.u32 $0xF000, s20;
	v15 =	vtrunc.f32 v19;
	v18 =	vmul.f32 $1.024000000e+03, v18;
	[tilespmem:v13+s1+$0x0] =	vst.idx.add.s32.msk $0xffff, v4  }
0x8c: {  	v24 =	vadd.s32 v3, v10;
	v11 =	vcvt.f32.s32 v16;
	s23 =	sand.u32 $0x380, s23;
	s20 =	sor.u32 s21, s20;
	v13 =	vtrunc.f32 v20;
	[tilespmem:v12+s1+$0x0] =	vst.idx.add.s32.msk $0xffff, v4  }
0x8d: {  	v10 =	vcvt.f32.s32 v17;
	s20 =	sor.u32 s23, s20;
	v12 =	vtrunc.f32 v18;
	[tilespmem:v8+s1+$0x0] =	vst.idx.add.s32.msk $0xffff, v4;
	v8 =	vadd.s32 v3, v9  }
0x8e: {  	v16 =	vcvt.f32.s32 v22;
	v14 =	vcvt.f32.s32 v14;
	vm6 =	vlt.s32 v11, $0x3FF;
	v9 =	vld [tilespmem:s20+$0x70]  }
0x8f: {  	vm7 =	vlt.s32 v10, $0x3FF;
	v15 =	vcvt.f32.s32 v15;
	v13 =	vcvt.f32.s32 v13;
	[tilespmem:v21+s1+$0x0] =	vst.idx.add.s32.msk $0xffff, v4  }
0x90: {  	vm8 =	vlt.s32 v16, $0x3FF;
	vm9 =	vlt.s32 v14, $0x3FF;
	v12 =	vcvt.f32.s32 v12;
	v17 =	vld [tilespmem:s20+$0x0]  }
0x91: {  	v20 =	vnsel vm6, $0x3FF, v11;
	vm6 =	vlt.s32 v15, $0x3FF;
	vm10 =	vlt.s32 v13, $0x3FF;
	v18 =	vld [tilespmem:s20+$0x10]  }
0x92: {  	v16 =	vnsel vm8, $0x3FF, v16;
	v21 =	vnsel vm7, $0x3FF, v10;
	vm7 =	vlt.s32 v12, $0x3FF;
	v22 =	vld [tilespmem:s20+$0x20]  }
0x93: {  	v27 =	vnsel vm9, $0x3FF, v14;
	v11 =	vnsel vm6, $0x3FF, v15;
	v25 =	vld [tilespmem:s20+$0x30];
	v26 =	vmul.f32 $1.024000000e+03, v9  }
.Ltmp3:
0x94: {  	v14 =	vadd.s32 v3, v20;
	v10 =	vnsel vm10, $0x3FF, v13;
	v9 =	vnsel vm7, $0x3FF, v12;
	v19 =	vld [tilespmem:s20+$0x40];
	(pc) =	sbr.rel @p1 .LBB2_4-.Ltmp3, $4  }
0x95: {  	v15 =	vadd.s32 v3, v21;
	v12 =	vmul.f32 $1.024000000e+03, v17;
	v20 =	vld [tilespmem:s20+$0x50];
	v13 =	vtrunc.f32 v26  }
0x96: {  	v17 =	vmul.f32 $1.024000000e+03, v18;
	v18 =	vld [tilespmem:s20+$0x60];
	v21 =	vcvt.f32.s32 v13;
	v13 =	vadd.s32 v3, v16  }
0x97: {  	v16 =	vtrunc.f32 v12;
	v22 =	vmul.f32 $1.024000000e+03, v22;
	v12 =	vadd.s32 v3, v27;
	[tilespmem:v23+s1+$0x0] =	vst.idx.add.s32.msk $0xffff, v4  }
0x98: {  	v17 =	vtrunc.f32 v17;
	v23 =	vmul.f32 $1.024000000e+03, v25;
	vm6 =	vlt.s32 v21, $0x3FF;
	[tilespmem:v24+s1+$0x0] =	vst.idx.add.s32.msk $0xffff, v4  }
0x99: {  	_ =	sdelay $0x1  }
0x9a: {  	v22 =	vtrunc.f32 v22;
	v19 =	vmul.f32 $1.024000000e+03, v19  }
0x9b: {  	v21 =	vnsel vm6, $0x3FF, v21;
	v11 =	vadd.s32 v3, v11;
	v16 =	vcvt.f32.s32 v16  }
0x9c: {  	[tilespmem:v14+s1+$0x0] =	vst.idx.add.s32.msk $0xffff, v4;
	v10 =	vadd.s32 v3, v10;
	v14 =	vcvt.f32.s32 v17;
	v23 =	vtrunc.f32 v23  }
0x9d: {  	[tilespmem:v15+s1+$0x0] =	vst.idx.add.s32.msk $0xffff, v4;
	v9 =	vadd.s32 v3, v9;
	v20 =	vmul.f32 $1.024000000e+03, v20;
	v15 =	vcvt.f32.s32 v22  }
0x9e: {  	v21 =	vadd.s32 v3, v21;
	v19 =	vtrunc.f32 v19;
	v18 =	vmul.f32 $1.024000000e+03, v18  }
0x9f: {  	vm6 =	vlt.s32 v16, $0x3FF;
	v56 =	vcvt.f32.s32 v23;
	vm7 =	vlt.s32 v14, $0x3FF  }
0xa0: {  	[tilespmem:v13+s1+$0x0] =	vst.idx.add.s32.msk $0xffff, v4;
	v20 =	vtrunc.f32 v20;
	v13 =	vcvt.f32.s32 v19;
	v16 =	vnsel vm6, $0x3FF, v16  }
0xa1: {  	[tilespmem:v12+s1+$0x0] =	vst.idx.add.s32.msk $0xffff, v4;
	vm6 =	vlt.s32 v15, $0x3FF;
	v12 =	vnsel vm7, $0x3FF, v14;
	v55 =	vtrunc.f32 v18  }
0xa2: {  	[tilespmem:v8+s1+$0x0] =	vst.idx.add.s32.msk $0xffff, v4;
	v14 =	vadd.s32 v3, v16;
	vm7 =	vlt.s32 v56, $0x3FF;
	v8 =	vnsel vm6, $0x3FF, v15  }
0xa3: {  	v12 =	vadd.s32 v3, v12;
	v15 =	vcvt.f32.s32 v20;
	v8 =	vadd.s32 v3, v8;
	[tilespmem:v11+s1+$0x0] =	vst.idx.add.s32.msk $0xffff, v4  }
0xa4: {  	v57 =	vnsel vm7, $0x3FF, v56;
	v17 =	vcvt.f32.s32 v55;
	vm6 =	vlt.s32 v13, $0x3FF;
	[tilespmem:v10+s1+$0x0] =	vst.idx.add.s32.msk $0xffff, v4  }
0xa5: {  	[tilespmem:v9+s1+$0x0] =	vst.idx.add.s32.msk $0xffff, v4;
	v16 =	vadd.s32 v3, v57;
	vm7 =	vlt.s32 v15, $0x3FF;
	v11 =	vnsel vm6, $0x3FF, v13  }
0xa6: {  	[tilespmem:v21+s1+$0x0] =	vst.idx.add.s32.msk $0xffff, v4;
	vm6 =	vlt.s32 v17, $0x3FF;
	v10 =	vnsel vm7, $0x3FF, v15;
	v11 =	vadd.s32 v3, v11  }
0xa7: {  	v13 =	vnsel vm6, $0x3FF, v17;
	v10 =	vadd.s32 v3, v10;
	[tilespmem:v14+s1+$0x0] =	vst.idx.add.s32.msk $0xffff, v4  }
0xa8: {  	[tilespmem:v8+s1+$0x0] =	vst.idx.add.s32.msk $0xffff, v4;
	v8 =	vadd.s32 v3, v13  }
0xa9: {  	[tilespmem:v12+s1+$0x0] =	vst.idx.add.s32.msk $0xffff, v4  }
0xaa: {  	[tilespmem:v16+s1+$0x0] =	vst.idx.add.s32.msk $0xffff, v4  }
0xab: {  	[tilespmem:v11+s1+$0x0] =	vst.idx.add.s32.msk $0xffff, v4  }
0xac: {  	[tilespmem:v10+s1+$0x0] =	vst.idx.add.s32.msk $0xffff, v4  }
0xad: {  	s19 =	simm.s32 $0x12010;
	[tilespmem:v8+s1+$0x0] =	vst.idx.add.s32.msk $0xffff, v4  }
0xae: {  	s17 =	sand.u32 $0x3E0, s17;
	v8 =	vld [tilespmem:s19+$0xFFFFDFF0]  }
0xaf: {  	v9 =	vld [tilespmem:s17+$0x10400]  }
0xb0: {  	v10 =	vld [tilespmem:s17+$0x10800]  }
0xb1: {  	v11 =	vld [tilespmem:s17+$0x10C00]  }
0xb2: {  	v12 =	vld [tilespmem:s17+$0x11000]  }
0xb3: {  	v13 =	vld [tilespmem:s17+$0x11400]  }
0xb4: {  	v14 =	vld [tilespmem:s17+$0x11800]  }
0xb5: {  	v15 =	vld [tilespmem:s17+$0x11C00]  }
0xb6: {  	v16 =	vld [tilespmem:s17+$0x12000]  }
0xb7: {  	v58 =	vld [tilespmem:s17+$0x12400]  }
0xb8: {  	v59 =	vld [tilespmem:s17+$0x12800]  }
0xb9: {  	v60 =	vld [tilespmem:s17+$0x12C00]  }
0xba: {  	v61 =	vld [tilespmem:s17+$0x13000]  }
0xbb: {  	v21 =	vld [tilespmem:s17+$0x13400]  }
0xbc: {  	v62 =	vld [tilespmem:s17+$0x13800]  }
0xbd: {  	v63 =	vld [tilespmem:s17+$0x13C00]  }
0xbe: {  	v8 =	vadd.s32 v8, v9;
	v9 =	vld [tilespmem:s19+$0xFFFFE000]  }
0xbf: {  	v8 =	vadd.s32 v10, v8;
	v10 =	vld [tilespmem:s19+$0xFFFFE400]  }
0xc0: {  	v8 =	vadd.s32 v11, v8;
	v11 =	vld [tilespmem:s19+$0xFFFFE800]  }
0xc1: {  	v8 =	vadd.s32 v12, v8;
	v12 =	vld [tilespmem:s19+$0xFFFFEC00]  }
0xc2: {  	v8 =	vadd.s32 v13, v8;
	v13 =	vld [tilespmem:s19+$0xFFFFF000]  }
0xc3: {  	v8 =	vadd.s32 v14, v8;
	v14 =	vld [tilespmem:s19+$0xFFFFF400]  }
0xc4: {  	v8 =	vadd.s32 v15, v8;
	v9 =	vadd.s32 v9, v10;
	v10 =	vld [tilespmem:s19+$0xFFFFF800]  }
0xc5: {  	v8 =	vadd.s32 v16, v8;
	v9 =	vadd.s32 v11, v9;
	v11 =	vld [tilespmem:s19+$0xFFFFFC00]  }
0xc6: {  	v8 =	vadd.s32 v58, v8;
	v9 =	vadd.s32 v12, v9;
	v12 =	vld [tilespmem:s19+$0x0]  }
0xc7: {  	v8 =	vadd.s32 v59, v8;
	v9 =	vadd.s32 v13, v9;
	v13 =	vld [tilespmem:s19+$0x400]  }
0xc8: {  	p1 =	por $0x1, $0x1;
	v8 =	vadd.s32 v60, v8;
	v9 =	vadd.s32 v14, v9;
	v14 =	vld [tilespmem:s19+$0x800]  }
.Ltmp4:
0xc9: {  	v15 =	vadd.s32 v61, v8;
	v9 =	vadd.s32 v10, v9;
	v8 =	vld [tilespmem:s19+$0xC00];
	(pc) =	sbr.rel @!p1 .LBB2_7-.Ltmp4, $4  }
0xca: {  	v10 =	vadd.s32 v21, v15;
	v11 =	vadd.s32 v11, v9;
	v9 =	vld [tilespmem:s19+$0x1000]  }
0xcb: {  	v15 =	vadd.s32 v62, v10;
	v11 =	vadd.s32 v12, v11;
	v10 =	vld [tilespmem:s19+$0x1400]  }
0xcc: {  	s17 =	simm.s32 $0x15010;
	v12 =	vadd.s32 v63, v15;
	v13 =	vadd.s32 v13, v11;
	v11 =	vld [tilespmem:s19+$0x1800]  }
0xcd: {  	s18 =	simm.s32 $0x0;
	s20 =	simm.s32 $0x20;
	[tilespmem:s17+$0xFFFFFFF0] =	vst v12;
	v13 =	vadd.s32 v14, v13;
	v12 =	vld [tilespmem:s19+$0x1C00];
	s19 =	simm.s32 $0x12030  }
.LBB2_6:
0xce: {  	v14 =	vld [tilespmem:s19+$0xFFFFDFF0];
	s21 =	sand.u32 $0x3E0, s20;
	s18 =	sadd.s32 $0x2, s18;
	v8 =	vadd.s32 v8, v13  }
0xcf: {  	v13 =	vld [tilespmem:s21+$0x10400];
	p1 =	slt.u32 s18, $0x3E;
	v8 =	vadd.s32 v9, v8  }
0xd0: {  	v9 =	vld [tilespmem:s21+$0x10800];
	v8 =	vadd.s32 v10, v8  }
0xd1: {  	v10 =	vld [tilespmem:s21+$0x10C00];
	v8 =	vadd.s32 v11, v8  }
0xd2: {  	v11 =	vld [tilespmem:s21+$0x11000];
	v8 =	vadd.s32 v12, v8  }
0xd3: {  	v12 =	vld [tilespmem:s21+$0x11400];
	[tilespmem:s17+$0x0] =	vst v8  }
0xd4: {  	v8 =	vadd.s32 v14, v13;
	v13 =	vld [tilespmem:s21+$0x11800]  }
0xd5: {  	v8 =	vadd.s32 v9, v8;
	v9 =	vld [tilespmem:s21+$0x11C00]  }
0xd6: {  	v8 =	vadd.s32 v10, v8;
	v10 =	vld [tilespmem:s21+$0x12000]  }
0xd7: {  	v8 =	vadd.s32 v11, v8;
	v11 =	vld [tilespmem:s21+$0x12400]  }
0xd8: {  	v8 =	vadd.s32 v12, v8;
	v12 =	vld [tilespmem:s21+$0x12800]  }
0xd9: {  	v8 =	vadd.s32 v13, v8;
	v13 =	vld [tilespmem:s21+$0x12C00]  }
0xda: {  	v8 =	vadd.s32 v9, v8;
	v9 =	vld [tilespmem:s21+$0x13000]  }
0xdb: {  	v8 =	vadd.s32 v10, v8;
	v10 =	vld [tilespmem:s21+$0x13400]  }
0xdc: {  	v8 =	vadd.s32 v11, v8;
	v11 =	vld [tilespmem:s21+$0x13800]  }
0xdd: {  	v8 =	vadd.s32 v12, v8;
	v12 =	vld [tilespmem:s21+$0x13C00]  }
0xde: {  	v8 =	vadd.s32 v13, v8;
	v13 =	vld [tilespmem:s19+$0xFFFFE000]  }
0xdf: {  	v8 =	vadd.s32 v9, v8;
	v9 =	vld [tilespmem:s19+$0xFFFFE400]  }
0xe0: {  	v8 =	vadd.s32 v10, v8;
	v10 =	vld [tilespmem:s19+$0xFFFFE800]  }
0xe1: {  	v8 =	vadd.s32 v11, v8;
	v11 =	vld [tilespmem:s19+$0xFFFFEC00]  }
0xe2: {  	s17 =	sadd.s32 $0x20, s17;
	v8 =	vadd.s32 v12, v8;
	v12 =	vld [tilespmem:s19+$0xFFFFF000]  }
0xe3: {  	[tilespmem:s17+$0xFFFFFFF0] =	vst v8;
	v8 =	vld [tilespmem:s19+$0xFFFFF400]  }
0xe4: {  	v9 =	vadd.s32 v13, v9;
	v13 =	vld [tilespmem:s19+$0xFFFFF800]  }
0xe5: {  	v9 =	vadd.s32 v10, v9;
	v10 =	vld [tilespmem:s19+$0xFFFFFC00]  }
0xe6: {  	v9 =	vadd.s32 v11, v9;
	v11 =	vld [tilespmem:s19+$0x0]  }
0xe7: {  	v9 =	vadd.s32 v12, v9;
	v12 =	vld [tilespmem:s19+$0x400]  }
0xe8: {  	v8 =	vadd.s32 v8, v9;
	v14 =	vld [tilespmem:s19+$0x800]  }
.Ltmp5:
0xe9: {  	v9 =	vadd.s32 v13, v8;
	v8 =	vld [tilespmem:s19+$0xC00];
	(pc) =	sbr.rel @p1 .LBB2_6-.Ltmp5, $4  }
0xea: {  	v10 =	vadd.s32 v10, v9;
	v9 =	vld [tilespmem:s19+$0x1000]  }
0xeb: {  	v11 =	vadd.s32 v11, v10;
	v10 =	vld [tilespmem:s19+$0x1400]  }
0xec: {  	v12 =	vadd.s32 v12, v11;
	v11 =	vld [tilespmem:s19+$0x1800]  }
0xed: {  	s20 =	sadd.s32 $0x20, s20;
	v13 =	vadd.s32 v14, v12;
	v12 =	vld [tilespmem:s19+$0x1C00];
	s19 =	sadd.s32 $0x20, s19  }
.LBB2_7:
0xee: {  	v8 =	vadd.s32 v8, v13  }
0xef: {  	v8 =	vadd.s32 v9, v8  }
0xf0: {  	v8 =	vadd.s32 v10, v8  }
0xf1: {  	v8 =	vadd.s32 v11, v8  }
0xf2: {  	v8 =	vadd.s32 v12, v8  }
0xf3: {  	[tilespmem:s17+$0x0] =	vst v8  }
0xf4: {  	[spmem:s6] =	stream.strided.scatter [tilespmem:s12], [sflag:$0x2], $0x400, s8, s7, $0x38;
	[tilespmem:$0x17108] =	vst v63  }
0xf5: {  	_ =	swait.ge [sflag:s31], $0x400  }
0xf6: {  	[sflag:s31] =	ssyncset.done $0x0  }
0xf7: {  	s17 =	simm.s32 $0x15410;
	[sflag:s31] =	ssyncadd.s32 $0xFFFFFC00  }
0xf8: {  	s18 =	simm.s32 $0x0;
	[tilespmem:s17+$0xFFFFFFF0] =	vst v5  }
.LBB2_8:
0xf9: {  	s18 =	sadd.s32 $0x2, s18  }
0xfa: {  	p1 =	slt.u32 s18, $0x1E  }
.Ltmp6:
0xfb: {  	_ = 	snop;
	(pc) =	sbr.rel @p1 .LBB2_8-.Ltmp6, $3  }
0xfc: {  	_ =	sdelay $0x1  }
0xfd: {  	[tilespmem:s17+$0x0] =	vst v5;
	s17 =	sadd.s32 $0x20, s17  }
0xfe: {  	[tilespmem:s17+$0xFFFFFFF0] =	vst v5  }
0xff: {  	v7 =	vnsel vm0, $0x0, v7  }
0x100: {  	(xrf0) =	vadd.scan.msk.s32 $0xffff, v7;
	_ =	sdelay $0x5  }
0x101: {  	v7, _, _ =	vpop (xrf0)  }
0x102: {  	(v2sf) =	vpush v7, $0xF;
	_ =	sdelay $0xc  }
.Ltmp7:
0x103: {  	_ = 	snop;
	(pc) =	sbr.rel @p0 .LBB2_13-.Ltmp7, $3  }
0x104: {  	_ = 	snop  }
0x105: {  	[tilespmem:s17+$0x0] =	vst v5;
	s17 =	spop (v2sf)  }
0x106: {  	[bflag:$0x0] =	sbarrier.arrive $0xFFFF;
	_ =	sdelay $0x1  }
0x107: {  	s0 =	simm.s32 $0x14000  }
0x108: {  	[tilespmem:s0], [sflag:$0x2] =	stream.linear.gather [spmem:s4], $0x80, $0x38;
	[tilespmem:$0x17108] =	vst v63  }
0x109: {  	s19 =	rddreg [dreg:$0x14];
	s18 =	simm.s32 $0x14200  }
0x10a: {  	[tilespmem:s18], [sflag:$0x2] =	stream.linear.gather [spmem:s19], $0x80, $0x38;
	[tilespmem:$0x17108] =	vst v63  }
0x10b: {  	s20 =	rddreg [dreg:$0x15];
	s21 =	simm.s32 $0x14400  }
0x10c: {  	[tilespmem:s21], [sflag:$0x2] =	stream.linear.gather [spmem:s20], $0x80, $0x38;
	[tilespmem:$0x17108] =	vst v63  }
0x10d: {  	s23 =	rddreg [dreg:$0x16];
	s24 =	simm.s32 $0x14600  }
0x10e: {  	[tilespmem:s24], [sflag:$0x2] =	stream.linear.gather [spmem:s23], $0x80, $0x38;
	[tilespmem:$0x17108] =	vst v63  }
0x10f: {  	s25 =	rddreg [dreg:$0x17];
	s26 =	simm.s32 $0x14800  }
0x110: {  	[tilespmem:s26], [sflag:$0x2] =	stream.linear.gather [spmem:s25], $0x80, $0x38;
	[tilespmem:$0x17108] =	vst v63  }
0x111: {  	s18 =	rddreg [dreg:$0x18];
	s19 =	simm.s32 $0x14A00  }
0x112: {  	[tilespmem:s19], [sflag:$0x2] =	stream.linear.gather [spmem:s18], $0x80, $0x38;
	[tilespmem:$0x17108] =	vst v63  }
0x113: {  	s20 =	rddreg [dreg:$0x19];
	s21 =	simm.s32 $0x14C00  }
0x114: {  	[tilespmem:s21], [sflag:$0x2] =	stream.linear.gather [spmem:s20], $0x80, $0x38;
	[tilespmem:$0x17108] =	vst v63  }
0x115: {  	s23 =	rddreg [dreg:$0x1a];
	s24 =	simm.s32 $0x14E00  }
0x116: {  	[tilespmem:s24], [sflag:$0x2] =	stream.linear.gather [spmem:s23], $0x80, $0x38;
	[tilespmem:$0x17108] =	vst v63  }
0x117: {  	_ =	swait.ge [sflag:s31], $0x400  }
0x118: {  	[sflag:s31] =	ssyncset.done $0x0;
	s25 =	rddreg [dreg:$0x8]  }
0x119: {  	s26 =	simm.s32 $0x14080;
	s18 =	rddreg [dreg:$0x1b];
	[sflag:s31] =	ssyncadd.s32 $0xFFFFFC00  }
0x11a: {  	[tilespmem:s26], [sflag:$0x2] =	stream.linear.gather [spmem:s25], $0x80, $0x38;
	[tilespmem:$0x17108] =	vst v63  }
0x11b: {  	s19 =	simm.s32 $0x14280;
	s20 =	rddreg [dreg:$0x1c]  }
0x11c: {  	[tilespmem:s19], [sflag:$0x2] =	stream.linear.gather [spmem:s18], $0x80, $0x38;
	[tilespmem:$0x17108] =	vst v63  }
0x11d: {  	s21 =	simm.s32 $0x14480;
	s23 =	rddreg [dreg:$0x1d]  }
0x11e: {  	[tilespmem:s21], [sflag:$0x2] =	stream.linear.gather [spmem:s20], $0x80, $0x38;
	[tilespmem:$0x17108] =	vst v63  }
0x11f: {  	s24 =	simm.s32 $0x14680;
	s25 =	rddreg [dreg:$0x1e]  }
0x120: {  	[tilespmem:s24], [sflag:$0x2] =	stream.linear.gather [spmem:s23], $0x80, $0x38;
	[tilespmem:$0x17108] =	vst v63  }
0x121: {  	s26 =	simm.s32 $0x14880;
	s18 =	rddreg [dreg:$0x1f]  }
0x122: {  	[tilespmem:s26], [sflag:$0x2] =	stream.linear.gather [spmem:s25], $0x80, $0x38;
	[tilespmem:$0x17108] =	vst v63  }
0x123: {  	s19 =	simm.s32 $0x14A80;
	s20 =	sld [smem:$0x7EE]  }
0x124: {  	[tilespmem:s19], [sflag:$0x2] =	stream.linear.gather [spmem:s18], $0x80, $0x38;
	[tilespmem:$0x17108] =	vst v63  }
0x125: {  	s21 =	simm.s32 $0x14C80;
	s23 =	sld [smem:$0x7EF]  }
0x126: {  	[tilespmem:s21], [sflag:$0x2] =	stream.linear.gather [spmem:s20], $0x80, $0x38;
	[tilespmem:$0x17108] =	vst v63  }
0x127: {  	s24 =	simm.s32 $0x14E80  }
0x128: {  	[tilespmem:s24], [sflag:$0x2] =	stream.linear.gather [spmem:s23], $0x80, $0x38;
	[tilespmem:$0x17108] =	vst v63  }
0x129: {  	_ =	swait.ge [sflag:s31], $0x400  }
0x12a: {  	[sflag:s31] =	ssyncset.done $0x0;
	s25 =	rddreg [dreg:$0x9]  }
0x12b: {  	s26 =	simm.s32 $0x14100;
	s18 =	sld [smem:$0x7F0];
	[sflag:s31] =	ssyncadd.s32 $0xFFFFFC00  }
0x12c: {  	[tilespmem:s26], [sflag:$0x2] =	stream.linear.gather [spmem:s25], $0x80, $0x38;
	[tilespmem:$0x17108] =	vst v63  }
0x12d: {  	s19 =	simm.s32 $0x14300;
	s20 =	sld [smem:$0x7F1]  }
0x12e: {  	[tilespmem:s19], [sflag:$0x2] =	stream.linear.gather [spmem:s18], $0x80, $0x38;
	[tilespmem:$0x17108] =	vst v63  }
0x12f: {  	s21 =	simm.s32 $0x14500;
	s23 =	sld [smem:$0x7F2]  }
0x130: {  	[tilespmem:s21], [sflag:$0x2] =	stream.linear.gather [spmem:s20], $0x80, $0x38;
	[tilespmem:$0x17108] =	vst v63  }
0x131: {  	s24 =	simm.s32 $0x14700;
	s25 =	sld [smem:$0x7F3]  }
0x132: {  	[tilespmem:s24], [sflag:$0x2] =	stream.linear.gather [spmem:s23], $0x80, $0x38;
	[tilespmem:$0x17108] =	vst v63  }
0x133: {  	s26 =	simm.s32 $0x14900;
	s18 =	sld [smem:$0x7F4]  }
0x134: {  	[tilespmem:s26], [sflag:$0x2] =	stream.linear.gather [spmem:s25], $0x80, $0x38;
	[tilespmem:$0x17108] =	vst v63  }
0x135: {  	s19 =	simm.s32 $0x14B00;
	s20 =	sld [smem:$0x7F5]  }
0x136: {  	[tilespmem:s19], [sflag:$0x2] =	stream.linear.gather [spmem:s18], $0x80, $0x38;
	[tilespmem:$0x17108] =	vst v63  }
0x137: {  	s21 =	simm.s32 $0x14D00;
	s23 =	sld [smem:$0x7F6]  }
0x138: {  	[tilespmem:s21], [sflag:$0x2] =	stream.linear.gather [spmem:s20], $0x80, $0x38;
	[tilespmem:$0x17108] =	vst v63  }
0x139: {  	s24 =	simm.s32 $0x14F00  }
0x13a: {  	[tilespmem:s24], [sflag:$0x2] =	stream.linear.gather [spmem:s23], $0x80, $0x38;
	[tilespmem:$0x17108] =	vst v63  }
0x13b: {  	_ =	swait.ge [sflag:s31], $0x400  }
0x13c: {  	[sflag:s31] =	ssyncset.done $0x0;
	s25 =	rddreg [dreg:$0x12]  }
0x13d: {  	s26 =	simm.s32 $0x14180;
	s18 =	sld [smem:$0x7F7];
	[sflag:s31] =	ssyncadd.s32 $0xFFFFFC00  }
0x13e: {  	[tilespmem:s26], [sflag:$0x2] =	stream.linear.gather [spmem:s25], $0x80, $0x38;
	[tilespmem:$0x17108] =	vst v63  }
0x13f: {  	s19 =	simm.s32 $0x14380;
	s20 =	sld [smem:$0x7F8]  }
0x140: {  	[tilespmem:s19], [sflag:$0x2] =	stream.linear.gather [spmem:s18], $0x80, $0x38;
	[tilespmem:$0x17108] =	vst v63  }
0x141: {  	s21 =	simm.s32 $0x14580;
	s23 =	sld [smem:$0x7F9]  }
0x142: {  	[tilespmem:s21], [sflag:$0x2] =	stream.linear.gather [spmem:s20], $0x80, $0x38;
	[tilespmem:$0x17108] =	vst v63  }
0x143: {  	s24 =	simm.s32 $0x14780;
	s25 =	sld [smem:$0x7FA]  }
0x144: {  	[tilespmem:s24], [sflag:$0x2] =	stream.linear.gather [spmem:s23], $0x80, $0x38;
	[tilespmem:$0x17108] =	vst v63  }
0x145: {  	s26 =	simm.s32 $0x14980;
	s18 =	sld [smem:$0x7FB]  }
0x146: {  	[tilespmem:s26], [sflag:$0x2] =	stream.linear.gather [spmem:s25], $0x80, $0x38;
	[tilespmem:$0x17108] =	vst v63  }
0x147: {  	s19 =	simm.s32 $0x14B80;
	s20 =	sld [smem:$0x7FC]  }
0x148: {  	[tilespmem:s19], [sflag:$0x2] =	stream.linear.gather [spmem:s18], $0x80, $0x38;
	[tilespmem:$0x17108] =	vst v63  }
0x149: {  	s21 =	simm.s32 $0x14D80;
	s23 =	sld [smem:$0x7FD]  }
0x14a: {  	[tilespmem:s21], [sflag:$0x2] =	stream.linear.gather [spmem:s20], $0x80, $0x38;
	[tilespmem:$0x17108] =	vst v63  }
0x14b: {  	s24 =	simm.s32 $0x14F80  }
0x14c: {  	[tilespmem:s24], [sflag:$0x2] =	stream.linear.gather [spmem:s23], $0x80, $0x38;
	[tilespmem:$0x17108] =	vst v63  }
0x14d: {  	s18 =	simm.s32 $0x3F0;
	s19 =	simm.s32 $0xFC0;
	_ =	swait.ge [sflag:s31], $0x400  }
0x14e: {  	s19 =	sand.u32 $0xE00, s19;
	s20 =	sand.u32 $0x70, s18;
	[sflag:s31] =	ssyncset.done $0x0  }
0x14f: {  	s19 =	sor.u32 s20, s19;
	[sflag:s31] =	ssyncadd.s32 $0xFFFFFC00  }
0x150: {  	v8 =	vld [tilespmem:s19+$0x14000]  }
0x151: {  	v9 =	vld [tilespmem:s19+$0x14080]  }
0x152: {  	v10 =	vld [tilespmem:s19+$0x14100]  }
0x153: {  	v11 =	vld [tilespmem:s19+$0x14180];
	_ =	sdelay $0x2  }
0x154: {  	v8 =	vadd.s32 v8, v9  }
0x155: {  	v8 =	vadd.s32 v10, v8  }
0x156: {  	v8 =	vadd.s32 v11, v8  }
0x157: {  	(xrf0) =	vadd.scan.msk.s32 $0xffff, v8;
	_ =	sdelay $0x5  }
0x158: {  	v9, _, _ =	vpop (xrf0)  }
0x159: {  	(v2sf) =	vpush v9, $0xF;
	_ =	sdelay $0x8  }
0x15a: {  	s25 =	simm.s32 $0xF80;
	s19 =	simm.s32 $0x3E0  }
0x15b: {  	s20 =	sand.u32 $0xE00, s25;
	s21 =	sand.u32 $0x70, s19  }
0x15c: {  	s20 =	sor.u32 s21, s20  }
0x15d: {  	v10 =	vld [tilespmem:s20+$0x14000]  }
0x15e: {  	v11 =	vld [tilespmem:s20+$0x14080]  }
0x15f: {  	v12 =	vld [tilespmem:s20+$0x14100]  }
0x160: {  	v13 =	vld [tilespmem:s20+$0x14180];
	s26 =	spop (v2sf)  }
0x161: {  	s25 =	sadd.s32 $0x0, s26  }
0x162: {  	v7 =	vbroadcast v7, $0xF;
	v9 =	vsub.s32 s25, v9  }
0x163: {  	vm8 =	vmmov vm1;
	v10 =	vadd.s32 v10, v11;
	v8 =	vadd.s32 v8, v9  }
0x164: {  	p1 =	por $0x1, $0x1;
	vm6 =	vlt.s32 v9, v7;
	vm7 =	vge.s32 v8, v7;
	v8 =	vadd.s32 v12, v10  }
0x165: {  	vm8 =	vmneg @p1 vm8;
	vm6 =	vmand vm6, vm7;
	v8 =	vadd.s32 v13, v8  }
0x166: {  	vm6 =	vmand vm8, vm6;
	(xrf0) =	vadd.scan.msk.s32 $0xffff, v8  }
0x167: {  	v10 =	vsel vm6, $0x1, v2  }
0x168: {  	v11 =	vnsel vm6, $0x0, v0;
	(xrf0) =	vadd.scan.msk.s32 $0xffff, v10  }
0x169: {  	v9 =	vnsel vm6, $0x0, v9;
	(xrf0) =	vadd.scan.msk.s32 $0xffff, v11  }
0x16a: {  	(xrf0) =	vadd.scan.msk.s32 $0xffff, v9;
	_ =	sdelay $0x1  }
0x16b: {  	v9, _, _ =	vpop (xrf0)  }
0x16c: {  	(v2sf) =	vpush v9, $0xF  }
0x16d: {  	v10, _, _ =	vpop (xrf0)  }
0x16e: {  	(v2sf) =	vpush v10, $0xF;
	v10, _, _ =	vpop (xrf0)  }
0x16f: {  	(v2sf) =	vpush v10, $0xF;
	v10, _, _ =	vpop (xrf0)  }
0x170: {  	(v2sf) =	vpush v10, $0xF;
	_ =	sdelay $0x5  }
0x171: {  	s28 =	simm.s32 $0x3C0;
	s20 =	simm.s32 $0x3D0;
	s26 =	simm.s32 $0xF40  }
0x172: {  	s24 =	simm.s32 $0x0;
	s0 =	sand.u32 $0x70, s20;
	s23 =	sand.u32 $0xE00, s26  }
0x173: {  	s21 =	simm.s32 $0x0;
	s29 =	sor.u32 s0, s23;
	s23 =	simm.s32 $0x0  }
.LBB2_11:
0x174: {  	p1 =	sne.s32 s28, $0x0;
	v10 =	vld [tilespmem:s29+$0x14000]  }
0x175: {  	v11 =	vld [tilespmem:s29+$0x14080]  }
0x176: {  	s0 =	spop (v2sf)  }
0x177: {  	v12 =	vld [tilespmem:s29+$0x14100];
	s25 =	sadd.s32 s25, s0  }
0x178: {  	v13 =	vld [tilespmem:s29+$0x14180];
	s0 =	spop (v2sf);
	v9 =	vsub.s32 s25, v9  }
0x179: {  	p2 =	sgt.s32 s0, $0x0;
	s0 =	spop (v2sf);
	v8 =	vadd.s32 v8, v9  }
0x17a: {  	s24 =	simm.s32 @p2 $0x1;
	s0 =	sadd.s32 s18, s0;
	s18 =	spop (v2sf);
	vm6 =	vlt.s32 v9, v7;
	vm7 =	vge.s32 v8, v7  }
0x17b: {  	v10 =	vadd.s32 v10, v11;
	p3 =	seq.s32 s24, $0x0;
	s23 =	smov.u32 @p2 s0;
	s21 =	smov.u32 @p2 s18;
	vm6 =	vmand vm6, vm7;
	vm7 =	vmmov vm1  }
0x17c: {  	s18 =	smov.u32 s19;
	s19 =	smov.u32 s20;
	s20 =	smov.u32 s28;
	v8 =	vadd.s32 v12, v10;
	vm7 =	vmneg @p3 vm7  }
0x17d: {  	v8 =	vadd.s32 v13, v8;
	vm6 =	vmand vm7, vm6  }
0x17e: {  	(xrf0) =	vadd.scan.msk.s32 $0xffff, v8;
	v10 =	vsel vm6, $0x1, v2;
	v11 =	vnsel vm6, $0x0, v0;
	v9 =	vnsel vm6, $0x0, v9  }
0x17f: {  	(xrf0) =	vadd.scan.msk.s32 $0xffff, v10  }
0x180: {  	(xrf0) =	vadd.scan.msk.s32 $0xffff, v11  }
0x181: {  	(xrf0) =	vadd.scan.msk.s32 $0xffff, v9;
	_ =	sdelay $0x2  }
0x182: {  	v9, _, _ =	vpop (xrf0)  }
0x183: {  	(v2sf) =	vpush v9, $0xF;
	v10, _, _ =	vpop (xrf0)  }
0x184: {  	(v2sf) =	vpush v10, $0xF;
	v10, _, _ =	vpop (xrf0)  }
0x185: {  	(v2sf) =	vpush v10, $0xF;
	v10, _, _ =	vpop (xrf0)  }
0x186: {  	(v2sf) =	vpush v10, $0xF;
	_ =	sdelay $0x4  }
.Ltmp8:
0x187: {  	(pc) =	sbr.rel @p1 .LBB2_11-.Ltmp8, $4  }
0x188: {  	_ = 	snop  }
0x189: {  	s26 =	sadd.s32 $0xFFFFFFC0, s26  }
0x18a: {  	s29 =	sand.u32 $0xE00, s26;
	s0 =	sand.u32 $0x70, s28  }
0x18b: {  	s28 =	sadd.s32 $0xFFFFFFF0, s28;
	s29 =	sor.u32 s0, s29  }
0x18c: {  	v10 =	vld [tilespmem:s29+$0x14000]  }
0x18d: {  	v11 =	vld [tilespmem:s29+$0x14080]  }
0x18e: {  	v12 =	vld [tilespmem:s29+$0x14100];
	s0 =	spop (v2sf)  }
0x18f: {  	v13 =	vld [tilespmem:s29+$0x14180];
	s0 =	sadd.s32 s25, s0;
	s26 =	spop (v2sf)  }
0x190: {  	v9 =	vsub.s32 s0, v9;
	p1 =	sgt.s32 s26, $0x0  }
0x191: {  	vm8 =	vmmov vm1;
	v8 =	vadd.s32 v8, v9;
	s24 =	simm.s32 @p1 $0x1  }
0x192: {  	v10 =	vadd.s32 v10, v11;
	vm6 =	vlt.s32 v9, v7;
	vm7 =	vge.s32 v8, v7;
	p2 =	seq.s32 s24, $0x0  }
0x193: {  	v8 =	vadd.s32 v12, v10;
	vm6 =	vmand vm6, vm7;
	vm8 =	vmneg @p2 vm8  }
0x194: {  	v8 =	vadd.s32 v13, v8;
	vm6 =	vmand vm8, vm6  }
0x195: {  	(xrf0) =	vadd.scan.msk.s32 $0xffff, v8;
	v61 =	vsel vm6, $0x1, v2  }
0x196: {  	(xrf0) =	vadd.scan.msk.s32 $0xffff, v61;
	_ =	sdelay $0x4  }
0x197: {  	v62, _, _ =	vpop (xrf0)  }
0x198: {  	(v2sf) =	vpush v62, $0xF;
	v63, _, _ =	vpop (xrf0)  }
0x199: {  	(v2sf) =	vpush v63, $0xF;
	_ =	sdelay $0xb  }
0x19a: {  	s25 =	spop (v2sf)  }
0x19b: {  	s26 =	spop (v2sf)  }
0x19c: {  	s28 =	spop (v2sf)  }
0x19d: {  	s0 =	sadd.s32 s0, s28;
	s28 =	spop (v2sf)  }
0x19e: {  	v10 =	vsub.s32 s0, v62;
	p2 =	sgt.s32 s28, $0x0  }
0x19f: {  	v8 =	vadd.s32 v8, v10;
	s24 =	simm.s32 @p2 $0x1  }
0x1a0: {  	vm9 =	vmmov vm1;
	vm7 =	vlt.s32 v10, v7;
	vm15 =	vge.s32 v8, v7;
	p3 =	seq.s32 s24, $0x0  }
0x1a1: {  	v7 =	vnsel vm6, $0x0, v0;
	vm7 =	vmand vm7, vm15;
	vm9 =	vmneg @p3 vm9  }
0x1a2: {  	v8 =	vnsel vm6, $0x0, v9;
	(xrf0) =	vadd.scan.msk.s32 $0xffff, v7;
	vm6 =	vmand vm9, vm7  }
0x1a3: {  	(xrf0) =	vadd.scan.msk.s32 $0xffff, v8;
	v7 =	vsel vm6, $0x1, v2  }
0x1a4: {  	v8 =	vnsel vm6, $0x0, v0;
	(xrf0) =	vadd.scan.msk.s32 $0xffff, v7  }
0x1a5: {  	(xrf0) =	vadd.scan.msk.s32 $0xffff, v8  }
0x1a6: {  	v7 =	vnsel vm6, $0x0, v10;
	_ =	sdelay $0x1  }
0x1a7: {  	v8, _, _ =	vpop (xrf0);
	(xrf0) =	vadd.scan.msk.s32 $0xffff, v7  }
0x1a8: {  	(v2sf) =	vpush v8, $0xF;
	v7, _, _ =	vpop (xrf0)  }
0x1a9: {  	(v2sf) =	vpush v7, $0xF;
	v7, _, _ =	vpop (xrf0)  }
0x1aa: {  	(v2sf) =	vpush v7, $0xF;
	v7, _, _ =	vpop (xrf0)  }
0x1ab: {  	(v2sf) =	vpush v7, $0xF;
	_ =	sdelay $0x1  }
0x1ac: {  	v7, _, _ =	vpop (xrf0)  }
0x1ad: {  	(v2sf) =	vpush v7, $0xF;
	_ =	sdelay $0x8  }
0x1ae: {  	s29 =	spop (v2sf)  }
0x1af: {  	s24 =	spop (v2sf)  }
0x1b0: {  	s18 =	sadd.s32 s18, s25;
	s25 =	spop (v2sf)  }
0x1b1: {  	s23 =	smov.u32 @p1 s18;
	s0 =	sadd.s32 s19, s29;
	s29 =	spop (v2sf)  }
0x1b2: {  	s23 =	smov.u32 @p2 s0;
	p3 =	sgt.s32 s25, $0x0;
	s0 =	sadd.s32 s20, s29  }
0x1b3: {  	s21 =	smov.u32 @p1 s26;
	s23 =	smov.u32 @p3 s0  }
0x1b4: {  	s21 =	smov.u32 @p2 s24;
	s0 =	spop (v2sf);
	v7 =	vmov s23  }
0x1b5: {  	s21 =	smov.u32 @p3 s0;
	v7 =	vnsel vm2, $0x0, v7  }
0x1b6: {  	v7 =	vsel vm3, s21, v7  }
0x1b7: {  	[tilespmem:$0x16880] =	vst v7  }
0x1b8: {  	[spmem:s9] =	stream.linear.scatter [tilespmem:s13], [sflag:$0x2], $0x80, $0x38;
	[tilespmem:$0x17108] =	vst v63  }
0x1b9: {  	_ =	swait.ge [sflag:s31], $0x80  }
0x1ba: {  	[sflag:s31] =	ssyncset.done $0x0  }
0x1bb: {  	s28 =	simm.s32 $0x16800;
	[sflag:s31] =	ssyncadd.s32 $0xFFFFFF80  }
.LBB2_13:
0x1bc: {  	[bflag:$0x0] =	sbarrier.arrive $0xFFFF  }
0x1bd: {  	[tilespmem:s13], [sflag:$0x2] =	stream.linear.gather [spmem:s9], $0x80, $0x38;
	[tilespmem:$0x17108] =	vst v63  }
0x1be: {  	s19 =	simm.s32 $0x0;
	_ =	swait.ge [sflag:s31], $0x80  }
0x1bf: {  	s0 =	simm.s32 $0x0;
	s20 =	simm.s32 $0x0;
	[sflag:s31] =	ssyncset.done $0x0  }
0x1c0: {  	s0 =	sand.u32 $0xF000, s0;
	s18 =	sand.u32 $0xC00, s19;
	[sflag:s31] =	ssyncadd.s32 $0xFFFFFF80  }
0x1c1: {  	s20 =	sand.u32 $0x380, s20;
	s0 =	sor.u32 s18, s0;
	v7 =	vld [tilespmem:$0x16880]  }
0x1c2: {  	s20 =	sor.u32 s20, s0  }
0x1c3: {  	v14 =	vld [tilespmem:s20+$0x0];
	_ =	sdelay $0x2  }
0x1c4: {  	v8 =	vnsel vm4, $0x0, v7  }
0x1c5: {  	(xrf0) =	vadd.scan.msk.s32 $0xffff, v8  }
0x1c6: {  	v13 =	vld [tilespmem:s20+$0x10];
	v8 =	vmul.f32 $1.024000000e+03, v14;
	_ =	sdelay $0x1  }
0x1c7: {  	v8 =	vtrunc.f32 v8  }
0x1c8: {  	v12 =	vld [tilespmem:s20+$0x20]  }
0x1c9: {  	v10 =	vcvt.f32.s32 v8  }
0x1ca: {  	v11 =	vmul.f32 $1.024000000e+03, v13;
	v8, _, _ =	vpop (xrf0)  }
0x1cb: {  	v15 =	vimm.s32 $0x0;
	vm6 =	vlt.s32 v10, $0x3FF;
	v9 =	vbroadcast v8, $0xF  }
0x1cc: {  	vm7 =	vlt.s32 v15, $0x20;
	v11 =	vtrunc.f32 v11;
	v10 =	vnsel vm6, $0x3FF, v10  }
0x1cd: {  	v16 =	vmul.f32 $1.024000000e+03, v12;
	v11 =	vcvt.f32.s32 v11;
	vm6 =	veq.s32 v10, v9  }
0x1ce: {  	v10 =	vld [tilespmem:s20+$0x30];
	vm8 =	vmand vm7, vm6  }
0x1cf: {  	v16 =	vtrunc.f32 v16;
	vm6 =	vlt.s32 v11, $0x3FF;
	v17 =	vsel vm8, $0x1, v2  }
0x1d0: {  	v16 =	vcvt.f32.s32 v16;
	v11 =	vnsel vm6, $0x3FF, v11;
	v17 =	vadd.s32 v17, v15  }
0x1d1: {  	v21 =	vadd.s32 v6, v15;
	vm6 =	veq.s32 v11, v9;
	vm7 =	vlt.s32 v17, $0x20  }
0x1d2: {  	v11 =	vld [tilespmem:s20+$0x40];
	vm7 =	vmand vm6, vm7;
	vm6 =	vlt.s32 v16, $0x3FF  }
0x1d3: {  	v15 =	vmul.f32 $1.024000000e+03, v10;
	v16 =	vnsel vm6, $0x3FF, v16  }
0x1d4: {  	v18 =	vsel vm7, $0x1, v2;
	vm6 =	veq.s32 v16, v9;
	v16 =	vadd.s32 v6, v17  }
0x1d5: {  	s26 =	simm.s32 $0x0;
	v18 =	vadd.s32 v18, v17;
	v15 =	vtrunc.f32 v15  }
0x1d6: {  	v17 =	vor.u32 s26, v1;
	[tilespmem:v21+s14+$0x0] =	vst.idx.msk vm8, v14;
	v14 =	vld [tilespmem:s20+$0x50];
	vm9 =	vlt.s32 v18, $0x20;
	v19 =	vcvt.f32.s32 v15  }
0x1d7: {  	s29 =	simm.s32 $0x10;
	v15 =	vadd.s32 v6, v18;
	v20 =	vmul.f32 $1.024000000e+03, v11;
	vm6 =	vmand vm6, vm9  }
0x1d8: {  	s21 =	simm.s32 $0x0;
	s18 =	simm.s32 $0x70;
	[tilespmem:v21+s15+$0x0] =	vst.idx.msk vm8, v17;
	v17 =	vor.u32 s29, v1;
	v21 =	vsel vm6, $0x1, v2;
	vm8 =	vlt.s32 v19, $0x3FF  }
.LBB2_14:
0x1d9: {  	[tilespmem:v16+s14+$0x0] =	vst.idx.msk vm7, v13;
	v13 =	vadd.s32 v21, v18;
	v18 =	vnsel vm8, $0x3FF, v19;
	v19 =	vtrunc.f32 v20  }
0x1da: {  	[tilespmem:v16+s15+$0x0] =	vst.idx.msk vm7, v17;
	vm7 =	veq.s32 v18, v9;
	vm8 =	vlt.s32 v13, $0x20;
	v16 =	vcvt.f32.s32 v19;
	v17 =	vld [tilespmem:s20+$0x60]  }
0x1db: {  	s0 =	sadd.s32 $0xFFFFFFB0, s18;
	v18 =	vadd.s32 v6, v13;
	vm7 =	vmand vm7, vm8;
	v19 =	vmul.f32 $1.024000000e+03, v14  }
0x1dc: {  	v20 =	vor.u32 s0, v1;
	v21 =	vsel vm7, $0x1, v2;
	vm8 =	vlt.s32 v16, $0x3FF  }
0x1dd: {  	s21 =	sadd.s32 $0x8, s21;
	s0 =	sadd.s32 $0xFFFFFFC0, s18;
	[tilespmem:v15+s14+$0x0] =	vst.idx.msk vm6, v12;
	v12 =	vadd.s32 v21, v13;
	v13 =	vnsel vm8, $0x3FF, v16;
	v16 =	vtrunc.f32 v19  }
0x1de: {  	s19 =	sadd.s32 $0x400, s19;
	s23 =	sshll.u32 s21, $0x4;
	p1 =	slt.u32 s21, $0xFF8;
	[tilespmem:v15+s15+$0x0] =	vst.idx.msk vm6, v20;
	vm6 =	veq.s32 v13, v9;
	vm8 =	vlt.s32 v12, $0x20;
	v13 =	vcvt.f32.s32 v16;
	v15 =	vld [tilespmem:s20+$0x70]  }
0x1df: {  	s24 =	sshll.u32 s21, $0x2;
	s20 =	sand.u32 $0xF000, s23;
	s23 =	sand.u32 $0xC00, s19;
	v16 =	vadd.s32 v6, v12;
	vm6 =	vmand vm6, vm8;
	v19 =	vmul.f32 $1.024000000e+03, v17  }
0x1e0: {  	s24 =	sand.u32 $0x380, s24;
	v20 =	vor.u32 s0, v1;
	s20 =	sor.u32 s23, s20;
	v21 =	vsel vm6, $0x1, v2;
	vm8 =	vlt.s32 v13, $0x3FF  }
0x1e1: {  	s20 =	sor.u32 s24, s20;
	[tilespmem:v18+s14+$0x0] =	vst.idx.msk vm7, v10;
	v10 =	vadd.s32 v21, v12;
	v12 =	vnsel vm8, $0x3FF, v13;
	v13 =	vtrunc.f32 v19  }
0x1e2: {  	v19 =	vld [tilespmem:s20+$0x0];
	[tilespmem:v18+s15+$0x0] =	vst.idx.msk vm7, v20;
	vm7 =	veq.s32 v12, v9;
	vm8 =	vlt.s32 v10, $0x20;
	v12 =	vcvt.f32.s32 v13  }
0x1e3: {  	s0 =	sadd.s32 $0xFFFFFFD0, s18;
	v18 =	vadd.s32 v6, v10;
	vm7 =	vmand vm7, vm8;
	v13 =	vmul.f32 $1.024000000e+03, v15  }
0x1e4: {  	v20 =	vor.u32 s0, v1;
	v21 =	vsel vm7, $0x1, v2;
	vm8 =	vlt.s32 v12, $0x3FF  }
0x1e5: {  	[tilespmem:v16+s14+$0x0] =	vst.idx.msk vm6, v11;
	v10 =	vadd.s32 v21, v10;
	v11 =	vnsel vm8, $0x3FF, v12;
	v12 =	vtrunc.f32 v13  }
0x1e6: {  	v13 =	vld [tilespmem:s20+$0x10];
	[tilespmem:v16+s15+$0x0] =	vst.idx.msk vm6, v20;
	vm6 =	veq.s32 v11, v9;
	vm8 =	vlt.s32 v10, $0x20;
	v11 =	vcvt.f32.s32 v12  }
0x1e7: {  	s0 =	sadd.s32 $0xFFFFFFE0, s18;
	v16 =	vadd.s32 v6, v10;
	v12 =	vmul.f32 $1.024000000e+03, v19;
	vm6 =	vmand vm6, vm8  }
0x1e8: {  	v20 =	vor.u32 s0, v1;
	v21 =	vsel vm6, $0x1, v2;
	vm8 =	vlt.s32 v11, $0x3FF  }
0x1e9: {  	v12 =	vtrunc.f32 v12;
	[tilespmem:v18+s14+$0x0] =	vst.idx.msk vm7, v14;
	v10 =	vadd.s32 v21, v10;
	v11 =	vnsel vm8, $0x3FF, v11  }
0x1ea: {  	v14 =	vcvt.f32.s32 v12;
	v12 =	vld [tilespmem:s20+$0x20];
	[tilespmem:v18+s15+$0x0] =	vst.idx.msk vm7, v20;
	vm7 =	veq.s32 v11, v9;
	vm8 =	vlt.s32 v10, $0x20  }
0x1eb: {  	s0 =	sadd.s32 $0xFFFFFFF0, s18;
	v18 =	vadd.s32 v6, v10;
	v11 =	vmul.f32 $1.024000000e+03, v13;
	vm7 =	vmand vm7, vm8  }
0x1ec: {  	v20 =	vor.u32 s0, v1;
	vm8 =	vlt.s32 v14, $0x3FF;
	v21 =	vsel vm7, $0x1, v2  }
0x1ed: {  	v14 =	vnsel vm8, $0x3FF, v14;
	v11 =	vtrunc.f32 v11;
	[tilespmem:v16+s14+$0x0] =	vst.idx.msk vm6, v17;
	v17 =	vadd.s32 v21, v10  }
0x1ee: {  	vm8 =	veq.s32 v14, v9;
	vm9 =	vlt.s32 v17, $0x20;
	v11 =	vcvt.f32.s32 v11;
	v10 =	vld [tilespmem:s20+$0x30];
	[tilespmem:v16+s15+$0x0] =	vst.idx.msk vm6, v20  }
0x1ef: {  	v14 =	vadd.s32 v6, v17;
	vm6 =	vmand vm9, vm8;
	v16 =	vmul.f32 $1.024000000e+03, v12  }
0x1f0: {  	v21 =	vor.u32 s18, v1;
	v20 =	vsel vm6, $0x1, v2;
	vm8 =	vlt.s32 v11, $0x3FF  }
0x1f1: {  	v17 =	vadd.s32 v20, v17;
	v11 =	vnsel vm8, $0x3FF, v11;
	v16 =	vtrunc.f32 v16;
	[tilespmem:v18+s14+$0x0] =	vst.idx.msk vm7, v15  }
0x1f2: {  	s18 =	sadd.s32 $0x80, s18;
	vm8 =	veq.s32 v11, v9;
	vm9 =	vlt.s32 v17, $0x20;
	v15 =	vcvt.f32.s32 v16;
	v11 =	vld [tilespmem:s20+$0x40];
	[tilespmem:v18+s15+$0x0] =	vst.idx.msk vm7, v21  }
0x1f3: {  	s0 =	sadd.s32 $0xFFFFFF90, s18;
	v16 =	vadd.s32 v6, v17;
	vm7 =	vmand vm8, vm9;
	v20 =	vmul.f32 $1.024000000e+03, v10  }
.Ltmp9:
0x1f4: {  	v21 =	vor.u32 s0, v1;
	v18 =	vsel vm7, $0x1, v2;
	vm8 =	vlt.s32 v15, $0x3FF;
	(pc) =	sbr.rel @p1 .LBB2_14-.Ltmp9, $4  }
0x1f5: {  	[tilespmem:v14+s14+$0x0] =	vst.idx.msk vm6, v19;
	v18 =	vadd.s32 v18, v17;
	v15 =	vnsel vm8, $0x3FF, v15;
	v17 =	vtrunc.f32 v20  }
0x1f6: {  	[tilespmem:v14+s15+$0x0] =	vst.idx.msk vm6, v21;
	vm6 =	veq.s32 v15, v9;
	vm8 =	vlt.s32 v18, $0x20;
	v19 =	vcvt.f32.s32 v17;
	v14 =	vld [tilespmem:s20+$0x50]  }
0x1f7: {  	s0 =	sadd.s32 $0xFFFFFFA0, s18;
	v15 =	vadd.s32 v6, v18;
	vm6 =	vmand vm6, vm8;
	v20 =	vmul.f32 $1.024000000e+03, v11  }
0x1f8: {  	v17 =	vor.u32 s0, v1;
	v21 =	vsel vm6, $0x1, v2;
	vm8 =	vlt.s32 v19, $0x3FF  }
0x1f9: {  	v20 =	vtrunc.f32 v20;
	v18 =	vadd.s32 v21, v18;
	v19 =	vnsel vm8, $0x3FF, v19  }
0x1fa: {  	v53 =	vld [tilespmem:s20+$0x60];
	v20 =	vcvt.f32.s32 v20;
	vm8 =	veq.s32 v19, v9;
	vm9 =	vlt.s32 v18, $0x20  }
0x1fb: {  	vm8 =	vmand vm8, vm9;
	v54 =	vmul.f32 $1.024000000e+03, v14  }
0x1fc: {  	vm12 =	vlt.s32 v20, $0x3FF;
	v22 =	vsel vm8, $0x1, v2  }
0x1fd: {  	v20 =	vnsel vm12, $0x3FF, v20;
	v22 =	vadd.s32 v22, v18;
	v19 =	vtrunc.f32 v54  }
0x1fe: {  	v55 =	vld [tilespmem:s20+$0x70];
	vm9 =	veq.s32 v20, v9;
	vm10 =	vlt.s32 v22, $0x20;
	v19 =	vcvt.f32.s32 v19  }
0x1ff: {  	v23 =	vmul.f32 $1.024000000e+03, v53;
	vm9 =	vmand vm9, vm10  }
0x200: {  	v24 =	vsel vm9, $0x1, v2;
	vm13 =	vlt.s32 v19, $0x3FF  }
0x201: {  	v23 =	vtrunc.f32 v23;
	v24 =	vadd.s32 v24, v22;
	v19 =	vnsel vm13, $0x3FF, v19  }
0x202: {  	v23 =	vcvt.f32.s32 v23;
	vm10 =	veq.s32 v19, v9;
	vm11 =	vlt.s32 v24, $0x20  }
0x203: {  	v18 =	vadd.s32 v6, v18;
	v56 =	vmul.f32 $1.024000000e+03, v55;
	vm10 =	vmand vm10, vm11  }
0x204: {  	v58 =	vadd.s32 v6, v22;
	vm14 =	vlt.s32 v23, $0x3FF;
	v25 =	vsel vm10, $0x1, v2  }
0x205: {  	[tilespmem:v16+s14+$0x0] =	vst.idx.msk vm7, v13;
	v19 =	vtrunc.f32 v56;
	v23 =	vnsel vm14, $0x3FF, v23;
	v57 =	vadd.s32 v25, v24  }
0x206: {  	s0 =	sadd.s32 $0xFFFFFFB0, s18;
	[tilespmem:v16+s15+$0x0] =	vst.idx.msk vm7, v17;
	v59 =	vcvt.f32.s32 v19;
	vm11 =	veq.s32 v23, v9;
	vm7 =	vlt.s32 v57, $0x20  }
0x207: {  	[tilespmem:v15+s14+$0x0] =	vst.idx.msk vm6, v12;
	v60 =	vor.u32 s0, v1;
	vm7 =	vmand vm11, vm7  }
0x208: {  	s24 =	sadd.s32 $0xFFFFFFC0, s18;
	[tilespmem:v15+s15+$0x0] =	vst.idx.msk vm6, v60;
	v61 =	vadd.s32 v6, v24;
	vm6 =	vlt.s32 v59, $0x3FF;
	v62 =	vsel vm7, $0x1, v2  }
0x209: {  	v63 =	vor.u32 s24, v1;
	[tilespmem:v18+s14+$0x0] =	vst.idx.msk vm8, v10;
	v10 =	vnsel vm6, $0x3FF, v59;
	v15 =	vadd.s32 v62, v57  }
0x20a: {  	s25 =	sadd.s32 $0xFFFFFFD0, s18;
	[tilespmem:v18+s15+$0x0] =	vst.idx.msk vm8, v63;
	v13 =	vadd.s32 v6, v57;
	vm6 =	veq.s32 v10, v9;
	vm15 =	vlt.s32 v15, $0x20  }
0x20b: {  	[tilespmem:v58+s14+$0x0] =	vst.idx.msk vm9, v11;
	v9 =	vor.u32 s25, v1;
	vm6 =	vmand vm6, vm15  }
0x20c: {  	s26 =	sadd.s32 $0xFFFFFFE0, s18;
	[tilespmem:v58+s15+$0x0] =	vst.idx.msk vm9, v9;
	v9 =	vadd.s32 v6, v15  }
0x20d: {  	v10 =	vor.u32 s26, v1;
	[tilespmem:v61+s14+$0x0] =	vst.idx.msk vm10, v14  }
0x20e: {  	s29 =	sadd.s32 $0xFFFFFFF0, s18;
	[tilespmem:v61+s15+$0x0] =	vst.idx.msk vm10, v10  }
0x20f: {  	v10 =	vor.u32 s29, v1;
	[tilespmem:v13+s14+$0x0] =	vst.idx.msk vm7, v53  }
0x210: {  	[tilespmem:v13+s15+$0x0] =	vst.idx.msk vm7, v10  }
0x211: {  	v10 =	vor.u32 s18, v1;
	[tilespmem:v9+s14+$0x0] =	vst.idx.msk vm6, v55  }
0x212: {  	[tilespmem:v9+s15+$0x0] =	vst.idx.msk vm6, v10  }
0x213: {  	[spmem:s10] =	stream.strided.scatter [tilespmem:s14], [sflag:$0x2], $0x200, s8, s7, $0x38;
	[tilespmem:$0x17108] =	vst v63  }
0x214: {  	_ =	swait.ge [sflag:s31], $0x200  }
0x215: {  	[sflag:s31] =	ssyncset.done $0x0  }
0x216: {  	[sflag:s31] =	ssyncadd.s32 $0xFFFFFE00  }
0x217: {  	[spmem:s11] =	stream.strided.scatter [tilespmem:s15], [sflag:$0x2], $0x200, s8, s7, $0x38;
	[tilespmem:$0x17108] =	vst v63  }
.Ltmp10:
0x218: {  	_ =	swait.ge [sflag:s31], $0x200;
	(pc) =	sbr.rel @p0 .LBB2_28-.Ltmp10, $3  }
0x219: {  	[sflag:s31] =	ssyncset.done $0x0  }
0x21a: {  	[sflag:s31] =	ssyncadd.s32 $0xFFFFFE00  }
0x21b: {  	[bflag:$0x0] =	sbarrier.arrive $0xFFFF;
	_ =	sdelay $0x1  }
0x21c: {  	vm3 =	vcmask $0x308  }
0x21d: {  	v7 =	vsel vm3, $0x0, v7  }
0x21e: {  	(xrf0) =	vadd.scan.msk.s32 $0xffff, v7;
	_ =	sdelay $0x5  }
0x21f: {  	v7, _, _ =	vpop (xrf0)  }
0x220: {  	(v2sf) =	vpush v7, $0xF  }
0x221: {  	(v2sf) =	vpush v8, $0xF;
	_ =	sdelay $0xb  }
0x222: {  	s19 =	rddreg [dreg:$0xa];
	s20 =	simm.s32 $0x15800  }
0x223: {  	[tilespmem:s20], [sflag:$0x2] =	stream.strided.gather [spmem:s19], $0x200, s8, s7, $0x38;
	[tilespmem:$0x17108] =	vst v63  }
0x224: {  	s0 =	spop (v2sf)  }
0x225: {  	s18 =	spop (v2sf)  }
0x226: {  	_ =	swait.ge [sflag:s31], $0x200  }
0x227: {  	[sflag:s31] =	ssyncset.done $0x0  }
0x228: {  	s29 =	simm.s32 $0x16000;
	s26 =	rddreg [dreg:$0xb];
	[sflag:s31] =	ssyncadd.s32 $0xFFFFFE00  }
0x229: {  	[tilespmem:s29], [sflag:$0x2] =	stream.strided.gather [spmem:s26], $0x200, s8, s7, $0x38;
	[tilespmem:$0x17108] =	vst v63  }
0x22a: {  	_ =	swait.ge [sflag:s31], $0x200  }
0x22b: {  	[sflag:s31] =	ssyncset.done $0x0  }
0x22c: {  	s23 =	simm.s32 $0x15A00;
	s21 =	rddreg [dreg:$0xc];
	[sflag:s31] =	ssyncadd.s32 $0xFFFFFE00  }
0x22d: {  	[tilespmem:s23], [sflag:$0x2] =	stream.strided.gather [spmem:s21], $0x200, s8, s7, $0x38;
	[tilespmem:$0x17108] =	vst v63  }
0x22e: {  	_ =	swait.ge [sflag:s31], $0x200  }
0x22f: {  	s25 =	simm.s32 $0x16200;
	[sflag:s31] =	ssyncset.done $0x0  }
0x230: {  	s19 =	sadd.s32 $0xFFFFFFFF, s18;
	s24 =	rddreg [dreg:$0xd];
	[sflag:s31] =	ssyncadd.s32 $0xFFFFFE00  }
0x231: {  	[tilespmem:s25], [sflag:$0x2] =	stream.strided.gather [spmem:s24], $0x200, s8, s7, $0x38;
	[tilespmem:$0x17108] =	vst v63  }
0x232: {  	p1 =	sgt.s32 s19, $0x0;
	_ =	swait.ge [sflag:s31], $0x200  }
0x233: {  	s19 =	simm.s32 @!p1 $0x0;
	s29 =	simm.s32 $0x15C00;
	[sflag:s31] =	ssyncset.done $0x0  }
0x234: {  	s19 =	scvt.s32.f32 s19;
	s26 =	rddreg [dreg:$0xe];
	[sflag:s31] =	ssyncadd.s32 $0xFFFFFE00  }
0x235: {  	[tilespmem:s29], [sflag:$0x2] =	stream.strided.gather [spmem:s26], $0x200, s8, s7, $0x38;
	[tilespmem:$0x17108] =	vst v63  }
0x236: {  	s18 =	sadd.s32 $0x1, s18;
	_ =	swait.ge [sflag:s31], $0x200  }
0x237: {  	s18 =	scvt.s32.f32 s18;
	s19 =	smul.f32 $9.765625000e-04, s19;
	[sflag:s31] =	ssyncset.done $0x0  }
0x238: {  	s23 =	simm.s32 $0x16400;
	s21 =	rddreg [dreg:$0xf];
	[sflag:s31] =	ssyncadd.s32 $0xFFFFFE00  }
0x239: {  	[tilespmem:s23], [sflag:$0x2] =	stream.strided.gather [spmem:s21], $0x200, s8, s7, $0x38;
	[tilespmem:$0x17108] =	vst v63  }
0x23a: {  	_ =	swait.ge [sflag:s31], $0x200  }
0x23b: {  	s18 =	smul.f32 $9.765625000e-04, s18;
	s20 =	sadd.s32 $0xFFFFFFFF, s19;
	[sflag:s31] =	ssyncset.done $0x0  }
0x23c: {  	s25 =	simm.s32 $0x15E00;
	s24 =	rddreg [dreg:$0x10];
	[sflag:s31] =	ssyncadd.s32 $0xFFFFFE00  }
0x23d: {  	[tilespmem:s25], [sflag:$0x2] =	stream.strided.gather [spmem:s24], $0x200, s8, s7, $0x38;
	[tilespmem:$0x17108] =	vst v63  }
0x23e: {  	s23 =	ssub.s32 s18, s20;
	_ =	swait.ge [sflag:s31], $0x200  }
0x23f: {  	s29 =	simm.s32 $0x16600;
	p1 =	slt.s32 s23, $0x2;
	[sflag:s31] =	ssyncset.done $0x0  }
.Ltmp11:
0x240: {  	s26 =	rddreg [dreg:$0x11];
	[sflag:s31] =	ssyncadd.s32 $0xFFFFFE00;
	(pc) =	sbr.rel @p1 .LBB2_20-.Ltmp11, $4  }
0x241: {  	[tilespmem:s29], [sflag:$0x2] =	stream.strided.gather [spmem:s26], $0x200, s8, s7, $0x38;
	[tilespmem:$0x17108] =	vst v63  }
0x242: {  	_ =	swait.ge [sflag:s31], $0x200  }
0x243: {  	[sflag:s31] =	ssyncset.done $0x0  }
0x244: {  	s17 =	ssub.s32 s17, s0;
	s19 =	simm.s32 $0x0;
	[sflag:s31] =	ssyncadd.s32 $0xFFFFFE00  }
.LBB2_17:
0x245: {  	s0 =	simm.s32 $0x15840  }
0x246: {  	v9 =	vld [tilespmem:s0+$0xFFFFFFC0]  }
0x247: {  	v11 =	vld [tilespmem:s0+$0xFFFFFFD0]  }
0x248: {  	s21 =	sshrl.u32 s23, $0x1;
	v12 =	vld [tilespmem:s0+$0xFFFFFFE0]  }
0x249: {  	s21 =	sadd.s32 s20, s21;
	v10 =	vld [tilespmem:s0+$0xFFFFFFF0]  }
0x24a: {  	v8 =	vld [tilespmem:s0+$0x0];
	v7 =	vmov s21  }
0x24b: {  	vm6 =	vgt.s32 v9, v7;
	v9 =	vld [tilespmem:s0+$0x10]  }
0x24c: {  	v13 =	vimm.s32 $0x0;
	v14 =	vsel vm6, $0x1, v2;
	vm6 =	vgt.s32 v11, v7;
	v11 =	vld [tilespmem:s0+$0x20]  }
0x24d: {  	s23 =	simm.s32 $0x0;
	s24 =	simm.s32 $0x158C0;
	v13 =	vadd.s32 v14, v13;
	v14 =	vsel vm6, $0x1, v2;
	vm6 =	vgt.s32 v12, v7;
	v12 =	vld [tilespmem:s0+$0x30]  }
.LBB2_18:
0x24e: {  	v15 =	vld [tilespmem:s24+$0xFFFFFFC0];
	s23 =	sadd.s32 $0x8, s23;
	v13 =	vadd.s32 v14, v13;
	v14 =	vsel vm6, $0x1, v2;
	vm6 =	vgt.s32 v10, v7  }
0x24f: {  	v16 =	vld [tilespmem:s24+$0xFFFFFFD0];
	p1 =	slt.u32 s23, $0x78;
	v10 =	vadd.s32 v14, v13;
	v13 =	vsel vm6, $0x1, v2;
	vm6 =	vgt.s32 v8, v7  }
0x250: {  	v17 =	vld [tilespmem:s24+$0xFFFFFFE0];
	v8 =	vadd.s32 v13, v10;
	v13 =	vsel vm6, $0x1, v2;
	vm6 =	vgt.s32 v9, v7  }
.Ltmp12:
0x251: {  	v10 =	vld [tilespmem:s24+$0xFFFFFFF0];
	v9 =	vadd.s32 v13, v8;
	v13 =	vsel vm6, $0x1, v2;
	vm6 =	vgt.s32 v11, v7;
	(pc) =	sbr.rel @p1 .LBB2_18-.Ltmp12, $4  }
0x252: {  	v8 =	vld [tilespmem:s24+$0x0];
	v11 =	vadd.s32 v13, v9;
	v13 =	vsel vm6, $0x1, v2;
	vm6 =	vgt.s32 v12, v7  }
0x253: {  	vm7 =	vgt.s32 v15, v7;
	v9 =	vld [tilespmem:s24+$0x10];
	v12 =	vadd.s32 v13, v11;
	v13 =	vsel vm6, $0x1, v2  }
0x254: {  	v14 =	vsel vm7, $0x1, v2;
	vm6 =	vgt.s32 v16, v7;
	v11 =	vld [tilespmem:s24+$0x20];
	v12 =	vadd.s32 v13, v12  }
0x255: {  	v13 =	vadd.s32 v14, v12;
	v14 =	vsel vm6, $0x1, v2;
	vm6 =	vgt.s32 v17, v7;
	v12 =	vld [tilespmem:s24+$0x30];
	s24 =	sadd.s32 $0x80, s24  }
0x256: {  	v13 =	vadd.s32 v14, v13;
	v59 =	vsel vm6, $0x1, v2;
	vm11 =	vgt.s32 v10, v7  }
0x257: {  	v60 =	vadd.s32 v59, v13;
	v61 =	vsel vm11, $0x1, v2;
	vm12 =	vgt.s32 v8, v7  }
0x258: {  	v8 =	vadd.s32 v61, v60;
	v62 =	vsel vm12, $0x1, v2;
	vm13 =	vgt.s32 v9, v7  }
0x259: {  	v8 =	vadd.s32 v62, v8;
	v9 =	vsel vm13, $0x1, v2;
	vm14 =	vgt.s32 v11, v7  }
0x25a: {  	v8 =	vadd.s32 v9, v8;
	v63 =	vsel vm14, $0x1, v2;
	vm15 =	vgt.s32 v12, v7  }
0x25b: {  	v7 =	vadd.s32 v63, v8;
	v8 =	vsel vm15, $0x1, v2  }
0x25c: {  	v7 =	vadd.s32 v8, v7  }
0x25d: {  	(xrf0) =	vadd.scan.msk.s32 $0xffff, v7;
	_ =	sdelay $0x5  }
0x25e: {  	v7, _, _ =	vpop (xrf0)  }
0x25f: {  	(v2sf) =	vpush v7, $0xF;
	_ =	sdelay $0xe  }
0x260: {  	s0 =	spop (v2sf)  }
0x261: {  	p1 =	slt.s32 s0, s17  }
0x262: {  	s18 =	smov.u32 @p1 s21;
	s21 =	smov.u32 @p1 s20  }
0x263: {  	s23 =	ssub.s32 s18, s21  }
0x264: {  	p2 =	sgt.s32 s23, $0x1  }
.Ltmp13:
0x265: {  	_ = 	snop;
	(pc) =	sbr.rel @p2 .LBB2_17-.Ltmp13, $2  }
0x266: {  	_ =	sdelay $0x2  }
0x267: {  	s19 =	smov.u32 @p1 s0;
	s20 =	smov.u32 s21  }
.LBB2_20:
0x268: {  	s0 =	simm.s32 $0x15840  }
0x269: {  	v9 =	vld [tilespmem:s0+$0xFFFFFFC0]  }
0x26a: {  	v11 =	vld [tilespmem:s0+$0xFFFFFFD0]  }
0x26b: {  	v12 =	vld [tilespmem:s0+$0xFFFFFFE0]  }
0x26c: {  	s20 =	sadd.s32 $0xFFFFFFFF, s18;
	v10 =	vld [tilespmem:s0+$0xFFFFFFF0]  }
0x26d: {  	v7 =	vmov s20;
	v8 =	vld [tilespmem:s0+$0x0]  }
0x26e: {  	vm4 =	vmmov vm2;
	vm6 =	vgt.s32 v9, v7;
	v9 =	vld [tilespmem:s0+$0x10]  }
0x26f: {  	v13 =	vimm.s32 $0x0;
	v14 =	vsel vm6, $0x1, v2;
	vm6 =	vgt.s32 v11, v7;
	v11 =	vld [tilespmem:s0+$0x20]  }
0x270: {  	s21 =	simm.s32 $0x158C0;
	s20 =	simm.s32 $0x0;
	v13 =	vadd.s32 v14, v13;
	v14 =	vsel vm6, $0x1, v2;
	vm6 =	vgt.s32 v12, v7;
	v12 =	vld [tilespmem:s0+$0x30]  }
.LBB2_21:
0x271: {  	v15 =	vld [tilespmem:s21+$0xFFFFFFC0];
	s20 =	sadd.s32 $0x8, s20;
	v13 =	vadd.s32 v14, v13;
	v14 =	vsel vm6, $0x1, v2;
	vm6 =	vgt.s32 v10, v7  }
0x272: {  	v16 =	vld [tilespmem:s21+$0xFFFFFFD0];
	p1 =	slt.u32 s20, $0x78;
	v10 =	vadd.s32 v14, v13;
	v13 =	vsel vm6, $0x1, v2;
	vm6 =	vgt.s32 v8, v7  }
0x273: {  	v17 =	vld [tilespmem:s21+$0xFFFFFFE0];
	v8 =	vadd.s32 v13, v10;
	v13 =	vsel vm6, $0x1, v2;
	vm6 =	vgt.s32 v9, v7  }
.Ltmp14:
0x274: {  	v10 =	vld [tilespmem:s21+$0xFFFFFFF0];
	v9 =	vadd.s32 v13, v8;
	v13 =	vsel vm6, $0x1, v2;
	vm6 =	vgt.s32 v11, v7;
	(pc) =	sbr.rel @p1 .LBB2_21-.Ltmp14, $4  }
0x275: {  	v8 =	vld [tilespmem:s21+$0x0];
	v11 =	vadd.s32 v13, v9;
	v13 =	vsel vm6, $0x1, v2;
	vm6 =	vgt.s32 v12, v7  }
0x276: {  	vm7 =	vgt.s32 v15, v7;
	v9 =	vld [tilespmem:s21+$0x10];
	v12 =	vadd.s32 v13, v11;
	v13 =	vsel vm6, $0x1, v2  }
0x277: {  	v14 =	vsel vm7, $0x1, v2;
	vm6 =	vgt.s32 v16, v7;
	v11 =	vld [tilespmem:s21+$0x20];
	v12 =	vadd.s32 v13, v12  }
0x278: {  	v13 =	vadd.s32 v14, v12;
	v14 =	vsel vm6, $0x1, v2;
	vm6 =	vgt.s32 v17, v7;
	v12 =	vld [tilespmem:s21+$0x30];
	s21 =	sadd.s32 $0x80, s21  }
0x279: {  	v13 =	vadd.s32 v14, v13;
	v59 =	vsel vm6, $0x1, v2;
	vm6 =	vgt.s32 v10, v7  }
0x27a: {  	v60 =	vadd.s32 v59, v13;
	v61 =	vsel vm6, $0x1, v2;
	vm6 =	vgt.s32 v8, v7  }
0x27b: {  	v8 =	vadd.s32 v61, v60;
	v62 =	vsel vm6, $0x1, v2;
	vm6 =	vgt.s32 v9, v7  }
0x27c: {  	v8 =	vadd.s32 v62, v8;
	v9 =	vsel vm6, $0x1, v2;
	vm6 =	vgt.s32 v11, v7  }
0x27d: {  	v8 =	vadd.s32 v9, v8;
	v63 =	vsel vm6, $0x1, v2;
	vm6 =	vgt.s32 v12, v7  }
0x27e: {  	v7 =	vadd.s32 v63, v8;
	v8 =	vsel vm6, $0x1, v2  }
0x27f: {  	v7 =	vadd.s32 v8, v7  }
0x280: {  	(xrf0) =	vadd.scan.msk.s32 $0xffff, v7;
	_ =	sdelay $0x5  }
0x281: {  	v7, _, _ =	vpop (xrf0)  }
0x282: {  	(v2sf) =	vpush v7, $0xF;
	_ =	sdelay $0xe  }
0x283: {  	s0 =	spop (v2sf)  }
0x284: {  	p1 =	seq.s32 s0, s17  }
.Ltmp15:
0x285: {  	_ = 	snop;
	(pc) =	sbr.rel @p1 .LBB2_27-.Ltmp15, $2  }
0x286: {  	_ =	sdelay $0x2  }
0x287: {  	s21 =	simm.s32 $0x3FFFF  }
0x288: {  	s17 =	ssub.s32 s17, s19  }
0x289: {  	v7 =	vmov s18;
	s19 =	simm.s32 $0xFFFFFFFF;
	s20 =	simm.s32 $0x3FFFF;
	s24 =	simm.s32 $0x40000  }
.LBB2_24:
0x28a: {  	s0 =	simm.s32 $0x15840  }
0x28b: {  	s23 =	simm.s32 $0x16040;
	v18 =	vld [tilespmem:s0+$0x30]  }
0x28c: {  	v22 =	vld [tilespmem:s23+$0x30]  }
0x28d: {  	v23 =	vld [tilespmem:s0+$0x20]  }
0x28e: {  	v24 =	vld [tilespmem:s23+$0x20]  }
0x28f: {  	v9 =	vld [tilespmem:s0+$0x10]  }
0x290: {  	v10 =	vld [tilespmem:s23+$0x10]  }
0x291: {  	v12 =	vld [tilespmem:s0+$0x0]  }
0x292: {  	v11 =	vld [tilespmem:s23+$0x0]  }
0x293: {  	v14 =	vld [tilespmem:s0+$0xFFFFFFF0]  }
0x294: {  	v17 =	vld [tilespmem:s23+$0xFFFFFFF0]  }
0x295: {  	v15 =	vld [tilespmem:s0+$0xFFFFFFE0]  }
0x296: {  	v16 =	vld [tilespmem:s0+$0xFFFFFFD0]  }
0x297: {  	s21 =	sshrl.u32 s24, $0x1;
	v20 =	vld [tilespmem:s0+$0xFFFFFFC0]  }
0x298: {  	s21 =	sadd.s32 s19, s21;
	v21 =	vld [tilespmem:s23+$0xFFFFFFC0]  }
0x299: {  	v13 =	vimm.s32 $0x0;
	v19 =	vld [tilespmem:s23+$0xFFFFFFD0];
	v8 =	vmov s21;
	vm6 =	veq.s32 v18, v7  }
0x29a: {  	s24 =	simm.s32 $0x0;
	s25 =	simm.s32 $0x158C0;
	v18 =	vld [tilespmem:s23+$0xFFFFFFE0];
	vm8 =	veq.s32 v23, v7;
	vm9 =	vle.s32 v24, v8;
	vm7 =	vle.s32 v22, v8  }
.LBB2_25:
0x29b: {  	v22 =	vld [tilespmem:s25+$0x30];
	vm12 =	veq.s32 v12, v7;
	vm10 =	veq.s32 v9, v7;
	vm11 =	vle.s32 v10, v8;
	s23 =	sadd.s32 $0x80, s23  }
0x29c: {  	vm13 =	veq.s32 v14, v7;
	vm14 =	vle.s32 v17, v8;
	vm15 =	vle.s32 v11, v8;
	v23 =	vld [tilespmem:s23+$0x30]  }
0x29d: {  	vm3 =	veq.s32 v15, v7;
	vm5 =	veq.s32 v20, v7;
	v24 =	vld [tilespmem:s25+$0x20];
	vm2 =	vle.s32 v21, v8  }
0x29e: {  	v25 =	vld [tilespmem:s23+$0x20];
	vm2 =	vmand vm5, vm2;
	vm5 =	veq.s32 v16, v7;
	vm0 =	vle.s32 v19, v8  }
0x29f: {  	v9 =	vld [tilespmem:s25+$0x10];
	v11 =	vsel vm2, $0x1, v2;
	vm0 =	vmand vm5, vm0;
	vm2 =	vle.s32 v18, v8  }
0x2a0: {  	v10 =	vld [tilespmem:s23+$0x10];
	v11 =	vadd.s32 v11, v13;
	v13 =	vsel vm0, $0x1, v2;
	vm0 =	vmand vm3, vm2  }
0x2a1: {  	v12 =	vld [tilespmem:s25+$0x0];
	v13 =	vadd.s32 v13, v11;
	v14 =	vsel vm0, $0x1, v2;
	vm0 =	vmand vm13, vm14  }
0x2a2: {  	v11 =	vld [tilespmem:s23+$0x0];
	v13 =	vadd.s32 v14, v13;
	v15 =	vsel vm0, $0x1, v2;
	vm0 =	vmand vm12, vm15  }
0x2a3: {  	v14 =	vld [tilespmem:s25+$0xFFFFFFF0];
	v13 =	vadd.s32 v15, v13;
	v15 =	vsel vm0, $0x1, v2;
	vm0 =	vmand vm10, vm11  }
0x2a4: {  	s24 =	sadd.s32 $0x8, s24;
	v17 =	vld [tilespmem:s23+$0xFFFFFFF0];
	v13 =	vadd.s32 v15, v13;
	v16 =	vsel vm0, $0x1, v2;
	vm0 =	vmand vm8, vm9  }
0x2a5: {  	p1 =	slt.u32 s24, $0x78;
	v15 =	vld [tilespmem:s25+$0xFFFFFFE0];
	v13 =	vadd.s32 v16, v13;
	v18 =	vsel vm0, $0x1, v2;
	vm0 =	vmand vm6, vm7  }
.Ltmp16:
0x2a6: {  	v16 =	vld [tilespmem:s25+$0xFFFFFFD0];
	v13 =	vadd.s32 v18, v13;
	v18 =	vsel vm0, $0x1, v2;
	(pc) =	sbr.rel @p1 .LBB2_25-.Ltmp16, $4  }
0x2a7: {  	v20 =	vld [tilespmem:s25+$0xFFFFFFC0];
	v13 =	vadd.s32 v18, v13  }
0x2a8: {  	v21 =	vld [tilespmem:s23+$0xFFFFFFC0]  }
0x2a9: {  	vm6 =	veq.s32 v22, v7;
	v19 =	vld [tilespmem:s23+$0xFFFFFFD0]  }
0x2aa: {  	vm8 =	veq.s32 v24, v7;
	vm9 =	vle.s32 v25, v8;
	vm7 =	vle.s32 v23, v8;
	s25 =	sadd.s32 $0x80, s25;
	v18 =	vld [tilespmem:s23+$0xFFFFFFE0]  }
0x2ab: {  	vm0 =	veq.s32 v12, v7;
	vm2 =	veq.s32 v9, v7;
	vm3 =	vle.s32 v10, v8  }
0x2ac: {  	vm5 =	veq.s32 v14, v7;
	vm10 =	vle.s32 v17, v8;
	vm11 =	vle.s32 v11, v8  }
0x2ad: {  	vm14 =	veq.s32 v15, v7;
	vm12 =	veq.s32 v20, v7;
	vm13 =	vle.s32 v21, v8  }
0x2ae: {  	vm12 =	vmand vm12, vm13;
	vm13 =	veq.s32 v16, v7;
	vm15 =	vle.s32 v19, v8  }
0x2af: {  	v56 =	vsel vm12, $0x1, v2;
	vm12 =	vmand vm13, vm15;
	vm13 =	vle.s32 v18, v8  }
0x2b0: {  	v8 =	vadd.s32 v56, v13;
	v57 =	vsel vm12, $0x1, v2;
	vm12 =	vmand vm14, vm13  }
0x2b1: {  	vm5 =	vmand vm5, vm10;
	v8 =	vadd.s32 v57, v8;
	v58 =	vsel vm12, $0x1, v2  }
0x2b2: {  	vm0 =	vmand vm0, vm11;
	v59 =	vsel vm5, $0x1, v2;
	v8 =	vadd.s32 v58, v8  }
0x2b3: {  	v60 =	vsel vm0, $0x1, v2;
	vm0 =	vmand vm2, vm3;
	v8 =	vadd.s32 v59, v8  }
0x2b4: {  	v61 =	vsel vm0, $0x1, v2;
	vm0 =	vmand vm8, vm9;
	v8 =	vadd.s32 v60, v8  }
0x2b5: {  	v62 =	vsel vm0, $0x1, v2;
	vm0 =	vmand vm6, vm7;
	v8 =	vadd.s32 v61, v8  }
0x2b6: {  	v63 =	vsel vm0, $0x1, v2;
	v8 =	vadd.s32 v62, v8  }
0x2b7: {  	v8 =	vadd.s32 v63, v8  }
0x2b8: {  	(xrf0) =	vadd.scan.msk.s32 $0xffff, v8;
	_ =	sdelay $0x5  }
0x2b9: {  	v8, _, _ =	vpop (xrf0)  }
0x2ba: {  	(v2sf) =	vpush v8, $0xF;
	_ =	sdelay $0xe  }
0x2bb: {  	s0 =	spop (v2sf)  }
0x2bc: {  	p1 =	slt.s32 s0, s17  }
0x2bd: {  	s19 =	smov.u32 @p1 s21;
	s21 =	smov.u32 @p1 s20  }
0x2be: {  	s24 =	ssub.s32 s21, s19  }
0x2bf: {  	p1 =	sgt.s32 s24, $0x1  }
.Ltmp17:
0x2c0: {  	_ = 	snop;
	(pc) =	sbr.rel @p1 .LBB2_24-.Ltmp17, $4  }
.Ltmp18:
0x2c1: {  	_ = 	snop;
	(pc) =	sbr.rel @!p1 .LBB2_27-.Ltmp18, $4  }
0x2c2: {  	_ = 	snop  }
0x2c3: {  	_ = 	snop  }
0x2c4: {  	s20 =	smov.u32 s21  }
0x2c5: {  	_ = 	snop  }
.LBB2_29:
0x2c6: {  	_ =	sfence.sel $0x180000  }
0x2c7: {  	[bflag:$0x0] =	sbarrier.arrive $0xFFFF  }
0x2c8: {  	_ =	strace $0x90000047  }
0x2c9: {  	s0 =	stileid.u32;
	[bflag:$0x2] =	sbarrier.arrive $0xFFFF  }
0x2ca: {  	p0 =	sne.s32 s0, $0x0;
	s0 =	rddreg [dreg:$0x7]  }
0x2cb: {  	s0 =	sadd.s32 @!p0 $0x100000, s0  }
0x2cc: {  	[sflag:s0] =	ssyncadd.tile.s32 @!p0 $0x1;
	_ =	shalt  }
.Lfunc_end2:
_tile_overlayer_lowered:
.L_overlay_start_2:
0x2cd: {  	(tag) =	ssettag $0x2  }
0x2ce: {  	s0 =	rddreg [dreg:$0x0];
	s2 =	stileid.u32  }
0x2cf: {  	s1 =	rddreg [dreg:$0x1];
	p0 =	sne.s32 s2, $0x0  }
0x2d0: {  	s3 =	rddreg [dreg:$0x2];
	[bflag:$0x3] =	sbarrier.arrive $0xFFFF;
	s2 =	simm.s32 @!p0 $0x1C02  }
0x2d1: {  	[timem:s3], [sflag:s2] =	dma.local @!p0 [hbm:s0], s1  }
0x2d2: {  	s0 =	simm.s32 @!p0 $0x2  }
0x2d3: {  	_ =	swait.ge @!p0 [sflag:s0], s1  }
0x2d4: {  	s1 =	ssub.s32 @!p0 $0x0, s1;
	[sflag:s0] =	ssyncset.done @!p0 $0x0  }
0x2d5: {  	[sflag:s0] =	ssyncadd.s32 @!p0 s1  }
0x2d6: {  	[bflag:$0x3] =	sbarrier.arrive $0xFFFF  }
0x2d7: {  	_ =	shalt  }

</sc_bundles>
